<compile_context>
chip_gen: v7x
topology: tpu7x:2x2x1
jax: 0.10.2.dev20260603
libtpu: 0.0.44.dev20260713+nightly
codegen_flags: <defaults>
</compile_context>

<pallas_src>
import functools

import jax
import jax.numpy as jnp
from jax import lax
from jax.experimental import pallas as pl
from jax.experimental.pallas import tpu as pltpu
from jax.experimental.pallas import tpu_sc as plsc

N = 10000
NR = 10240
D_IN = 128
H1 = 400
H2 = 200
D_OUT = 4
W3P = 16
HA = 128
HB = 80
HBR = H2 - HA

NC, NS = 2, 16
NW = NC * NS
CH = 100
E = 320000
CPT = 100
RPT = NR // NS
ZR = 16


def _fill_rows(ref, n_rows, width, value):
    vv = jnp.full((16,), value, jnp.float32)

    def row(i, _):
        for k in range(width // 16):
            ref[i, pl.ds(k * 16, 16)] = vv
        if width % 16:
            ref[i, pl.ds(width - 16, 16)] = vv
        return 0

    lax.fori_loop(0, n_rows, row, 0, unroll=False)


def _make_edge_scatter(D, n_tables, nbuf):
    mesh = plsc.VectorSubcoreMesh(
        core_axis_name="c", subcore_axis_name="s",
        num_cores=NC, num_subcores=NS)
    with_gather = n_tables > 0
    T = max(n_tables, 1)

    scratch = [
        pltpu.VMEM((CPT, CH), jnp.int32),
        *[pltpu.VMEM((CH, D), jnp.float32) for _ in range(nbuf)],
        pltpu.VMEM((ZR, D), jnp.float32),
        pltpu.VMEM_SHARED((NR, D), jnp.float32),
        *[pltpu.SemaphoreType.DMA for _ in range(2 * nbuf)],
    ]
    if with_gather:
        scratch.insert(0, pltpu.VMEM((CPT, CH), jnp.int32))

    def body(*refs):
        k = 0
        tables = refs[k:k + n_tables]; k += n_tables
        edges = refs[k]; k += 1
        out = refs[k]; k += 1
        if with_gather:
            srcv = refs[k]; k += 1
        dstv = refs[k]; k += 1
        bufs = refs[k:k + nbuf]; k += nbuf
        zbuf = refs[k]; k += 1
        acc = refs[k]; k += 1
        gsem = refs[k:k + nbuf]; k += nbuf
        ssem = refs[k:k + nbuf]; k += nbuf

        c = lax.axis_index("c")
        s = lax.axis_index("s")
        w = s * NC + c
        base = s * RPT

        if with_gather:
            pltpu.sync_copy(edges.at[0, w], srcv)
        pltpu.sync_copy(edges.at[1, w], dstv)
        _fill_rows(zbuf, ZR, D, 0.0)
        if not with_gather:
            _fill_rows(bufs[0], CH, D, 1.0)

        def zero_acc():
            def zslice(j, _):
                pltpu.sync_copy(zbuf, acc.at[pl.ds(base + j * ZR, ZR)])
                return 0
            lax.fori_loop(0, RPT // ZR, zslice, 0, unroll=False)

        def scat_start(j, b):
            pltpu.async_copy(bufs[b], acc.at[dstv.at[j]], ssem[b], add=True)

        def scat_wait(b):
            pltpu.make_async_copy(bufs[b], acc.at[pl.ds(0, CH)],
                                  ssem[b]).wait()

        for t in range(T):
            zero_acc()
            plsc.subcore_barrier()

            if with_gather:
                table = tables[t]

                def gath(j, b):
                    pltpu.async_copy(table.at[srcv.at[j]], bufs[b], gsem[b])

                def gath_wait(b):
                    pltpu.make_async_copy(table.at[pl.ds(0, CH)], bufs[b],
                                          gsem[b]).wait()

                def scat(j, b):
                    pltpu.sync_copy(bufs[b], acc.at[dstv.at[j]], add=True)

                for b in range(nbuf):
                    gath(b, b)

                def rnd(r, _):
                    j0 = r * nbuf
                    for b in range(nbuf):
                        gath_wait(b)
                        scat(j0 + b, b)
                        gath(jnp.minimum(j0 + nbuf + b, CPT - 1), b)
                    return 0

                lax.fori_loop(0, CPT // nbuf, rnd, 0, unroll=False)
                for b in range(nbuf):
                    gath_wait(b)
            else:
                W = 8

                def fire(j, _):
                    scat_start(j, 0)
                    @pl.when(j >= W)
                    def _():
                        scat_wait(0)
                    return 0

                lax.fori_loop(0, CPT, fire, 0, unroll=False)

                def drain(j, _):
                    scat_wait(0)
                    return 0

                lax.fori_loop(0, W, drain, 0, unroll=False)

            plsc.subcore_barrier()
            pltpu.sync_copy(acc.at[pl.ds(base, RPT)],
                            out.at[c, t, pl.ds(base, RPT)])
            if t + 1 < T:
                plsc.subcore_barrier()

    return pl.kernel(
        body,
        out_type=jax.ShapeDtypeStruct((NC, T, NR, D), jnp.float32),
        mesh=mesh,
        scratch_types=scratch,
        compiler_params=pltpu.CompilerParams(use_tc_tiling_on_sc=False),
    )


_count_edges = _make_edge_scatter(W3P, n_tables=0, nbuf=1)
_scatter128 = _make_edge_scatter(D_IN, n_tables=1, nbuf=2)
_scatter80 = _make_edge_scatter(HB, n_tables=1, nbuf=2)
_scatter16 = _make_edge_scatter(W3P, n_tables=1, nbuf=4)



_R = 1024
_G = NR // _R


def _k2_body(cnt0, cnt1, xb, dinv_o, y1_o):
    i = pl.program_id(0)
    rows = lax.broadcasted_iota(jnp.int32, (_R, 1), 0) + i * _R
    deg = 1.0 + cnt0[0, 0][:, 0:1] + cnt1[0, 0][:, 0:1]
    dv = jnp.where(rows < N, lax.rsqrt(deg), 0.0)
    dinv_o[...] = dv
    y1_o[...] = dv * xb[...]


def _k4_body(y1, p0, p1, dinv, w1, b1, w2, y2a_o, y2b_o):
    dv = dinv[...]
    agg = dv * (y1[...] + p0[0, 0] + p1[0, 0])
    h1 = jnp.maximum(
        jnp.dot(agg, w1[...], preferred_element_type=jnp.float32) + b1[...], 0.0)
    z2 = jnp.dot(h1.astype(jnp.bfloat16), w2[...].astype(jnp.bfloat16),
                 preferred_element_type=jnp.float32)
    y2 = dv * z2
    zpad = jnp.zeros((_R, HB - HBR), jnp.float32)
    y2a_o[...] = y2[:, :HA]
    y2b_o[...] = jnp.concatenate([y2[:, HA:], zpad], axis=1)


def _k6_body(y2a, y2b, pa0, pa1, pb0, pb1, dinv, b2, w3p, y3_o):
    dv = dinv[...]
    ya = y2a[...] + pa0[0, 0] + pa1[0, 0]
    yb = y2b[...] + pb0[0, 0] + pb1[0, 0]
    acc = jnp.concatenate([ya, yb[:, :HBR]], axis=1)
    h2 = jnp.maximum(dv * acc + b2[...], 0.0)
    z3 = jnp.dot(h2, w3p[...], preferred_element_type=jnp.float32)
    y3_o[...] = dv * z3


def _k8_body(y3, p0, p1, dinv, b3, out):
    dv = dinv[...]
    agg = dv * (y3[...] + p0[0, 0] + p1[0, 0])
    out[...] = jnp.maximum(agg[:, 0:D_OUT] + b3[...], 0.0)


def _rows_spec(d):
    return pl.BlockSpec((_R, d), lambda i: (i, 0))


def _part_spec(d, c, t, rows=None):
    r = _R if rows is None else rows
    return pl.BlockSpec((1, 1, r, d), lambda i: (c, t, i, 0))


def _whole_spec(shape):
    return pl.BlockSpec(shape, lambda i: tuple(0 for _ in shape))


_k2 = pl.pallas_call(
    _k2_body,
    grid=(_G,),
    in_specs=[_part_spec(W3P, 0, 0), _part_spec(W3P, 1, 0), _rows_spec(D_IN)],
    out_specs=[_rows_spec(1), _rows_spec(D_IN)],
    out_shape=[
        jax.ShapeDtypeStruct((NR, 1), jnp.float32),
        jax.ShapeDtypeStruct((NR, D_IN), jnp.float32),
    ],
)

_k4 = pl.pallas_call(
    _k4_body,
    grid=(_G,),
    in_specs=[
        _rows_spec(D_IN), _part_spec(D_IN, 0, 0), _part_spec(D_IN, 1, 0),
        _rows_spec(1),
        _whole_spec((D_IN, H1)), _whole_spec((1, H1)), _whole_spec((H1, H2)),
    ],
    out_specs=[_rows_spec(HA), _rows_spec(HB)],
    out_shape=[
        jax.ShapeDtypeStruct((NR, HA), jnp.float32),
        jax.ShapeDtypeStruct((NR, HB), jnp.float32),
    ],
)

_k6 = pl.pallas_call(
    _k6_body,
    grid=(_G,),
    in_specs=[
        _rows_spec(HA), _rows_spec(HB),
        _part_spec(HA, 0, 0), _part_spec(HA, 1, 0),
        _part_spec(HB, 0, 0), _part_spec(HB, 1, 0),
        _rows_spec(1),
        _whole_spec((1, H2)), _whole_spec((H2, W3P)),
    ],
    out_specs=[_rows_spec(W3P)],
    out_shape=[jax.ShapeDtypeStruct((NR, W3P), jnp.float32)],
)

_R8 = 2000

_k8 = pl.pallas_call(
    _k8_body,
    grid=(N // _R8,),
    in_specs=[
        pl.BlockSpec((_R8, W3P), lambda i: (i, 0)),
        _part_spec(W3P, 0, 0, rows=_R8),
        _part_spec(W3P, 1, 0, rows=_R8),
        pl.BlockSpec((_R8, 1), lambda i: (i, 0)),
        _whole_spec((1, D_OUT)),
    ],
    out_specs=[pl.BlockSpec((_R8, D_OUT), lambda i: (i, 0))],
    out_shape=[jax.ShapeDtypeStruct((N, D_OUT), jnp.float32)],
)


def kernel(x, edge_index, W1, b1, W2, b2, W3, b3):
    edges = edge_index.reshape(2, NW, CPT, CH)

    x_pad = jnp.concatenate([x, jnp.zeros((NR - N, D_IN), jnp.float32)])
    w3p = jnp.pad(W3, ((0, 0), (0, W3P - D_OUT)))

    cnt = _count_edges(edges)
    dinv, y1 = _k2(cnt, cnt, x_pad)
    p1 = _scatter128(y1, edges)
    y2a, y2b = _k4(y1, p1, p1, dinv, W1,
                   b1.reshape(1, H1), W2)
    p2a = _scatter128(y2a, edges)
    p2a, y2b = lax.optimization_barrier((p2a, y2b))
    p2b = _scatter80(y2b, edges)
    (y3,) = _k6(y2a, y2b, p2a, p2a, p2b, p2b,
                dinv, b2.reshape(1, H2), w3p)
    p3 = _scatter16(y3, edges)
    (out,) = _k8(y3, p3, p3, dinv, b3.reshape(1, D_OUT))
    return out

# --- scband reference (transcript-rebuilt; emitter-appended) ---
"""Pipeline reference for scband-l3-sgconv-84859963834429 (READ-ONLY COPY).

The authoritative reference and input builder live on the scoring server;
editing this copy changes nothing except your own understanding.
"""

import jax, jax.numpy as jnp
import numpy as np

N = 10000
E = 320000
D_IN = 128
MAX_CHANNELS = 100
D_OUT = 4
H1 = MAX_CHANNELS * D_OUT          # 400
H2 = (MAX_CHANNELS // 2) * D_OUT   # 200


def setup_inputs(seed: int = 0) -> dict:
    key = jax.random.key(seed)
    ks = jax.random.split(key, 8)
    x = jax.random.normal(ks[0], (N, D_IN), dtype=jnp.float32)
    edge_index = jax.random.randint(ks[1], (2, E), 0, N, dtype=jnp.int32)
    W1 = jax.random.normal(ks[2], (D_IN, H1), dtype=jnp.float32) * (1.0 / np.sqrt(D_IN))
    b1 = jnp.zeros((H1,), dtype=jnp.float32)
    W2 = jax.random.normal(ks[3], (H1, H2), dtype=jnp.float32) * (1.0 / np.sqrt(H1))
    b2 = jnp.zeros((H2,), dtype=jnp.float32)
    W3 = jax.random.normal(ks[4], (H2, D_OUT), dtype=jnp.float32) * (1.0 / np.sqrt(H2))
    b3 = jnp.zeros((D_OUT,), dtype=jnp.float32)
    return {"x": x, "edge_index": edge_index, "W1": W1, "b1": b1, "W2": W2, "b2": b2, "W3": W3, "b3": b3}


def sg_conv(x, edge_index, W, b):
    # SGConv with K=1: x' = D^-1/2 (A+I) D^-1/2 x, then linear
    src = edge_index[0]
    dst = edge_index[1]
    n = x.shape[0]
    loop = jnp.arange(n, dtype=src.dtype)
    src2 = jnp.concatenate([src, loop])
    dst2 = jnp.concatenate([dst, loop])
    deg = jnp.zeros((n,), dtype=x.dtype).at[dst2].add(1.0)
    dinv = jax.lax.rsqrt(deg)  # deg >= 1 because of self-loops
    norm = dinv[src2] * dinv[dst2]
    msg = x[src2] * norm[:, None]
    agg = jnp.zeros_like(x).at[dst2].add(msg)
    return agg @ W + b


def reference(x, edge_index, W1, b1, W2, b2, W3, b3):
    # dropout (p=0.1) is identity in eval/inference mode
    h = jax.nn.relu(sg_conv(x, edge_index, W1, b1))
    h = jax.nn.relu(sg_conv(h, edge_index, W2, b2))
    h = jax.nn.relu(sg_conv(h, edge_index, W3, b3))
    return h

if __name__ == "__main__":
    import jax
    _d = setup_inputs()
    print(jax.jit(kernel)(*tuple(_d.values())))

</pallas_src>

<mosaic_0001>
#map = affine_map<(d0, d1) -> (0, 0)>
#map1 = affine_map<(d0, d1) -> (0, 0, 0, 0)>
module attributes {stable_mosaic.version = 14 : i64} {
  func.func @body(%arg0: i32, %arg1: i32, %arg2: memref<10240x128xf32, #tpu.memory_space<hbm>>, %arg3: memref<2x32x100x100xi32, #tpu.memory_space<hbm>>, %arg4: memref<2x1x10240x128xf32, #tpu.memory_space<hbm>>, %arg5: memref<100x100xi32, #tpu.memory_space<vmem>>, %arg6: memref<100x100xi32, #tpu.memory_space<vmem>>, %arg7: memref<100x128xf32, #tpu.memory_space<vmem>>, %arg8: memref<100x128xf32, #tpu.memory_space<vmem>>, %arg9: memref<16x128xf32, #tpu.memory_space<vmem>>, %arg10: memref<10240x128xf32, #tpu.memory_space<vmem_shared>>, %arg11: memref<!tpu.dma_semaphore, #tpu.memory_space<semaphore_mem>>, %arg12: memref<!tpu.dma_semaphore, #tpu.memory_space<semaphore_mem>>, %arg13: memref<!tpu.dma_semaphore, #tpu.memory_space<semaphore_mem>>, %arg14: memref<!tpu.dma_semaphore, #tpu.memory_space<semaphore_mem>>) attributes {dimension_semantics = [#tpu.dimension_semantics<core_parallel>, #tpu.dimension_semantics<subcore_parallel>], iteration_bounds = array<i64: 2, 16>, scalar_prefetch = 0 : i64, scratch_operands = 10 : i64, tpu.core_type = #tpu.core_type<sc_vector_subcore>, window_params = [{transform_indices = #map}, {transform_indices = #map1}, {transform_indices = #map1}]} {
    %mul3A = arith.constant 2 : i32
    %mul3A_0 = arith.muli %arg1, %mul3A : i32
    %add3A = arith.addi %mul3A_0, %arg0 : i32
    %mul3A_1 = arith.constant 640 : i32
    %mul3A_2 = arith.muli %arg1, %mul3A_1 : i32
    %run_scoped3A = arith.constant 0 : i32
    "tpu.region"() ({
      %run_scoped3A_51 = tpu.sem_alloc : memref<!tpu.dma_semaphore, #tpu.memory_space<semaphore_mem>>
      %dma_start3A_52 = arith.constant 0 : i32
      %dma_start3A_53 = arith.constant 0 : i32
      %dma_start3A_54 = tpu.memref_slice %arg3[%run_scoped3A, %add3A, %dma_start3A_52, %dma_start3A_53] : memref<2x32x100x100xi32, #tpu.memory_space<hbm>> -> memref<1x1x100x100xi32, #tpu.memory_space<hbm>>
      %dma_start3A_55 = tpu.memref_squeeze %dma_start3A_54 : memref<1x1x100x100xi32, #tpu.memory_space<hbm>> -> memref<100x100xi32, #tpu.memory_space<hbm>>
      %dma_start3A_56 = arith.constant 0 : i32
      %dma_start3A_57 = arith.constant 0 : i32
      %dma_start3A_58 = tpu.memref_slice %arg3[%run_scoped3A, %add3A, %dma_start3A_56, %dma_start3A_57] : memref<2x32x100x100xi32, #tpu.memory_space<hbm>> -> memref<1x1x100x100xi32, #tpu.memory_space<hbm>>
      %dma_start3A_59 = tpu.memref_squeeze %dma_start3A_58 : memref<1x1x100x100xi32, #tpu.memory_space<hbm>> -> memref<100x100xi32, #tpu.memory_space<hbm>>
      tpu.enqueue_dma source(%dma_start3A_59 : memref<100x100xi32, #tpu.memory_space<hbm>>) target(%arg5 : memref<100x100xi32, #tpu.memory_space<vmem>>) target_semaphore(%run_scoped3A_51 : memref<!tpu.dma_semaphore, #tpu.memory_space<semaphore_mem>>)
      %dma_wait3A_60 = arith.constant 0 : i32
      %dma_wait3A_61 = arith.constant 0 : i32
      %dma_wait3A_62 = tpu.memref_slice %arg3[%run_scoped3A, %add3A, %dma_wait3A_60, %dma_wait3A_61] : memref<2x32x100x100xi32, #tpu.memory_space<hbm>> -> memref<1x1x100x100xi32, #tpu.memory_space<hbm>>
      %dma_wait3A_63 = tpu.memref_squeeze %dma_wait3A_62 : memref<1x1x100x100xi32, #tpu.memory_space<hbm>> -> memref<100x100xi32, #tpu.memory_space<hbm>>
      %dma_wait3A_64 = arith.constant 0 : i32
      %dma_wait3A_65 = arith.constant 0 : i32
      %dma_wait3A_66 = tpu.memref_slice %arg3[%run_scoped3A, %add3A, %dma_wait3A_64, %dma_wait3A_65] : memref<2x32x100x100xi32, #tpu.memory_space<hbm>> -> memref<1x1x100x100xi32, #tpu.memory_space<hbm>>
      %dma_wait3A_67 = tpu.memref_squeeze %dma_wait3A_66 : memref<1x1x100x100xi32, #tpu.memory_space<hbm>> -> memref<100x100xi32, #tpu.memory_space<hbm>>
      tpu.wait_dma2 semaphore(%run_scoped3A_51 : memref<!tpu.dma_semaphore, #tpu.memory_space<semaphore_mem>>) src(%dma_wait3A_67 : memref<100x100xi32, #tpu.memory_space<hbm>>) dst(%arg5 : memref<100x100xi32, #tpu.memory_space<vmem>>)
      tpu.yield
    }) : () -> ()
    %run_scoped3A_3 = arith.constant 1 : i32
    "tpu.region"() ({
      %run_scoped3A_51 = tpu.sem_alloc : memref<!tpu.dma_semaphore, #tpu.memory_space<semaphore_mem>>
      %dma_start3A_52 = arith.constant 0 : i32
      %dma_start3A_53 = arith.constant 0 : i32
      %dma_start3A_54 = tpu.memref_slice %arg3[%run_scoped3A_3, %add3A, %dma_start3A_52, %dma_start3A_53] : memref<2x32x100x100xi32, #tpu.memory_space<hbm>> -> memref<1x1x100x100xi32, #tpu.memory_space<hbm>>
      %dma_start3A_55 = tpu.memref_squeeze %dma_start3A_54 : memref<1x1x100x100xi32, #tpu.memory_space<hbm>> -> memref<100x100xi32, #tpu.memory_space<hbm>>
      %dma_start3A_56 = arith.constant 0 : i32
      %dma_start3A_57 = arith.constant 0 : i32
      %dma_start3A_58 = tpu.memref_slice %arg3[%run_scoped3A_3, %add3A, %dma_start3A_56, %dma_start3A_57] : memref<2x32x100x100xi32, #tpu.memory_space<hbm>> -> memref<1x1x100x100xi32, #tpu.memory_space<hbm>>
      %dma_start3A_59 = tpu.memref_squeeze %dma_start3A_58 : memref<1x1x100x100xi32, #tpu.memory_space<hbm>> -> memref<100x100xi32, #tpu.memory_space<hbm>>
      tpu.enqueue_dma source(%dma_start3A_59 : memref<100x100xi32, #tpu.memory_space<hbm>>) target(%arg6 : memref<100x100xi32, #tpu.memory_space<vmem>>) target_semaphore(%run_scoped3A_51 : memref<!tpu.dma_semaphore, #tpu.memory_space<semaphore_mem>>)
      %dma_wait3A_60 = arith.constant 0 : i32
      %dma_wait3A_61 = arith.constant 0 : i32
      %dma_wait3A_62 = tpu.memref_slice %arg3[%run_scoped3A_3, %add3A, %dma_wait3A_60, %dma_wait3A_61] : memref<2x32x100x100xi32, #tpu.memory_space<hbm>> -> memref<1x1x100x100xi32, #tpu.memory_space<hbm>>
      %dma_wait3A_63 = tpu.memref_squeeze %dma_wait3A_62 : memref<1x1x100x100xi32, #tpu.memory_space<hbm>> -> memref<100x100xi32, #tpu.memory_space<hbm>>
      %dma_wait3A_64 = arith.constant 0 : i32
      %dma_wait3A_65 = arith.constant 0 : i32
      %dma_wait3A_66 = tpu.memref_slice %arg3[%run_scoped3A_3, %add3A, %dma_wait3A_64, %dma_wait3A_65] : memref<2x32x100x100xi32, #tpu.memory_space<hbm>> -> memref<1x1x100x100xi32, #tpu.memory_space<hbm>>
      %dma_wait3A_67 = tpu.memref_squeeze %dma_wait3A_66 : memref<1x1x100x100xi32, #tpu.memory_space<hbm>> -> memref<100x100xi32, #tpu.memory_space<hbm>>
      tpu.wait_dma2 semaphore(%run_scoped3A_51 : memref<!tpu.dma_semaphore, #tpu.memory_space<semaphore_mem>>) src(%dma_wait3A_67 : memref<100x100xi32, #tpu.memory_space<hbm>>) dst(%arg6 : memref<100x100xi32, #tpu.memory_space<vmem>>)
      tpu.yield
    }) : () -> ()
    %broadcast_in_dim3A = arith.constant 0.000000e+00 : f32
    %broadcast_in_dim3A_4 = vector.broadcast %broadcast_in_dim3A : f32 to vector<16xf32>
    %scan3A = arith.constant 0 : i32
    %scan3A_5 = arith.constant 0 : i32
    %scan3A_6 = arith.constant 16 : i32
    %scan3A_7 = arith.addi %scan3A_5, %scan3A_6 : i32
    %scan3A_8 = arith.constant 1 : i32
    %scan3A_9 = scf.for %scan3A_51 = %scan3A_5 to %scan3A_7 step %scan3A_8 iter_args(%scan3A_52 = %scan3A) -> (i32)  : i32 {
      %swap3A = arith.index_cast %scan3A_51 : i32 to index
      %swap3A_53 = arith.constant 0 : index
      %swap3A_54 = tpu.vector_load %arg9[%swap3A, %swap3A_53] {strides = array<i32>} : memref<16x128xf32, #tpu.memory_space<vmem>>, vector<1x16xf32>,
      %swap3A_55 = vector.shape_cast %swap3A_54 : vector<1x16xf32> to vector<16xf32>
      %swap3A_56 = vector.shape_cast %broadcast_in_dim3A_4 : vector<16xf32> to vector<1x16xf32>
      tpu.vector_store %arg9[%swap3A, %swap3A_53], %swap3A_56 {strides = array<i32>} : memref<16x128xf32, #tpu.memory_space<vmem>>, vector<1x16xf32>,
      %swap3A_57 = arith.index_cast %scan3A_51 : i32 to index
      %swap3A_58 = arith.constant 16 : index
      %swap3A_59 = tpu.vector_load %arg9[%swap3A_57, %swap3A_58] {strides = array<i32>} : memref<16x128xf32, #tpu.memory_space<vmem>>, vector<1x16xf32>,
      %swap3A_60 = vector.shape_cast %swap3A_59 : vector<1x16xf32> to vector<16xf32>
      %swap3A_61 = vector.shape_cast %broadcast_in_dim3A_4 : vector<16xf32> to vector<1x16xf32>
      tpu.vector_store %arg9[%swap3A_57, %swap3A_58], %swap3A_61 {strides = array<i32>} : memref<16x128xf32, #tpu.memory_space<vmem>>, vector<1x16xf32>,
      %swap3A_62 = arith.index_cast %scan3A_51 : i32 to index
      %swap3A_63 = arith.constant 32 : index
      %swap3A_64 = tpu.vector_load %arg9[%swap3A_62, %swap3A_63] {strides = array<i32>} : memref<16x128xf32, #tpu.memory_space<vmem>>, vector<1x16xf32>,
      %swap3A_65 = vector.shape_cast %swap3A_64 : vector<1x16xf32> to vector<16xf32>
      %swap3A_66 = vector.shape_cast %broadcast_in_dim3A_4 : vector<16xf32> to vector<1x16xf32>
      tpu.vector_store %arg9[%swap3A_62, %swap3A_63], %swap3A_66 {strides = array<i32>} : memref<16x128xf32, #tpu.memory_space<vmem>>, vector<1x16xf32>,
      %swap3A_67 = arith.index_cast %scan3A_51 : i32 to index
      %swap3A_68 = arith.constant 48 : index
      %swap3A_69 = tpu.vector_load %arg9[%swap3A_67, %swap3A_68] {strides = array<i32>} : memref<16x128xf32, #tpu.memory_space<vmem>>, vector<1x16xf32>,
      %swap3A_70 = vector.shape_cast %swap3A_69 : vector<1x16xf32> to vector<16xf32>
      %swap3A_71 = vector.shape_cast %broadcast_in_dim3A_4 : vector<16xf32> to vector<1x16xf32>
      tpu.vector_store %arg9[%swap3A_67, %swap3A_68], %swap3A_71 {strides = array<i32>} : memref<16x128xf32, #tpu.memory_space<vmem>>, vector<1x16xf32>,
      %swap3A_72 = arith.index_cast %scan3A_51 : i32 to index
      %swap3A_73 = arith.constant 64 : index
      %swap3A_74 = tpu.vector_load %arg9[%swap3A_72, %swap3A_73] {strides = array<i32>} : memref<16x128xf32, #tpu.memory_space<vmem>>, vector<1x16xf32>,
      %swap3A_75 = vector.shape_cast %swap3A_74 : vector<1x16xf32> to vector<16xf32>
      %swap3A_76 = vector.shape_cast %broadcast_in_dim3A_4 : vector<16xf32> to vector<1x16xf32>
      tpu.vector_store %arg9[%swap3A_72, %swap3A_73], %swap3A_76 {strides = array<i32>} : memref<16x128xf32, #tpu.memory_space<vmem>>, vector<1x16xf32>,
      %swap3A_77 = arith.index_cast %scan3A_51 : i32 to index
      %swap3A_78 = arith.constant 80 : index
      %swap3A_79 = tpu.vector_load %arg9[%swap3A_77, %swap3A_78] {strides = array<i32>} : memref<16x128xf32, #tpu.memory_space<vmem>>, vector<1x16xf32>,
      %swap3A_80 = vector.shape_cast %swap3A_79 : vector<1x16xf32> to vector<16xf32>
      %swap3A_81 = vector.shape_cast %broadcast_in_dim3A_4 : vector<16xf32> to vector<1x16xf32>
      tpu.vector_store %arg9[%swap3A_77, %swap3A_78], %swap3A_81 {strides = array<i32>} : memref<16x128xf32, #tpu.memory_space<vmem>>, vector<1x16xf32>,
      %swap3A_82 = arith.index_cast %scan3A_51 : i32 to index
      %swap3A_83 = arith.constant 96 : index
      %swap3A_84 = tpu.vector_load %arg9[%swap3A_82, %swap3A_83] {strides = array<i32>} : memref<16x128xf32, #tpu.memory_space<vmem>>, vector<1x16xf32>,
      %swap3A_85 = vector.shape_cast %swap3A_84 : vector<1x16xf32> to vector<16xf32>
      %swap3A_86 = vector.shape_cast %broadcast_in_dim3A_4 : vector<16xf32> to vector<1x16xf32>
      tpu.vector_store %arg9[%swap3A_82, %swap3A_83], %swap3A_86 {strides = array<i32>} : memref<16x128xf32, #tpu.memory_space<vmem>>, vector<1x16xf32>,
      %swap3A_87 = arith.index_cast %scan3A_51 : i32 to index
      %swap3A_88 = arith.constant 112 : index
      %swap3A_89 = tpu.vector_load %arg9[%swap3A_87, %swap3A_88] {strides = array<i32>} : memref<16x128xf32, #tpu.memory_space<vmem>>, vector<1x16xf32>,
      %swap3A_90 = vector.shape_cast %swap3A_89 : vector<1x16xf32> to vector<16xf32>
      %swap3A_91 = vector.shape_cast %broadcast_in_dim3A_4 : vector<16xf32> to vector<1x16xf32>
      tpu.vector_store %arg9[%swap3A_87, %swap3A_88], %swap3A_91 {strides = array<i32>} : memref<16x128xf32, #tpu.memory_space<vmem>>, vector<1x16xf32>,
      %scan3A_92 = arith.constant 0 : i32
      scf.yield %scan3A_92 : i32
    }
    %scan3A_10 = arith.constant 16 : i32
    %scan3A_11 = arith.constant 0 : i32
    %scan3A_12 = arith.constant 0 : i32
    %scan3A_13 = arith.constant 40 : i32
    %scan3A_14 = arith.addi %scan3A_12, %scan3A_13 : i32
    %scan3A_15 = arith.constant 1 : i32
    %scan3A_16 = scf.for %scan3A_51 = %scan3A_12 to %scan3A_14 step %scan3A_15 iter_args(%scan3A_52 = %scan3A_11) -> (i32)  : i32 {
      %mul3A_53 = arith.constant 16 : i32
      %mul3A_54 = arith.muli %scan3A_51, %mul3A_53 : i32
      %add3A_55 = arith.addi %mul3A_2, %mul3A_54 : i32
      "tpu.region"() ({
        %run_scoped3A_57 = tpu.sem_alloc : memref<!tpu.dma_semaphore, #tpu.memory_space<semaphore_mem>>
        %dma_start3A_58 = arith.constant 0 : i32
        %dma_start3A_59 = tpu.memref_slice %arg10[%add3A_55, %dma_start3A_58] : memref<10240x128xf32, #tpu.memory_space<vmem_shared>> -> memref<16x128xf32, #tpu.memory_space<vmem_shared>>
        %dma_start3A_60 = arith.constant 0 : i32
        %dma_start3A_61 = tpu.memref_slice %arg10[%add3A_55, %dma_start3A_60] : memref<10240x128xf32, #tpu.memory_space<vmem_shared>> -> memref<16x128xf32, #tpu.memory_space<vmem_shared>>
        tpu.enqueue_dma source(%arg9 : memref<16x128xf32, #tpu.memory_space<vmem>>) target(%dma_start3A_61 : memref<16x128xf32, #tpu.memory_space<vmem_shared>>) target_semaphore(%run_scoped3A_57 : memref<!tpu.dma_semaphore, #tpu.memory_space<semaphore_mem>>)
        %dma_wait3A_62 = arith.constant 0 : i32
        %dma_wait3A_63 = tpu.memref_slice %arg10[%add3A_55, %dma_wait3A_62] : memref<10240x128xf32, #tpu.memory_space<vmem_shared>> -> memref<16x128xf32, #tpu.memory_space<vmem_shared>>
        %dma_wait3A_64 = arith.constant 0 : i32
        %dma_wait3A_65 = tpu.memref_slice %arg10[%add3A_55, %dma_wait3A_64] : memref<10240x128xf32, #tpu.memory_space<vmem_shared>> -> memref<16x128xf32, #tpu.memory_space<vmem_shared>>
        tpu.wait_dma2 semaphore(%run_scoped3A_57 : memref<!tpu.dma_semaphore, #tpu.memory_space<semaphore_mem>>) src(%arg9 : memref<16x128xf32, #tpu.memory_space<vmem>>) dst(%dma_wait3A_65 : memref<16x128xf32, #tpu.memory_space<vmem_shared>>)
        tpu.yield
      }) : () -> ()
      %scan3A_56 = arith.constant 0 : i32
      scf.yield %scan3A_56 : i32
    }
    %scan3A_17 = arith.constant 40 : i32
    %barrier3A = arith.constant 0 : index
    tpu.barrier barrier_id(%barrier3A)
    %dma_start3A = arith.constant 0 : i32
    %dma_start3A_18 = arith.constant 0 : i32
    %dma_start3A_19 = tpu.memref_slice %arg5[%dma_start3A, %dma_start3A_18] : memref<100x100xi32, #tpu.memory_space<vmem>> -> memref<1x100xi32, #tpu.memory_space<vmem>>
    %dma_start3A_20 = tpu.memref_squeeze %dma_start3A_19 : memref<1x100xi32, #tpu.memory_space<vmem>> -> memref<100xi32, #tpu.memory_space<vmem>>
    %dma_start3A_21 = arith.constant 0 : i32
    %dma_start3A_22 = arith.constant 0 : i32
    %dma_start3A_23 = tpu.memref_slice %arg2[%dma_start3A_21, %dma_start3A_22] : memref<10240x128xf32, #tpu.memory_space<hbm>> -> memref<10240x128xf32, #tpu.memory_space<hbm>>
    tpu.enqueue_indirect_dma source(%dma_start3A_23 : memref<10240x128xf32, #tpu.memory_space<hbm>>) target(%arg7 : memref<100x128xf32, #tpu.memory_space<vmem>>) offsets(%dma_start3A_20 : memref<100xi32, #tpu.memory_space<vmem>>) semaphore(%arg11 : memref<!tpu.dma_semaphore, #tpu.memory_space<semaphore_mem>>)
    %dma_start3A_24 = arith.constant 1 : i32
    %dma_start3A_25 = arith.constant 0 : i32
    %dma_start3A_26 = tpu.memref_slice %arg5[%dma_start3A_24, %dma_start3A_25] : memref<100x100xi32, #tpu.memory_space<vmem>> -> memref<1x100xi32, #tpu.memory_space<vmem>>
    %dma_start3A_27 = tpu.memref_squeeze %dma_start3A_26 : memref<1x100xi32, #tpu.memory_space<vmem>> -> memref<100xi32, #tpu.memory_space<vmem>>
    %dma_start3A_28 = arith.constant 0 : i32
    %dma_start3A_29 = arith.constant 0 : i32
    %dma_start3A_30 = tpu.memref_slice %arg2[%dma_start3A_28, %dma_start3A_29] : memref<10240x128xf32, #tpu.memory_space<hbm>> -> memref<10240x128xf32, #tpu.memory_space<hbm>>
    tpu.enqueue_indirect_dma source(%dma_start3A_30 : memref<10240x128xf32, #tpu.memory_space<hbm>>) target(%arg8 : memref<100x128xf32, #tpu.memory_space<vmem>>) offsets(%dma_start3A_27 : memref<100xi32, #tpu.memory_space<vmem>>) semaphore(%arg12 : memref<!tpu.dma_semaphore, #tpu.memory_space<semaphore_mem>>)
    %scan3A_31 = arith.constant 0 : i32
    %scan3A_32 = arith.constant 0 : i32
    %scan3A_33 = arith.constant 50 : i32
    %scan3A_34 = arith.addi %scan3A_32, %scan3A_33 : i32
    %scan3A_35 = arith.constant 1 : i32
    %scan3A_36 = scf.for %scan3A_51 = %scan3A_32 to %scan3A_34 step %scan3A_35 iter_args(%scan3A_52 = %scan3A_31) -> (i32)  : i32 {
      %mul3A_53 = arith.constant 2 : i32
      %mul3A_54 = arith.muli %scan3A_51, %mul3A_53 : i32
      %dma_wait3A_55 = arith.constant 0 : i32
      %dma_wait3A_56 = arith.constant 0 : i32
      %dma_wait3A_57 = tpu.memref_slice %arg2[%dma_wait3A_55, %dma_wait3A_56] : memref<10240x128xf32, #tpu.memory_space<hbm>> -> memref<100x128xf32, #tpu.memory_space<hbm>>
      %dma_wait3A_58 = arith.constant 0 : i32
      %dma_wait3A_59 = arith.constant 0 : i32
      %dma_wait3A_60 = tpu.memref_slice %arg2[%dma_wait3A_58, %dma_wait3A_59] : memref<10240x128xf32, #tpu.memory_space<hbm>> -> memref<100x128xf32, #tpu.memory_space<hbm>>
      tpu.wait_dma2 semaphore(%arg11 : memref<!tpu.dma_semaphore, #tpu.memory_space<semaphore_mem>>) src(%dma_wait3A_60 : memref<100x128xf32, #tpu.memory_space<hbm>>) dst(%arg7 : memref<100x128xf32, #tpu.memory_space<vmem>>)
      %add3A_61 = arith.constant 0 : i32
      %add3A_62 = arith.addi %mul3A_54, %add3A_61 : i32
      "tpu.region"() ({
        %run_scoped3A_95 = tpu.sem_alloc : memref<!tpu.dma_semaphore, #tpu.memory_space<semaphore_mem>>
        %dma_start3A_96 = arith.constant 0 : i32
        %dma_start3A_97 = tpu.memref_slice %arg6[%add3A_62, %dma_start3A_96] : memref<100x100xi32, #tpu.memory_space<vmem>> -> memref<1x100xi32, #tpu.memory_space<vmem>>
        %dma_start3A_98 = tpu.memref_squeeze %dma_start3A_97 : memref<1x100xi32, #tpu.memory_space<vmem>> -> memref<100xi32, #tpu.memory_space<vmem>>
        %dma_start3A_99 = arith.constant 0 : i32
        %dma_start3A_100 = arith.constant 0 : i32
        %dma_start3A_101 = tpu.memref_slice %arg10[%dma_start3A_99, %dma_start3A_100] : memref<10240x128xf32, #tpu.memory_space<vmem_shared>> -> memref<10240x128xf32, #tpu.memory_space<vmem_shared>>
        tpu.enqueue_indirect_dma source(%arg7 : memref<100x128xf32, #tpu.memory_space<vmem>>) target(%dma_start3A_101 : memref<10240x128xf32, #tpu.memory_space<vmem_shared>>) offsets(%dma_start3A_98 : memref<100xi32, #tpu.memory_space<vmem>>) semaphore(%run_scoped3A_95 : memref<!tpu.dma_semaphore, #tpu.memory_space<semaphore_mem>>) {add = true}
        %dma_wait3A_102 = arith.constant 0 : i32
        %dma_wait3A_103 = tpu.memref_slice %arg6[%add3A_62, %dma_wait3A_102] : memref<100x100xi32, #tpu.memory_space<vmem>> -> memref<1x100xi32, #tpu.memory_space<vmem>>
        %dma_wait3A_104 = tpu.memref_squeeze %dma_wait3A_103 : memref<1x100xi32, #tpu.memory_space<vmem>> -> memref<100xi32, #tpu.memory_space<vmem>>
        %dma_wait3A_105 = arith.constant 0 : i32
        %dma_wait3A_106 = arith.constant 0 : i32
        %dma_wait3A_107 = tpu.memref_slice %arg10[%dma_wait3A_105, %dma_wait3A_106] : memref<10240x128xf32, #tpu.memory_space<vmem_shared>> -> memref<10240x128xf32, #tpu.memory_space<vmem_shared>>
        tpu.wait_indirect_dma semaphore(%run_scoped3A_95 : memref<!tpu.dma_semaphore, #tpu.memory_space<semaphore_mem>>) src(%arg7 : memref<100x128xf32, #tpu.memory_space<vmem>>) dst(%dma_wait3A_107 : memref<10240x128xf32, #tpu.memory_space<vmem_shared>>)
        tpu.yield
      }) : () -> ()
      %add3A_63 = arith.constant 2 : i32
      %add3A_64 = arith.addi %mul3A_54, %add3A_63 : i32
      %add3A_65 = arith.constant 0 : i32
      %add3A_66 = arith.addi %add3A_64, %add3A_65 : i32
      %min3A = arith.constant 99 : i32
      %min3A_67 = arith.minsi %add3A_66, %min3A : i32
      %dma_start3A_68 = arith.constant 0 : i32
      %dma_start3A_69 = tpu.memref_slice %arg5[%min3A_67, %dma_start3A_68] : memref<100x100xi32, #tpu.memory_space<vmem>> -> memref<1x100xi32, #tpu.memory_space<vmem>>
      %dma_start3A_70 = tpu.memref_squeeze %dma_start3A_69 : memref<1x100xi32, #tpu.memory_space<vmem>> -> memref<100xi32, #tpu.memory_space<vmem>>
      %dma_start3A_71 = arith.constant 0 : i32
      %dma_start3A_72 = arith.constant 0 : i32
      %dma_start3A_73 = tpu.memref_slice %arg2[%dma_start3A_71, %dma_start3A_72] : memref<10240x128xf32, #tpu.memory_space<hbm>> -> memref<10240x128xf32, #tpu.memory_space<hbm>>
      tpu.enqueue_indirect_dma source(%dma_start3A_73 : memref<10240x128xf32, #tpu.memory_space<hbm>>) target(%arg7 : memref<100x128xf32, #tpu.memory_space<vmem>>) offsets(%dma_start3A_70 : memref<100xi32, #tpu.memory_space<vmem>>) semaphore(%arg11 : memref<!tpu.dma_semaphore, #tpu.memory_space<semaphore_mem>>)
      %dma_wait3A_74 = arith.constant 0 : i32
      %dma_wait3A_75 = arith.constant 0 : i32
      %dma_wait3A_76 = tpu.memref_slice %arg2[%dma_wait3A_74, %dma_wait3A_75] : memref<10240x128xf32, #tpu.memory_space<hbm>> -> memref<100x128xf32, #tpu.memory_space<hbm>>
      %dma_wait3A_77 = arith.constant 0 : i32
      %dma_wait3A_78 = arith.constant 0 : i32
      %dma_wait3A_79 = tpu.memref_slice %arg2[%dma_wait3A_77, %dma_wait3A_78] : memref<10240x128xf32, #tpu.memory_space<hbm>> -> memref<100x128xf32, #tpu.memory_space<hbm>>
      tpu.wait_dma2 semaphore(%arg12 : memref<!tpu.dma_semaphore, #tpu.memory_space<semaphore_mem>>) src(%dma_wait3A_79 : memref<100x128xf32, #tpu.memory_space<hbm>>) dst(%arg8 : memref<100x128xf32, #tpu.memory_space<vmem>>)
      %add3A_80 = arith.constant 1 : i32
      %add3A_81 = arith.addi %mul3A_54, %add3A_80 : i32
      "tpu.region"() ({
        %run_scoped3A_95 = tpu.sem_alloc : memref<!tpu.dma_semaphore, #tpu.memory_space<semaphore_mem>>
        %dma_start3A_96 = arith.constant 0 : i32
        %dma_start3A_97 = tpu.memref_slice %arg6[%add3A_81, %dma_start3A_96] : memref<100x100xi32, #tpu.memory_space<vmem>> -> memref<1x100xi32, #tpu.memory_space<vmem>>
        %dma_start3A_98 = tpu.memref_squeeze %dma_start3A_97 : memref<1x100xi32, #tpu.memory_space<vmem>> -> memref<100xi32, #tpu.memory_space<vmem>>
        %dma_start3A_99 = arith.constant 0 : i32
        %dma_start3A_100 = arith.constant 0 : i32
        %dma_start3A_101 = tpu.memref_slice %arg10[%dma_start3A_99, %dma_start3A_100] : memref<10240x128xf32, #tpu.memory_space<vmem_shared>> -> memref<10240x128xf32, #tpu.memory_space<vmem_shared>>
        tpu.enqueue_indirect_dma source(%arg8 : memref<100x128xf32, #tpu.memory_space<vmem>>) target(%dma_start3A_101 : memref<10240x128xf32, #tpu.memory_space<vmem_shared>>) offsets(%dma_start3A_98 : memref<100xi32, #tpu.memory_space<vmem>>) semaphore(%run_scoped3A_95 : memref<!tpu.dma_semaphore, #tpu.memory_space<semaphore_mem>>) {add = true}
        %dma_wait3A_102 = arith.constant 0 : i32
        %dma_wait3A_103 = tpu.memref_slice %arg6[%add3A_81, %dma_wait3A_102] : memref<100x100xi32, #tpu.memory_space<vmem>> -> memref<1x100xi32, #tpu.memory_space<vmem>>
        %dma_wait3A_104 = tpu.memref_squeeze %dma_wait3A_103 : memref<1x100xi32, #tpu.memory_space<vmem>> -> memref<100xi32, #tpu.memory_space<vmem>>
        %dma_wait3A_105 = arith.constant 0 : i32
        %dma_wait3A_106 = arith.constant 0 : i32
        %dma_wait3A_107 = tpu.memref_slice %arg10[%dma_wait3A_105, %dma_wait3A_106] : memref<10240x128xf32, #tpu.memory_space<vmem_shared>> -> memref<10240x128xf32, #tpu.memory_space<vmem_shared>>
        tpu.wait_indirect_dma semaphore(%run_scoped3A_95 : memref<!tpu.dma_semaphore, #tpu.memory_space<semaphore_mem>>) src(%arg8 : memref<100x128xf32, #tpu.memory_space<vmem>>) dst(%dma_wait3A_107 : memref<10240x128xf32, #tpu.memory_space<vmem_shared>>)
        tpu.yield
      }) : () -> ()
      %add3A_82 = arith.constant 2 : i32
      %add3A_83 = arith.addi %mul3A_54, %add3A_82 : i32
      %add3A_84 = arith.constant 1 : i32
      %add3A_85 = arith.addi %add3A_83, %add3A_84 : i32
      %min3A_86 = arith.constant 99 : i32
      %min3A_87 = arith.minsi %add3A_85, %min3A_86 : i32
      %dma_start3A_88 = arith.constant 0 : i32
      %dma_start3A_89 = tpu.memref_slice %arg5[%min3A_87, %dma_start3A_88] : memref<100x100xi32, #tpu.memory_space<vmem>> -> memref<1x100xi32, #tpu.memory_space<vmem>>
      %dma_start3A_90 = tpu.memref_squeeze %dma_start3A_89 : memref<1x100xi32, #tpu.memory_space<vmem>> -> memref<100xi32, #tpu.memory_space<vmem>>
      %dma_start3A_91 = arith.constant 0 : i32
      %dma_start3A_92 = arith.constant 0 : i32
      %dma_start3A_93 = tpu.memref_slice %arg2[%dma_start3A_91, %dma_start3A_92] : memref<10240x128xf32, #tpu.memory_space<hbm>> -> memref<10240x128xf32, #tpu.memory_space<hbm>>
      tpu.enqueue_indirect_dma source(%dma_start3A_93 : memref<10240x128xf32, #tpu.memory_space<hbm>>) target(%arg8 : memref<100x128xf32, #tpu.memory_space<vmem>>) offsets(%dma_start3A_90 : memref<100xi32, #tpu.memory_space<vmem>>) semaphore(%arg12 : memref<!tpu.dma_semaphore, #tpu.memory_space<semaphore_mem>>)
      %scan3A_94 = arith.constant 0 : i32
      scf.yield %scan3A_94 : i32
    }
    %scan3A_37 = arith.constant 50 : i32
    %dma_wait3A = arith.constant 0 : i32
    %dma_wait3A_38 = arith.constant 0 : i32
    %dma_wait3A_39 = tpu.memref_slice %arg2[%dma_wait3A, %dma_wait3A_38] : memref<10240x128xf32, #tpu.memory_space<hbm>> -> memref<100x128xf32, #tpu.memory_space<hbm>>
    %dma_wait3A_40 = arith.constant 0 : i32
    %dma_wait3A_41 = arith.constant 0 : i32
    %dma_wait3A_42 = tpu.memref_slice %arg2[%dma_wait3A_40, %dma_wait3A_41] : memref<10240x128xf32, #tpu.memory_space<hbm>> -> memref<100x128xf32, #tpu.memory_space<hbm>>
    tpu.wait_dma2 semaphore(%arg11 : memref<!tpu.dma_semaphore, #tpu.memory_space<semaphore_mem>>) src(%dma_wait3A_42 : memref<100x128xf32, #tpu.memory_space<hbm>>) dst(%arg7 : memref<100x128xf32, #tpu.memory_space<vmem>>)
    %dma_wait3A_43 = arith.constant 0 : i32
    %dma_wait3A_44 = arith.constant 0 : i32
    %dma_wait3A_45 = tpu.memref_slice %arg2[%dma_wait3A_43, %dma_wait3A_44] : memref<10240x128xf32, #tpu.memory_space<hbm>> -> memref<100x128xf32, #tpu.memory_space<hbm>>
    %dma_wait3A_46 = arith.constant 0 : i32
    %dma_wait3A_47 = arith.constant 0 : i32
    %dma_wait3A_48 = tpu.memref_slice %arg2[%dma_wait3A_46, %dma_wait3A_47] : memref<10240x128xf32, #tpu.memory_space<hbm>> -> memref<100x128xf32, #tpu.memory_space<hbm>>
    tpu.wait_dma2 semaphore(%arg12 : memref<!tpu.dma_semaphore, #tpu.memory_space<semaphore_mem>>) src(%dma_wait3A_48 : memref<100x128xf32, #tpu.memory_space<hbm>>) dst(%arg8 : memref<100x128xf32, #tpu.memory_space<vmem>>)
    %barrier3A_49 = arith.constant 0 : index
    tpu.barrier barrier_id(%barrier3A_49)
    %run_scoped3A_50 = arith.constant 0 : i32
    "tpu.region"() ({
      %run_scoped3A_51 = tpu.sem_alloc : memref<!tpu.dma_semaphore, #tpu.memory_space<semaphore_mem>>
      %dma_start3A_52 = arith.constant 0 : i32
      %dma_start3A_53 = tpu.memref_slice %arg4[%arg0, %run_scoped3A_50, %mul3A_2, %dma_start3A_52] : memref<2x1x10240x128xf32, #tpu.memory_space<hbm>> -> memref<1x1x640x128xf32, #tpu.memory_space<hbm>>
      %dma_start3A_54 = tpu.memref_squeeze %dma_start3A_53 : memref<1x1x640x128xf32, #tpu.memory_space<hbm>> -> memref<640x128xf32, #tpu.memory_space<hbm>>
      %dma_start3A_55 = arith.constant 0 : i32
      %dma_start3A_56 = tpu.memref_slice %arg10[%mul3A_2, %dma_start3A_55] : memref<10240x128xf32, #tpu.memory_space<vmem_shared>> -> memref<640x128xf32, #tpu.memory_space<vmem_shared>>
      tpu.enqueue_dma source(%dma_start3A_56 : memref<640x128xf32, #tpu.memory_space<vmem_shared>>) target(%dma_start3A_54 : memref<640x128xf32, #tpu.memory_space<hbm>>) target_semaphore(%run_scoped3A_51 : memref<!tpu.dma_semaphore, #tpu.memory_space<semaphore_mem>>)
      %dma_wait3A_57 = arith.constant 0 : i32
      %dma_wait3A_58 = tpu.memref_slice %arg4[%arg0, %run_scoped3A_50, %mul3A_2, %dma_wait3A_57] : memref<2x1x10240x128xf32, #tpu.memory_space<hbm>> -> memref<1x1x640x128xf32, #tpu.memory_space<hbm>>
      %dma_wait3A_59 = tpu.memref_squeeze %dma_wait3A_58 : memref<1x1x640x128xf32, #tpu.memory_space<hbm>> -> memref<640x128xf32, #tpu.memory_space<hbm>>
      %dma_wait3A_60 = arith.constant 0 : i32
      %dma_wait3A_61 = tpu.memref_slice %arg10[%mul3A_2, %dma_wait3A_60] : memref<10240x128xf32, #tpu.memory_space<vmem_shared>> -> memref<640x128xf32, #tpu.memory_space<vmem_shared>>
      tpu.wait_dma2 semaphore(%run_scoped3A_51 : memref<!tpu.dma_semaphore, #tpu.memory_space<semaphore_mem>>) src(%dma_wait3A_61 : memref<640x128xf32, #tpu.memory_space<vmem_shared>>) dst(%dma_wait3A_59 : memref<640x128xf32, #tpu.memory_space<hbm>>)
      tpu.yield
    }) : () -> ()
    return
  }
}

#map = affine_map<(d0, d1) -> (0, 0, 0, 0)>
module attributes {stable_mosaic.version = 14 : i64} {
  func.func @body(%arg0: i32, %arg1: i32, %arg2: memref<2x32x100x100xi32, #tpu.memory_space<hbm>>, %arg3: memref<2x1x10240x16xf32, #tpu.memory_space<hbm>>, %arg4: memref<100x100xi32, #tpu.memory_space<vmem>>, %arg5: memref<100x16xf32, #tpu.memory_space<vmem>>, %arg6: memref<16x16xf32, #tpu.memory_space<vmem>>, %arg7: memref<10240x16xf32, #tpu.memory_space<vmem_shared>>, %arg8: memref<!tpu.dma_semaphore, #tpu.memory_space<semaphore_mem>>, %arg9: memref<!tpu.dma_semaphore, #tpu.memory_space<semaphore_mem>>) attributes {dimension_semantics = [#tpu.dimension_semantics<core_parallel>, #tpu.dimension_semantics<subcore_parallel>], iteration_bounds = array<i64: 2, 16>, scalar_prefetch = 0 : i64, scratch_operands = 6 : i64, tpu.core_type = #tpu.core_type<sc_vector_subcore>, window_params = [{transform_indices = #map}, {transform_indices = #map}]} {
    %mul3A = arith.constant 2 : i32
    %mul3A_0 = arith.muli %arg1, %mul3A : i32
    %add3A = arith.addi %mul3A_0, %arg0 : i32
    %mul3A_1 = arith.constant 640 : i32
    %mul3A_2 = arith.muli %arg1, %mul3A_1 : i32
    %run_scoped3A = arith.constant 1 : i32
    "tpu.region"() ({
      %run_scoped3A_42 = tpu.sem_alloc : memref<!tpu.dma_semaphore, #tpu.memory_space<semaphore_mem>>
      %dma_start3A = arith.constant 0 : i32
      %dma_start3A_43 = arith.constant 0 : i32
      %dma_start3A_44 = tpu.memref_slice %arg2[%run_scoped3A, %add3A, %dma_start3A, %dma_start3A_43] : memref<2x32x100x100xi32, #tpu.memory_space<hbm>> -> memref<1x1x100x100xi32, #tpu.memory_space<hbm>>
      %dma_start3A_45 = tpu.memref_squeeze %dma_start3A_44 : memref<1x1x100x100xi32, #tpu.memory_space<hbm>> -> memref<100x100xi32, #tpu.memory_space<hbm>>
      %dma_start3A_46 = arith.constant 0 : i32
      %dma_start3A_47 = arith.constant 0 : i32
      %dma_start3A_48 = tpu.memref_slice %arg2[%run_scoped3A, %add3A, %dma_start3A_46, %dma_start3A_47] : memref<2x32x100x100xi32, #tpu.memory_space<hbm>> -> memref<1x1x100x100xi32, #tpu.memory_space<hbm>>
      %dma_start3A_49 = tpu.memref_squeeze %dma_start3A_48 : memref<1x1x100x100xi32, #tpu.memory_space<hbm>> -> memref<100x100xi32, #tpu.memory_space<hbm>>
      tpu.enqueue_dma source(%dma_start3A_49 : memref<100x100xi32, #tpu.memory_space<hbm>>) target(%arg4 : memref<100x100xi32, #tpu.memory_space<vmem>>) target_semaphore(%run_scoped3A_42 : memref<!tpu.dma_semaphore, #tpu.memory_space<semaphore_mem>>)
      %dma_wait3A = arith.constant 0 : i32
      %dma_wait3A_50 = arith.constant 0 : i32
      %dma_wait3A_51 = tpu.memref_slice %arg2[%run_scoped3A, %add3A, %dma_wait3A, %dma_wait3A_50] : memref<2x32x100x100xi32, #tpu.memory_space<hbm>> -> memref<1x1x100x100xi32, #tpu.memory_space<hbm>>
      %dma_wait3A_52 = tpu.memref_squeeze %dma_wait3A_51 : memref<1x1x100x100xi32, #tpu.memory_space<hbm>> -> memref<100x100xi32, #tpu.memory_space<hbm>>
      %dma_wait3A_53 = arith.constant 0 : i32
      %dma_wait3A_54 = arith.constant 0 : i32
      %dma_wait3A_55 = tpu.memref_slice %arg2[%run_scoped3A, %add3A, %dma_wait3A_53, %dma_wait3A_54] : memref<2x32x100x100xi32, #tpu.memory_space<hbm>> -> memref<1x1x100x100xi32, #tpu.memory_space<hbm>>
      %dma_wait3A_56 = tpu.memref_squeeze %dma_wait3A_55 : memref<1x1x100x100xi32, #tpu.memory_space<hbm>> -> memref<100x100xi32, #tpu.memory_space<hbm>>
      tpu.wait_dma2 semaphore(%run_scoped3A_42 : memref<!tpu.dma_semaphore, #tpu.memory_space<semaphore_mem>>) src(%dma_wait3A_56 : memref<100x100xi32, #tpu.memory_space<hbm>>) dst(%arg4 : memref<100x100xi32, #tpu.memory_space<vmem>>)
      tpu.yield
    }) : () -> ()
    %broadcast_in_dim3A = arith.constant 0.000000e+00 : f32
    %broadcast_in_dim3A_3 = vector.broadcast %broadcast_in_dim3A : f32 to vector<16xf32>
    %scan3A = arith.constant 0 : i32
    %scan3A_4 = arith.constant 0 : i32
    %scan3A_5 = arith.constant 16 : i32
    %scan3A_6 = arith.addi %scan3A_4, %scan3A_5 : i32
    %scan3A_7 = arith.constant 1 : i32
    %scan3A_8 = scf.for %scan3A_42 = %scan3A_4 to %scan3A_6 step %scan3A_7 iter_args(%scan3A_43 = %scan3A) -> (i32)  : i32 {
      %swap3A = arith.index_cast %scan3A_42 : i32 to index
      %swap3A_44 = arith.constant 0 : index
      %swap3A_45 = tpu.vector_load %arg6[%swap3A, %swap3A_44] {strides = array<i32>} : memref<16x16xf32, #tpu.memory_space<vmem>>, vector<1x16xf32>,
      %swap3A_46 = vector.shape_cast %swap3A_45 : vector<1x16xf32> to vector<16xf32>
      %swap3A_47 = vector.shape_cast %broadcast_in_dim3A_3 : vector<16xf32> to vector<1x16xf32>
      tpu.vector_store %arg6[%swap3A, %swap3A_44], %swap3A_47 {strides = array<i32>} : memref<16x16xf32, #tpu.memory_space<vmem>>, vector<1x16xf32>,
      %scan3A_48 = arith.constant 0 : i32
      scf.yield %scan3A_48 : i32
    }
    %scan3A_9 = arith.constant 16 : i32
    %broadcast_in_dim3A_10 = arith.constant 1.000000e+00 : f32
    %broadcast_in_dim3A_11 = vector.broadcast %broadcast_in_dim3A_10 : f32 to vector<16xf32>
    %scan3A_12 = arith.constant 0 : i32
    %scan3A_13 = arith.constant 0 : i32
    %scan3A_14 = arith.constant 100 : i32
    %scan3A_15 = arith.addi %scan3A_13, %scan3A_14 : i32
    %scan3A_16 = arith.constant 1 : i32
    %scan3A_17 = scf.for %scan3A_42 = %scan3A_13 to %scan3A_15 step %scan3A_16 iter_args(%scan3A_43 = %scan3A_12) -> (i32)  : i32 {
      %swap3A = arith.index_cast %scan3A_42 : i32 to index
      %swap3A_44 = arith.constant 0 : index
      %swap3A_45 = tpu.vector_load %arg5[%swap3A, %swap3A_44] {strides = array<i32>} : memref<100x16xf32, #tpu.memory_space<vmem>>, vector<1x16xf32>,
      %swap3A_46 = vector.shape_cast %swap3A_45 : vector<1x16xf32> to vector<16xf32>
      %swap3A_47 = vector.shape_cast %broadcast_in_dim3A_11 : vector<16xf32> to vector<1x16xf32>
      tpu.vector_store %arg5[%swap3A, %swap3A_44], %swap3A_47 {strides = array<i32>} : memref<100x16xf32, #tpu.memory_space<vmem>>, vector<1x16xf32>,
      %scan3A_48 = arith.constant 0 : i32
      scf.yield %scan3A_48 : i32
    }
    %scan3A_18 = arith.constant 100 : i32
    %scan3A_19 = arith.constant 0 : i32
    %scan3A_20 = arith.constant 0 : i32
    %scan3A_21 = arith.constant 40 : i32
    %scan3A_22 = arith.addi %scan3A_20, %scan3A_21 : i32
    %scan3A_23 = arith.constant 1 : i32
    %scan3A_24 = scf.for %scan3A_42 = %scan3A_20 to %scan3A_22 step %scan3A_23 iter_args(%scan3A_43 = %scan3A_19) -> (i32)  : i32 {
      %mul3A_44 = arith.constant 16 : i32
      %mul3A_45 = arith.muli %scan3A_42, %mul3A_44 : i32
      %add3A_46 = arith.addi %mul3A_2, %mul3A_45 : i32
      "tpu.region"() ({
        %run_scoped3A_48 = tpu.sem_alloc : memref<!tpu.dma_semaphore, #tpu.memory_space<semaphore_mem>>
        %dma_start3A = arith.constant 0 : i32
        %dma_start3A_49 = tpu.memref_slice %arg7[%add3A_46, %dma_start3A] : memref<10240x16xf32, #tpu.memory_space<vmem_shared>> -> memref<16x16xf32, #tpu.memory_space<vmem_shared>>
        %dma_start3A_50 = arith.constant 0 : i32
        %dma_start3A_51 = tpu.memref_slice %arg7[%add3A_46, %dma_start3A_50] : memref<10240x16xf32, #tpu.memory_space<vmem_shared>> -> memref<16x16xf32, #tpu.memory_space<vmem_shared>>
        tpu.enqueue_dma source(%arg6 : memref<16x16xf32, #tpu.memory_space<vmem>>) target(%dma_start3A_51 : memref<16x16xf32, #tpu.memory_space<vmem_shared>>) target_semaphore(%run_scoped3A_48 : memref<!tpu.dma_semaphore, #tpu.memory_space<semaphore_mem>>)
        %dma_wait3A = arith.constant 0 : i32
        %dma_wait3A_52 = tpu.memref_slice %arg7[%add3A_46, %dma_wait3A] : memref<10240x16xf32, #tpu.memory_space<vmem_shared>> -> memref<16x16xf32, #tpu.memory_space<vmem_shared>>
        %dma_wait3A_53 = arith.constant 0 : i32
        %dma_wait3A_54 = tpu.memref_slice %arg7[%add3A_46, %dma_wait3A_53] : memref<10240x16xf32, #tpu.memory_space<vmem_shared>> -> memref<16x16xf32, #tpu.memory_space<vmem_shared>>
        tpu.wait_dma2 semaphore(%run_scoped3A_48 : memref<!tpu.dma_semaphore, #tpu.memory_space<semaphore_mem>>) src(%arg6 : memref<16x16xf32, #tpu.memory_space<vmem>>) dst(%dma_wait3A_54 : memref<16x16xf32, #tpu.memory_space<vmem_shared>>)
        tpu.yield
      }) : () -> ()
      %scan3A_47 = arith.constant 0 : i32
      scf.yield %scan3A_47 : i32
    }
    %scan3A_25 = arith.constant 40 : i32
    %barrier3A = arith.constant 0 : index
    tpu.barrier barrier_id(%barrier3A)
    %scan3A_26 = arith.constant 0 : i32
    %scan3A_27 = arith.constant 0 : i32
    %scan3A_28 = arith.constant 100 : i32
    %scan3A_29 = arith.addi %scan3A_27, %scan3A_28 : i32
    %scan3A_30 = arith.constant 1 : i32
    %scan3A_31 = scf.for %scan3A_42 = %scan3A_27 to %scan3A_29 step %scan3A_30 iter_args(%scan3A_43 = %scan3A_26) -> (i32)  : i32 {
      %dma_start3A = arith.constant 0 : i32
      %dma_start3A_44 = tpu.memref_slice %arg4[%scan3A_42, %dma_start3A] : memref<100x100xi32, #tpu.memory_space<vmem>> -> memref<1x100xi32, #tpu.memory_space<vmem>>
      %dma_start3A_45 = tpu.memref_squeeze %dma_start3A_44 : memref<1x100xi32, #tpu.memory_space<vmem>> -> memref<100xi32, #tpu.memory_space<vmem>>
      %dma_start3A_46 = arith.constant 0 : i32
      %dma_start3A_47 = arith.constant 0 : i32
      %dma_start3A_48 = tpu.memref_slice %arg7[%dma_start3A_46, %dma_start3A_47] : memref<10240x16xf32, #tpu.memory_space<vmem_shared>> -> memref<10240x16xf32, #tpu.memory_space<vmem_shared>>
      tpu.enqueue_indirect_dma source(%arg5 : memref<100x16xf32, #tpu.memory_space<vmem>>) target(%dma_start3A_48 : memref<10240x16xf32, #tpu.memory_space<vmem_shared>>) offsets(%dma_start3A_45 : memref<100xi32, #tpu.memory_space<vmem>>) semaphore(%arg9 : memref<!tpu.dma_semaphore, #tpu.memory_space<semaphore_mem>>) {add = true}
      %ge3A = arith.constant 8 : i32
      %ge3A_49 = arith.cmpi sge, %scan3A_42, %ge3A : i32
      %convert_element_type3A = arith.extui %ge3A_49 : i1 to i32
      %cond3A = arith.constant 0 : i32
      %cond3A_50 = arith.cmpi ne, %convert_element_type3A, %cond3A : i32
      scf.if %cond3A_50 {
        %dma_wait3A = arith.constant 0 : i32
        %dma_wait3A_52 = arith.constant 0 : i32
        %dma_wait3A_53 = tpu.memref_slice %arg7[%dma_wait3A, %dma_wait3A_52] : memref<10240x16xf32, #tpu.memory_space<vmem_shared>> -> memref<100x16xf32, #tpu.memory_space<vmem_shared>>
        %dma_wait3A_54 = arith.constant 0 : i32
        %dma_wait3A_55 = arith.constant 0 : i32
        %dma_wait3A_56 = tpu.memref_slice %arg7[%dma_wait3A_54, %dma_wait3A_55] : memref<10240x16xf32, #tpu.memory_space<vmem_shared>> -> memref<100x16xf32, #tpu.memory_space<vmem_shared>>
        tpu.wait_dma2 semaphore(%arg9 : memref<!tpu.dma_semaphore, #tpu.memory_space<semaphore_mem>>) src(%arg5 : memref<100x16xf32, #tpu.memory_space<vmem>>) dst(%dma_wait3A_56 : memref<100x16xf32, #tpu.memory_space<vmem_shared>>)
      } else {
      }
      %scan3A_51 = arith.constant 0 : i32
      scf.yield %scan3A_51 : i32
    }
    %scan3A_32 = arith.constant 100 : i32
    %scan3A_33 = arith.constant 0 : i32
    %scan3A_34 = arith.constant 0 : i32
    %scan3A_35 = arith.constant 8 : i32
    %scan3A_36 = arith.addi %scan3A_34, %scan3A_35 : i32
    %scan3A_37 = arith.constant 1 : i32
    %scan3A_38 = scf.for %scan3A_42 = %scan3A_34 to %scan3A_36 step %scan3A_37 iter_args(%scan3A_43 = %scan3A_33) -> (i32)  : i32 {
      %dma_wait3A = arith.constant 0 : i32
      %dma_wait3A_44 = arith.constant 0 : i32
      %dma_wait3A_45 = tpu.memref_slice %arg7[%dma_wait3A, %dma_wait3A_44] : memref<10240x16xf32, #tpu.memory_space<vmem_shared>> -> memref<100x16xf32, #tpu.memory_space<vmem_shared>>
      %dma_wait3A_46 = arith.constant 0 : i32
      %dma_wait3A_47 = arith.constant 0 : i32
      %dma_wait3A_48 = tpu.memref_slice %arg7[%dma_wait3A_46, %dma_wait3A_47] : memref<10240x16xf32, #tpu.memory_space<vmem_shared>> -> memref<100x16xf32, #tpu.memory_space<vmem_shared>>
      tpu.wait_dma2 semaphore(%arg9 : memref<!tpu.dma_semaphore, #tpu.memory_space<semaphore_mem>>) src(%arg5 : memref<100x16xf32, #tpu.memory_space<vmem>>) dst(%dma_wait3A_48 : memref<100x16xf32, #tpu.memory_space<vmem_shared>>)
      %scan3A_49 = arith.constant 0 : i32
      scf.yield %scan3A_49 : i32
    }
    %scan3A_39 = arith.constant 8 : i32
    %barrier3A_40 = arith.constant 0 : index
    tpu.barrier barrier_id(%barrier3A_40)
    %run_scoped3A_41 = arith.constant 0 : i32
    "tpu.region"() ({
      %run_scoped3A_42 = tpu.sem_alloc : memref<!tpu.dma_semaphore, #tpu.memory_space<semaphore_mem>>
      %dma_start3A = arith.constant 0 : i32
      %dma_start3A_43 = tpu.memref_slice %arg3[%arg0, %run_scoped3A_41, %mul3A_2, %dma_start3A] : memref<2x1x10240x16xf32, #tpu.memory_space<hbm>> -> memref<1x1x640x16xf32, #tpu.memory_space<hbm>>
      %dma_start3A_44 = tpu.memref_squeeze %dma_start3A_43 : memref<1x1x640x16xf32, #tpu.memory_space<hbm>> -> memref<640x16xf32, #tpu.memory_space<hbm>>
      %dma_start3A_45 = arith.constant 0 : i32
      %dma_start3A_46 = tpu.memref_slice %arg7[%mul3A_2, %dma_start3A_45] : memref<10240x16xf32, #tpu.memory_space<vmem_shared>> -> memref<640x16xf32, #tpu.memory_space<vmem_shared>>
      tpu.enqueue_dma source(%dma_start3A_46 : memref<640x16xf32, #tpu.memory_space<vmem_shared>>) target(%dma_start3A_44 : memref<640x16xf32, #tpu.memory_space<hbm>>) target_semaphore(%run_scoped3A_42 : memref<!tpu.dma_semaphore, #tpu.memory_space<semaphore_mem>>)
      %dma_wait3A = arith.constant 0 : i32
      %dma_wait3A_47 = tpu.memref_slice %arg3[%arg0, %run_scoped3A_41, %mul3A_2, %dma_wait3A] : memref<2x1x10240x16xf32, #tpu.memory_space<hbm>> -> memref<1x1x640x16xf32, #tpu.memory_space<hbm>>
      %dma_wait3A_48 = tpu.memref_squeeze %dma_wait3A_47 : memref<1x1x640x16xf32, #tpu.memory_space<hbm>> -> memref<640x16xf32, #tpu.memory_space<hbm>>
      %dma_wait3A_49 = arith.constant 0 : i32
      %dma_wait3A_50 = tpu.memref_slice %arg7[%mul3A_2, %dma_wait3A_49] : memref<10240x16xf32, #tpu.memory_space<vmem_shared>> -> memref<640x16xf32, #tpu.memory_space<vmem_shared>>
      tpu.wait_dma2 semaphore(%run_scoped3A_42 : memref<!tpu.dma_semaphore, #tpu.memory_space<semaphore_mem>>) src(%dma_wait3A_50 : memref<640x16xf32, #tpu.memory_space<vmem_shared>>) dst(%dma_wait3A_48 : memref<640x16xf32, #tpu.memory_space<hbm>>)
      tpu.yield
    }) : () -> ()
    return
  }
}

#map = affine_map<(d0, d1) -> (0, 0)>
#map1 = affine_map<(d0, d1) -> (0, 0, 0, 0)>
module attributes {stable_mosaic.version = 14 : i64} {
  func.func @body(%arg0: i32, %arg1: i32, %arg2: memref<10240x80xf32, #tpu.memory_space<hbm>>, %arg3: memref<2x32x100x100xi32, #tpu.memory_space<hbm>>, %arg4: memref<2x1x10240x80xf32, #tpu.memory_space<hbm>>, %arg5: memref<100x100xi32, #tpu.memory_space<vmem>>, %arg6: memref<100x100xi32, #tpu.memory_space<vmem>>, %arg7: memref<100x80xf32, #tpu.memory_space<vmem>>, %arg8: memref<100x80xf32, #tpu.memory_space<vmem>>, %arg9: memref<16x80xf32, #tpu.memory_space<vmem>>, %arg10: memref<10240x80xf32, #tpu.memory_space<vmem_shared>>, %arg11: memref<!tpu.dma_semaphore, #tpu.memory_space<semaphore_mem>>, %arg12: memref<!tpu.dma_semaphore, #tpu.memory_space<semaphore_mem>>, %arg13: memref<!tpu.dma_semaphore, #tpu.memory_space<semaphore_mem>>, %arg14: memref<!tpu.dma_semaphore, #tpu.memory_space<semaphore_mem>>) attributes {dimension_semantics = [#tpu.dimension_semantics<core_parallel>, #tpu.dimension_semantics<subcore_parallel>], iteration_bounds = array<i64: 2, 16>, scalar_prefetch = 0 : i64, scratch_operands = 10 : i64, tpu.core_type = #tpu.core_type<sc_vector_subcore>, window_params = [{transform_indices = #map}, {transform_indices = #map1}, {transform_indices = #map1}]} {
    %mul3A = arith.constant 2 : i32
    %mul3A_0 = arith.muli %arg1, %mul3A : i32
    %add3A = arith.addi %mul3A_0, %arg0 : i32
    %mul3A_1 = arith.constant 640 : i32
    %mul3A_2 = arith.muli %arg1, %mul3A_1 : i32
    %run_scoped3A = arith.constant 0 : i32
    "tpu.region"() ({
      %run_scoped3A_51 = tpu.sem_alloc : memref<!tpu.dma_semaphore, #tpu.memory_space<semaphore_mem>>
      %dma_start3A_52 = arith.constant 0 : i32
      %dma_start3A_53 = arith.constant 0 : i32
      %dma_start3A_54 = tpu.memref_slice %arg3[%run_scoped3A, %add3A, %dma_start3A_52, %dma_start3A_53] : memref<2x32x100x100xi32, #tpu.memory_space<hbm>> -> memref<1x1x100x100xi32, #tpu.memory_space<hbm>>
      %dma_start3A_55 = tpu.memref_squeeze %dma_start3A_54 : memref<1x1x100x100xi32, #tpu.memory_space<hbm>> -> memref<100x100xi32, #tpu.memory_space<hbm>>
      %dma_start3A_56 = arith.constant 0 : i32
      %dma_start3A_57 = arith.constant 0 : i32
      %dma_start3A_58 = tpu.memref_slice %arg3[%run_scoped3A, %add3A, %dma_start3A_56, %dma_start3A_57] : memref<2x32x100x100xi32, #tpu.memory_space<hbm>> -> memref<1x1x100x100xi32, #tpu.memory_space<hbm>>
      %dma_start3A_59 = tpu.memref_squeeze %dma_start3A_58 : memref<1x1x100x100xi32, #tpu.memory_space<hbm>> -> memref<100x100xi32, #tpu.memory_space<hbm>>
      tpu.enqueue_dma source(%dma_start3A_59 : memref<100x100xi32, #tpu.memory_space<hbm>>) target(%arg5 : memref<100x100xi32, #tpu.memory_space<vmem>>) target_semaphore(%run_scoped3A_51 : memref<!tpu.dma_semaphore, #tpu.memory_space<semaphore_mem>>)
      %dma_wait3A_60 = arith.constant 0 : i32
      %dma_wait3A_61 = arith.constant 0 : i32
      %dma_wait3A_62 = tpu.memref_slice %arg3[%run_scoped3A, %add3A, %dma_wait3A_60, %dma_wait3A_61] : memref<2x32x100x100xi32, #tpu.memory_space<hbm>> -> memref<1x1x100x100xi32, #tpu.memory_space<hbm>>
      %dma_wait3A_63 = tpu.memref_squeeze %dma_wait3A_62 : memref<1x1x100x100xi32, #tpu.memory_space<hbm>> -> memref<100x100xi32, #tpu.memory_space<hbm>>
      %dma_wait3A_64 = arith.constant 0 : i32
      %dma_wait3A_65 = arith.constant 0 : i32
      %dma_wait3A_66 = tpu.memref_slice %arg3[%run_scoped3A, %add3A, %dma_wait3A_64, %dma_wait3A_65] : memref<2x32x100x100xi32, #tpu.memory_space<hbm>> -> memref<1x1x100x100xi32, #tpu.memory_space<hbm>>
      %dma_wait3A_67 = tpu.memref_squeeze %dma_wait3A_66 : memref<1x1x100x100xi32, #tpu.memory_space<hbm>> -> memref<100x100xi32, #tpu.memory_space<hbm>>
      tpu.wait_dma2 semaphore(%run_scoped3A_51 : memref<!tpu.dma_semaphore, #tpu.memory_space<semaphore_mem>>) src(%dma_wait3A_67 : memref<100x100xi32, #tpu.memory_space<hbm>>) dst(%arg5 : memref<100x100xi32, #tpu.memory_space<vmem>>)
      tpu.yield
    }) : () -> ()
    %run_scoped3A_3 = arith.constant 1 : i32
    "tpu.region"() ({
      %run_scoped3A_51 = tpu.sem_alloc : memref<!tpu.dma_semaphore, #tpu.memory_space<semaphore_mem>>
      %dma_start3A_52 = arith.constant 0 : i32
      %dma_start3A_53 = arith.constant 0 : i32
      %dma_start3A_54 = tpu.memref_slice %arg3[%run_scoped3A_3, %add3A, %dma_start3A_52, %dma_start3A_53] : memref<2x32x100x100xi32, #tpu.memory_space<hbm>> -> memref<1x1x100x100xi32, #tpu.memory_space<hbm>>
      %dma_start3A_55 = tpu.memref_squeeze %dma_start3A_54 : memref<1x1x100x100xi32, #tpu.memory_space<hbm>> -> memref<100x100xi32, #tpu.memory_space<hbm>>
      %dma_start3A_56 = arith.constant 0 : i32
      %dma_start3A_57 = arith.constant 0 : i32
      %dma_start3A_58 = tpu.memref_slice %arg3[%run_scoped3A_3, %add3A, %dma_start3A_56, %dma_start3A_57] : memref<2x32x100x100xi32, #tpu.memory_space<hbm>> -> memref<1x1x100x100xi32, #tpu.memory_space<hbm>>
      %dma_start3A_59 = tpu.memref_squeeze %dma_start3A_58 : memref<1x1x100x100xi32, #tpu.memory_space<hbm>> -> memref<100x100xi32, #tpu.memory_space<hbm>>
      tpu.enqueue_dma source(%dma_start3A_59 : memref<100x100xi32, #tpu.memory_space<hbm>>) target(%arg6 : memref<100x100xi32, #tpu.memory_space<vmem>>) target_semaphore(%run_scoped3A_51 : memref<!tpu.dma_semaphore, #tpu.memory_space<semaphore_mem>>)
      %dma_wait3A_60 = arith.constant 0 : i32
      %dma_wait3A_61 = arith.constant 0 : i32
      %dma_wait3A_62 = tpu.memref_slice %arg3[%run_scoped3A_3, %add3A, %dma_wait3A_60, %dma_wait3A_61] : memref<2x32x100x100xi32, #tpu.memory_space<hbm>> -> memref<1x1x100x100xi32, #tpu.memory_space<hbm>>
      %dma_wait3A_63 = tpu.memref_squeeze %dma_wait3A_62 : memref<1x1x100x100xi32, #tpu.memory_space<hbm>> -> memref<100x100xi32, #tpu.memory_space<hbm>>
      %dma_wait3A_64 = arith.constant 0 : i32
      %dma_wait3A_65 = arith.constant 0 : i32
      %dma_wait3A_66 = tpu.memref_slice %arg3[%run_scoped3A_3, %add3A, %dma_wait3A_64, %dma_wait3A_65] : memref<2x32x100x100xi32, #tpu.memory_space<hbm>> -> memref<1x1x100x100xi32, #tpu.memory_space<hbm>>
      %dma_wait3A_67 = tpu.memref_squeeze %dma_wait3A_66 : memref<1x1x100x100xi32, #tpu.memory_space<hbm>> -> memref<100x100xi32, #tpu.memory_space<hbm>>
      tpu.wait_dma2 semaphore(%run_scoped3A_51 : memref<!tpu.dma_semaphore, #tpu.memory_space<semaphore_mem>>) src(%dma_wait3A_67 : memref<100x100xi32, #tpu.memory_space<hbm>>) dst(%arg6 : memref<100x100xi32, #tpu.memory_space<vmem>>)
      tpu.yield
    }) : () -> ()
    %broadcast_in_dim3A = arith.constant 0.000000e+00 : f32
    %broadcast_in_dim3A_4 = vector.broadcast %broadcast_in_dim3A : f32 to vector<16xf32>
    %scan3A = arith.constant 0 : i32
    %scan3A_5 = arith.constant 0 : i32
    %scan3A_6 = arith.constant 16 : i32
    %scan3A_7 = arith.addi %scan3A_5, %scan3A_6 : i32
    %scan3A_8 = arith.constant 1 : i32
    %scan3A_9 = scf.for %scan3A_51 = %scan3A_5 to %scan3A_7 step %scan3A_8 iter_args(%scan3A_52 = %scan3A) -> (i32)  : i32 {
      %swap3A = arith.index_cast %scan3A_51 : i32 to index
      %swap3A_53 = arith.constant 0 : index
      %swap3A_54 = tpu.vector_load %arg9[%swap3A, %swap3A_53] {strides = array<i32>} : memref<16x80xf32, #tpu.memory_space<vmem>>, vector<1x16xf32>,
      %swap3A_55 = vector.shape_cast %swap3A_54 : vector<1x16xf32> to vector<16xf32>
      %swap3A_56 = vector.shape_cast %broadcast_in_dim3A_4 : vector<16xf32> to vector<1x16xf32>
      tpu.vector_store %arg9[%swap3A, %swap3A_53], %swap3A_56 {strides = array<i32>} : memref<16x80xf32, #tpu.memory_space<vmem>>, vector<1x16xf32>,
      %swap3A_57 = arith.index_cast %scan3A_51 : i32 to index
      %swap3A_58 = arith.constant 16 : index
      %swap3A_59 = tpu.vector_load %arg9[%swap3A_57, %swap3A_58] {strides = array<i32>} : memref<16x80xf32, #tpu.memory_space<vmem>>, vector<1x16xf32>,
      %swap3A_60 = vector.shape_cast %swap3A_59 : vector<1x16xf32> to vector<16xf32>
      %swap3A_61 = vector.shape_cast %broadcast_in_dim3A_4 : vector<16xf32> to vector<1x16xf32>
      tpu.vector_store %arg9[%swap3A_57, %swap3A_58], %swap3A_61 {strides = array<i32>} : memref<16x80xf32, #tpu.memory_space<vmem>>, vector<1x16xf32>,
      %swap3A_62 = arith.index_cast %scan3A_51 : i32 to index
      %swap3A_63 = arith.constant 32 : index
      %swap3A_64 = tpu.vector_load %arg9[%swap3A_62, %swap3A_63] {strides = array<i32>} : memref<16x80xf32, #tpu.memory_space<vmem>>, vector<1x16xf32>,
      %swap3A_65 = vector.shape_cast %swap3A_64 : vector<1x16xf32> to vector<16xf32>
      %swap3A_66 = vector.shape_cast %broadcast_in_dim3A_4 : vector<16xf32> to vector<1x16xf32>
      tpu.vector_store %arg9[%swap3A_62, %swap3A_63], %swap3A_66 {strides = array<i32>} : memref<16x80xf32, #tpu.memory_space<vmem>>, vector<1x16xf32>,
      %swap3A_67 = arith.index_cast %scan3A_51 : i32 to index
      %swap3A_68 = arith.constant 48 : index
      %swap3A_69 = tpu.vector_load %arg9[%swap3A_67, %swap3A_68] {strides = array<i32>} : memref<16x80xf32, #tpu.memory_space<vmem>>, vector<1x16xf32>,
      %swap3A_70 = vector.shape_cast %swap3A_69 : vector<1x16xf32> to vector<16xf32>
      %swap3A_71 = vector.shape_cast %broadcast_in_dim3A_4 : vector<16xf32> to vector<1x16xf32>
      tpu.vector_store %arg9[%swap3A_67, %swap3A_68], %swap3A_71 {strides = array<i32>} : memref<16x80xf32, #tpu.memory_space<vmem>>, vector<1x16xf32>,
      %swap3A_72 = arith.index_cast %scan3A_51 : i32 to index
      %swap3A_73 = arith.constant 64 : index
      %swap3A_74 = tpu.vector_load %arg9[%swap3A_72, %swap3A_73] {strides = array<i32>} : memref<16x80xf32, #tpu.memory_space<vmem>>, vector<1x16xf32>,
      %swap3A_75 = vector.shape_cast %swap3A_74 : vector<1x16xf32> to vector<16xf32>
      %swap3A_76 = vector.shape_cast %broadcast_in_dim3A_4 : vector<16xf32> to vector<1x16xf32>
      tpu.vector_store %arg9[%swap3A_72, %swap3A_73], %swap3A_76 {strides = array<i32>} : memref<16x80xf32, #tpu.memory_space<vmem>>, vector<1x16xf32>,
      %scan3A_77 = arith.constant 0 : i32
      scf.yield %scan3A_77 : i32
    }
    %scan3A_10 = arith.constant 16 : i32
    %scan3A_11 = arith.constant 0 : i32
    %scan3A_12 = arith.constant 0 : i32
    %scan3A_13 = arith.constant 40 : i32
    %scan3A_14 = arith.addi %scan3A_12, %scan3A_13 : i32
    %scan3A_15 = arith.constant 1 : i32
    %scan3A_16 = scf.for %scan3A_51 = %scan3A_12 to %scan3A_14 step %scan3A_15 iter_args(%scan3A_52 = %scan3A_11) -> (i32)  : i32 {
      %mul3A_53 = arith.constant 16 : i32
      %mul3A_54 = arith.muli %scan3A_51, %mul3A_53 : i32
      %add3A_55 = arith.addi %mul3A_2, %mul3A_54 : i32
      "tpu.region"() ({
        %run_scoped3A_57 = tpu.sem_alloc : memref<!tpu.dma_semaphore, #tpu.memory_space<semaphore_mem>>
        %dma_start3A_58 = arith.constant 0 : i32
        %dma_start3A_59 = tpu.memref_slice %arg10[%add3A_55, %dma_start3A_58] : memref<10240x80xf32, #tpu.memory_space<vmem_shared>> -> memref<16x80xf32, #tpu.memory_space<vmem_shared>>
        %dma_start3A_60 = arith.constant 0 : i32
        %dma_start3A_61 = tpu.memref_slice %arg10[%add3A_55, %dma_start3A_60] : memref<10240x80xf32, #tpu.memory_space<vmem_shared>> -> memref<16x80xf32, #tpu.memory_space<vmem_shared>>
        tpu.enqueue_dma source(%arg9 : memref<16x80xf32, #tpu.memory_space<vmem>>) target(%dma_start3A_61 : memref<16x80xf32, #tpu.memory_space<vmem_shared>>) target_semaphore(%run_scoped3A_57 : memref<!tpu.dma_semaphore, #tpu.memory_space<semaphore_mem>>)
        %dma_wait3A_62 = arith.constant 0 : i32
        %dma_wait3A_63 = tpu.memref_slice %arg10[%add3A_55, %dma_wait3A_62] : memref<10240x80xf32, #tpu.memory_space<vmem_shared>> -> memref<16x80xf32, #tpu.memory_space<vmem_shared>>
        %dma_wait3A_64 = arith.constant 0 : i32
        %dma_wait3A_65 = tpu.memref_slice %arg10[%add3A_55, %dma_wait3A_64] : memref<10240x80xf32, #tpu.memory_space<vmem_shared>> -> memref<16x80xf32, #tpu.memory_space<vmem_shared>>
        tpu.wait_dma2 semaphore(%run_scoped3A_57 : memref<!tpu.dma_semaphore, #tpu.memory_space<semaphore_mem>>) src(%arg9 : memref<16x80xf32, #tpu.memory_space<vmem>>) dst(%dma_wait3A_65 : memref<16x80xf32, #tpu.memory_space<vmem_shared>>)
        tpu.yield
      }) : () -> ()
      %scan3A_56 = arith.constant 0 : i32
      scf.yield %scan3A_56 : i32
    }
    %scan3A_17 = arith.constant 40 : i32
    %barrier3A = arith.constant 0 : index
    tpu.barrier barrier_id(%barrier3A)
    %dma_start3A = arith.constant 0 : i32
    %dma_start3A_18 = arith.constant 0 : i32
    %dma_start3A_19 = tpu.memref_slice %arg5[%dma_start3A, %dma_start3A_18] : memref<100x100xi32, #tpu.memory_space<vmem>> -> memref<1x100xi32, #tpu.memory_space<vmem>>
    %dma_start3A_20 = tpu.memref_squeeze %dma_start3A_19 : memref<1x100xi32, #tpu.memory_space<vmem>> -> memref<100xi32, #tpu.memory_space<vmem>>
    %dma_start3A_21 = arith.constant 0 : i32
    %dma_start3A_22 = arith.constant 0 : i32
    %dma_start3A_23 = tpu.memref_slice %arg2[%dma_start3A_21, %dma_start3A_22] : memref<10240x80xf32, #tpu.memory_space<hbm>> -> memref<10240x80xf32, #tpu.memory_space<hbm>>
    tpu.enqueue_indirect_dma source(%dma_start3A_23 : memref<10240x80xf32, #tpu.memory_space<hbm>>) target(%arg7 : memref<100x80xf32, #tpu.memory_space<vmem>>) offsets(%dma_start3A_20 : memref<100xi32, #tpu.memory_space<vmem>>) semaphore(%arg11 : memref<!tpu.dma_semaphore, #tpu.memory_space<semaphore_mem>>)
    %dma_start3A_24 = arith.constant 1 : i32
    %dma_start3A_25 = arith.constant 0 : i32
    %dma_start3A_26 = tpu.memref_slice %arg5[%dma_start3A_24, %dma_start3A_25] : memref<100x100xi32, #tpu.memory_space<vmem>> -> memref<1x100xi32, #tpu.memory_space<vmem>>
    %dma_start3A_27 = tpu.memref_squeeze %dma_start3A_26 : memref<1x100xi32, #tpu.memory_space<vmem>> -> memref<100xi32, #tpu.memory_space<vmem>>
    %dma_start3A_28 = arith.constant 0 : i32
    %dma_start3A_29 = arith.constant 0 : i32
    %dma_start3A_30 = tpu.memref_slice %arg2[%dma_start3A_28, %dma_start3A_29] : memref<10240x80xf32, #tpu.memory_space<hbm>> -> memref<10240x80xf32, #tpu.memory_space<hbm>>
    tpu.enqueue_indirect_dma source(%dma_start3A_30 : memref<10240x80xf32, #tpu.memory_space<hbm>>) target(%arg8 : memref<100x80xf32, #tpu.memory_space<vmem>>) offsets(%dma_start3A_27 : memref<100xi32, #tpu.memory_space<vmem>>) semaphore(%arg12 : memref<!tpu.dma_semaphore, #tpu.memory_space<semaphore_mem>>)
    %scan3A_31 = arith.constant 0 : i32
    %scan3A_32 = arith.constant 0 : i32
    %scan3A_33 = arith.constant 50 : i32
    %scan3A_34 = arith.addi %scan3A_32, %scan3A_33 : i32
    %scan3A_35 = arith.constant 1 : i32
    %scan3A_36 = scf.for %scan3A_51 = %scan3A_32 to %scan3A_34 step %scan3A_35 iter_args(%scan3A_52 = %scan3A_31) -> (i32)  : i32 {
      %mul3A_53 = arith.constant 2 : i32
      %mul3A_54 = arith.muli %scan3A_51, %mul3A_53 : i32
      %dma_wait3A_55 = arith.constant 0 : i32
      %dma_wait3A_56 = arith.constant 0 : i32
      %dma_wait3A_57 = tpu.memref_slice %arg2[%dma_wait3A_55, %dma_wait3A_56] : memref<10240x80xf32, #tpu.memory_space<hbm>> -> memref<100x80xf32, #tpu.memory_space<hbm>>
      %dma_wait3A_58 = arith.constant 0 : i32
      %dma_wait3A_59 = arith.constant 0 : i32
      %dma_wait3A_60 = tpu.memref_slice %arg2[%dma_wait3A_58, %dma_wait3A_59] : memref<10240x80xf32, #tpu.memory_space<hbm>> -> memref<100x80xf32, #tpu.memory_space<hbm>>
      tpu.wait_dma2 semaphore(%arg11 : memref<!tpu.dma_semaphore, #tpu.memory_space<semaphore_mem>>) src(%dma_wait3A_60 : memref<100x80xf32, #tpu.memory_space<hbm>>) dst(%arg7 : memref<100x80xf32, #tpu.memory_space<vmem>>)
      %add3A_61 = arith.constant 0 : i32
      %add3A_62 = arith.addi %mul3A_54, %add3A_61 : i32
      "tpu.region"() ({
        %run_scoped3A_95 = tpu.sem_alloc : memref<!tpu.dma_semaphore, #tpu.memory_space<semaphore_mem>>
        %dma_start3A_96 = arith.constant 0 : i32
        %dma_start3A_97 = tpu.memref_slice %arg6[%add3A_62, %dma_start3A_96] : memref<100x100xi32, #tpu.memory_space<vmem>> -> memref<1x100xi32, #tpu.memory_space<vmem>>
        %dma_start3A_98 = tpu.memref_squeeze %dma_start3A_97 : memref<1x100xi32, #tpu.memory_space<vmem>> -> memref<100xi32, #tpu.memory_space<vmem>>
        %dma_start3A_99 = arith.constant 0 : i32
        %dma_start3A_100 = arith.constant 0 : i32
        %dma_start3A_101 = tpu.memref_slice %arg10[%dma_start3A_99, %dma_start3A_100] : memref<10240x80xf32, #tpu.memory_space<vmem_shared>> -> memref<10240x80xf32, #tpu.memory_space<vmem_shared>>
        tpu.enqueue_indirect_dma source(%arg7 : memref<100x80xf32, #tpu.memory_space<vmem>>) target(%dma_start3A_101 : memref<10240x80xf32, #tpu.memory_space<vmem_shared>>) offsets(%dma_start3A_98 : memref<100xi32, #tpu.memory_space<vmem>>) semaphore(%run_scoped3A_95 : memref<!tpu.dma_semaphore, #tpu.memory_space<semaphore_mem>>) {add = true}
        %dma_wait3A_102 = arith.constant 0 : i32
        %dma_wait3A_103 = tpu.memref_slice %arg6[%add3A_62, %dma_wait3A_102] : memref<100x100xi32, #tpu.memory_space<vmem>> -> memref<1x100xi32, #tpu.memory_space<vmem>>
        %dma_wait3A_104 = tpu.memref_squeeze %dma_wait3A_103 : memref<1x100xi32, #tpu.memory_space<vmem>> -> memref<100xi32, #tpu.memory_space<vmem>>
        %dma_wait3A_105 = arith.constant 0 : i32
        %dma_wait3A_106 = arith.constant 0 : i32
        %dma_wait3A_107 = tpu.memref_slice %arg10[%dma_wait3A_105, %dma_wait3A_106] : memref<10240x80xf32, #tpu.memory_space<vmem_shared>> -> memref<10240x80xf32, #tpu.memory_space<vmem_shared>>
        tpu.wait_indirect_dma semaphore(%run_scoped3A_95 : memref<!tpu.dma_semaphore, #tpu.memory_space<semaphore_mem>>) src(%arg7 : memref<100x80xf32, #tpu.memory_space<vmem>>) dst(%dma_wait3A_107 : memref<10240x80xf32, #tpu.memory_space<vmem_shared>>)
        tpu.yield
      }) : () -> ()
      %add3A_63 = arith.constant 2 : i32
      %add3A_64 = arith.addi %mul3A_54, %add3A_63 : i32
      %add3A_65 = arith.constant 0 : i32
      %add3A_66 = arith.addi %add3A_64, %add3A_65 : i32
      %min3A = arith.constant 99 : i32
      %min3A_67 = arith.minsi %add3A_66, %min3A : i32
      %dma_start3A_68 = arith.constant 0 : i32
      %dma_start3A_69 = tpu.memref_slice %arg5[%min3A_67, %dma_start3A_68] : memref<100x100xi32, #tpu.memory_space<vmem>> -> memref<1x100xi32, #tpu.memory_space<vmem>>
      %dma_start3A_70 = tpu.memref_squeeze %dma_start3A_69 : memref<1x100xi32, #tpu.memory_space<vmem>> -> memref<100xi32, #tpu.memory_space<vmem>>
      %dma_start3A_71 = arith.constant 0 : i32
      %dma_start3A_72 = arith.constant 0 : i32
      %dma_start3A_73 = tpu.memref_slice %arg2[%dma_start3A_71, %dma_start3A_72] : memref<10240x80xf32, #tpu.memory_space<hbm>> -> memref<10240x80xf32, #tpu.memory_space<hbm>>
      tpu.enqueue_indirect_dma source(%dma_start3A_73 : memref<10240x80xf32, #tpu.memory_space<hbm>>) target(%arg7 : memref<100x80xf32, #tpu.memory_space<vmem>>) offsets(%dma_start3A_70 : memref<100xi32, #tpu.memory_space<vmem>>) semaphore(%arg11 : memref<!tpu.dma_semaphore, #tpu.memory_space<semaphore_mem>>)
      %dma_wait3A_74 = arith.constant 0 : i32
      %dma_wait3A_75 = arith.constant 0 : i32
      %dma_wait3A_76 = tpu.memref_slice %arg2[%dma_wait3A_74, %dma_wait3A_75] : memref<10240x80xf32, #tpu.memory_space<hbm>> -> memref<100x80xf32, #tpu.memory_space<hbm>>
      %dma_wait3A_77 = arith.constant 0 : i32
      %dma_wait3A_78 = arith.constant 0 : i32
      %dma_wait3A_79 = tpu.memref_slice %arg2[%dma_wait3A_77, %dma_wait3A_78] : memref<10240x80xf32, #tpu.memory_space<hbm>> -> memref<100x80xf32, #tpu.memory_space<hbm>>
      tpu.wait_dma2 semaphore(%arg12 : memref<!tpu.dma_semaphore, #tpu.memory_space<semaphore_mem>>) src(%dma_wait3A_79 : memref<100x80xf32, #tpu.memory_space<hbm>>) dst(%arg8 : memref<100x80xf32, #tpu.memory_space<vmem>>)
      %add3A_80 = arith.constant 1 : i32
      %add3A_81 = arith.addi %mul3A_54, %add3A_80 : i32
      "tpu.region"() ({
        %run_scoped3A_95 = tpu.sem_alloc : memref<!tpu.dma_semaphore, #tpu.memory_space<semaphore_mem>>
        %dma_start3A_96 = arith.constant 0 : i32
        %dma_start3A_97 = tpu.memref_slice %arg6[%add3A_81, %dma_start3A_96] : memref<100x100xi32, #tpu.memory_space<vmem>> -> memref<1x100xi32, #tpu.memory_space<vmem>>
        %dma_start3A_98 = tpu.memref_squeeze %dma_start3A_97 : memref<1x100xi32, #tpu.memory_space<vmem>> -> memref<100xi32, #tpu.memory_space<vmem>>
        %dma_start3A_99 = arith.constant 0 : i32
        %dma_start3A_100 = arith.constant 0 : i32
        %dma_start3A_101 = tpu.memref_slice %arg10[%dma_start3A_99, %dma_start3A_100] : memref<10240x80xf32, #tpu.memory_space<vmem_shared>> -> memref<10240x80xf32, #tpu.memory_space<vmem_shared>>
        tpu.enqueue_indirect_dma source(%arg8 : memref<100x80xf32, #tpu.memory_space<vmem>>) target(%dma_start3A_101 : memref<10240x80xf32, #tpu.memory_space<vmem_shared>>) offsets(%dma_start3A_98 : memref<100xi32, #tpu.memory_space<vmem>>) semaphore(%run_scoped3A_95 : memref<!tpu.dma_semaphore, #tpu.memory_space<semaphore_mem>>) {add = true}
        %dma_wait3A_102 = arith.constant 0 : i32
        %dma_wait3A_103 = tpu.memref_slice %arg6[%add3A_81, %dma_wait3A_102] : memref<100x100xi32, #tpu.memory_space<vmem>> -> memref<1x100xi32, #tpu.memory_space<vmem>>
        %dma_wait3A_104 = tpu.memref_squeeze %dma_wait3A_103 : memref<1x100xi32, #tpu.memory_space<vmem>> -> memref<100xi32, #tpu.memory_space<vmem>>
        %dma_wait3A_105 = arith.constant 0 : i32
        %dma_wait3A_106 = arith.constant 0 : i32
        %dma_wait3A_107 = tpu.memref_slice %arg10[%dma_wait3A_105, %dma_wait3A_106] : memref<10240x80xf32, #tpu.memory_space<vmem_shared>> -> memref<10240x80xf32, #tpu.memory_space<vmem_shared>>
        tpu.wait_indirect_dma semaphore(%run_scoped3A_95 : memref<!tpu.dma_semaphore, #tpu.memory_space<semaphore_mem>>) src(%arg8 : memref<100x80xf32, #tpu.memory_space<vmem>>) dst(%dma_wait3A_107 : memref<10240x80xf32, #tpu.memory_space<vmem_shared>>)
        tpu.yield
      }) : () -> ()
      %add3A_82 = arith.constant 2 : i32
      %add3A_83 = arith.addi %mul3A_54, %add3A_82 : i32
      %add3A_84 = arith.constant 1 : i32
      %add3A_85 = arith.addi %add3A_83, %add3A_84 : i32
      %min3A_86 = arith.constant 99 : i32
      %min3A_87 = arith.minsi %add3A_85, %min3A_86 : i32
      %dma_start3A_88 = arith.constant 0 : i32
      %dma_start3A_89 = tpu.memref_slice %arg5[%min3A_87, %dma_start3A_88] : memref<100x100xi32, #tpu.memory_space<vmem>> -> memref<1x100xi32, #tpu.memory_space<vmem>>
      %dma_start3A_90 = tpu.memref_squeeze %dma_start3A_89 : memref<1x100xi32, #tpu.memory_space<vmem>> -> memref<100xi32, #tpu.memory_space<vmem>>
      %dma_start3A_91 = arith.constant 0 : i32
      %dma_start3A_92 = arith.constant 0 : i32
      %dma_start3A_93 = tpu.memref_slice %arg2[%dma_start3A_91, %dma_start3A_92] : memref<10240x80xf32, #tpu.memory_space<hbm>> -> memref<10240x80xf32, #tpu.memory_space<hbm>>
      tpu.enqueue_indirect_dma source(%dma_start3A_93 : memref<10240x80xf32, #tpu.memory_space<hbm>>) target(%arg8 : memref<100x80xf32, #tpu.memory_space<vmem>>) offsets(%dma_start3A_90 : memref<100xi32, #tpu.memory_space<vmem>>) semaphore(%arg12 : memref<!tpu.dma_semaphore, #tpu.memory_space<semaphore_mem>>)
      %scan3A_94 = arith.constant 0 : i32
      scf.yield %scan3A_94 : i32
    }
    %scan3A_37 = arith.constant 50 : i32
    %dma_wait3A = arith.constant 0 : i32
    %dma_wait3A_38 = arith.constant 0 : i32
    %dma_wait3A_39 = tpu.memref_slice %arg2[%dma_wait3A, %dma_wait3A_38] : memref<10240x80xf32, #tpu.memory_space<hbm>> -> memref<100x80xf32, #tpu.memory_space<hbm>>
    %dma_wait3A_40 = arith.constant 0 : i32
    %dma_wait3A_41 = arith.constant 0 : i32
    %dma_wait3A_42 = tpu.memref_slice %arg2[%dma_wait3A_40, %dma_wait3A_41] : memref<10240x80xf32, #tpu.memory_space<hbm>> -> memref<100x80xf32, #tpu.memory_space<hbm>>
    tpu.wait_dma2 semaphore(%arg11 : memref<!tpu.dma_semaphore, #tpu.memory_space<semaphore_mem>>) src(%dma_wait3A_42 : memref<100x80xf32, #tpu.memory_space<hbm>>) dst(%arg7 : memref<100x80xf32, #tpu.memory_space<vmem>>)
    %dma_wait3A_43 = arith.constant 0 : i32
    %dma_wait3A_44 = arith.constant 0 : i32
    %dma_wait3A_45 = tpu.memref_slice %arg2[%dma_wait3A_43, %dma_wait3A_44] : memref<10240x80xf32, #tpu.memory_space<hbm>> -> memref<100x80xf32, #tpu.memory_space<hbm>>
    %dma_wait3A_46 = arith.constant 0 : i32
    %dma_wait3A_47 = arith.constant 0 : i32
    %dma_wait3A_48 = tpu.memref_slice %arg2[%dma_wait3A_46, %dma_wait3A_47] : memref<10240x80xf32, #tpu.memory_space<hbm>> -> memref<100x80xf32, #tpu.memory_space<hbm>>
    tpu.wait_dma2 semaphore(%arg12 : memref<!tpu.dma_semaphore, #tpu.memory_space<semaphore_mem>>) src(%dma_wait3A_48 : memref<100x80xf32, #tpu.memory_space<hbm>>) dst(%arg8 : memref<100x80xf32, #tpu.memory_space<vmem>>)
    %barrier3A_49 = arith.constant 0 : index
    tpu.barrier barrier_id(%barrier3A_49)
    %run_scoped3A_50 = arith.constant 0 : i32
    "tpu.region"() ({
      %run_scoped3A_51 = tpu.sem_alloc : memref<!tpu.dma_semaphore, #tpu.memory_space<semaphore_mem>>
      %dma_start3A_52 = arith.constant 0 : i32
      %dma_start3A_53 = tpu.memref_slice %arg4[%arg0, %run_scoped3A_50, %mul3A_2, %dma_start3A_52] : memref<2x1x10240x80xf32, #tpu.memory_space<hbm>> -> memref<1x1x640x80xf32, #tpu.memory_space<hbm>>
      %dma_start3A_54 = tpu.memref_squeeze %dma_start3A_53 : memref<1x1x640x80xf32, #tpu.memory_space<hbm>> -> memref<640x80xf32, #tpu.memory_space<hbm>>
      %dma_start3A_55 = arith.constant 0 : i32
      %dma_start3A_56 = tpu.memref_slice %arg10[%mul3A_2, %dma_start3A_55] : memref<10240x80xf32, #tpu.memory_space<vmem_shared>> -> memref<640x80xf32, #tpu.memory_space<vmem_shared>>
      tpu.enqueue_dma source(%dma_start3A_56 : memref<640x80xf32, #tpu.memory_space<vmem_shared>>) target(%dma_start3A_54 : memref<640x80xf32, #tpu.memory_space<hbm>>) target_semaphore(%run_scoped3A_51 : memref<!tpu.dma_semaphore, #tpu.memory_space<semaphore_mem>>)
      %dma_wait3A_57 = arith.constant 0 : i32
      %dma_wait3A_58 = tpu.memref_slice %arg4[%arg0, %run_scoped3A_50, %mul3A_2, %dma_wait3A_57] : memref<2x1x10240x80xf32, #tpu.memory_space<hbm>> -> memref<1x1x640x80xf32, #tpu.memory_space<hbm>>
      %dma_wait3A_59 = tpu.memref_squeeze %dma_wait3A_58 : memref<1x1x640x80xf32, #tpu.memory_space<hbm>> -> memref<640x80xf32, #tpu.memory_space<hbm>>
      %dma_wait3A_60 = arith.constant 0 : i32
      %dma_wait3A_61 = tpu.memref_slice %arg10[%mul3A_2, %dma_wait3A_60] : memref<10240x80xf32, #tpu.memory_space<vmem_shared>> -> memref<640x80xf32, #tpu.memory_space<vmem_shared>>
      tpu.wait_dma2 semaphore(%run_scoped3A_51 : memref<!tpu.dma_semaphore, #tpu.memory_space<semaphore_mem>>) src(%dma_wait3A_61 : memref<640x80xf32, #tpu.memory_space<vmem_shared>>) dst(%dma_wait3A_59 : memref<640x80xf32, #tpu.memory_space<hbm>>)
      tpu.yield
    }) : () -> ()
    return
  }
}

#map = affine_map<(d0, d1) -> (0, 0)>
#map1 = affine_map<(d0, d1) -> (0, 0, 0, 0)>
module attributes {stable_mosaic.version = 14 : i64} {
  func.func @body(%arg0: i32, %arg1: i32, %arg2: memref<10240x128xf32, #tpu.memory_space<hbm>>, %arg3: memref<2x32x100x100xi32, #tpu.memory_space<hbm>>, %arg4: memref<2x1x10240x128xf32, #tpu.memory_space<hbm>>, %arg5: memref<100x100xi32, #tpu.memory_space<vmem>>, %arg6: memref<100x100xi32, #tpu.memory_space<vmem>>, %arg7: memref<100x128xf32, #tpu.memory_space<vmem>>, %arg8: memref<100x128xf32, #tpu.memory_space<vmem>>, %arg9: memref<16x128xf32, #tpu.memory_space<vmem>>, %arg10: memref<10240x128xf32, #tpu.memory_space<vmem_shared>>, %arg11: memref<!tpu.dma_semaphore, #tpu.memory_space<semaphore_mem>>, %arg12: memref<!tpu.dma_semaphore, #tpu.memory_space<semaphore_mem>>, %arg13: memref<!tpu.dma_semaphore, #tpu.memory_space<semaphore_mem>>, %arg14: memref<!tpu.dma_semaphore, #tpu.memory_space<semaphore_mem>>) attributes {dimension_semantics = [#tpu.dimension_semantics<core_parallel>, #tpu.dimension_semantics<subcore_parallel>], iteration_bounds = array<i64: 2, 16>, scalar_prefetch = 0 : i64, scratch_operands = 10 : i64, tpu.core_type = #tpu.core_type<sc_vector_subcore>, window_params = [{transform_indices = #map}, {transform_indices = #map1}, {transform_indices = #map1}]} {
    %mul3A = arith.constant 2 : i32
    %mul3A_0 = arith.muli %arg1, %mul3A : i32
    %add3A = arith.addi %mul3A_0, %arg0 : i32
    %mul3A_1 = arith.constant 640 : i32
    %mul3A_2 = arith.muli %arg1, %mul3A_1 : i32
    %run_scoped3A = arith.constant 0 : i32
    "tpu.region"() ({
      %run_scoped3A_51 = tpu.sem_alloc : memref<!tpu.dma_semaphore, #tpu.memory_space<semaphore_mem>>
      %dma_start3A_52 = arith.constant 0 : i32
      %dma_start3A_53 = arith.constant 0 : i32
      %dma_start3A_54 = tpu.memref_slice %arg3[%run_scoped3A, %add3A, %dma_start3A_52, %dma_start3A_53] : memref<2x32x100x100xi32, #tpu.memory_space<hbm>> -> memref<1x1x100x100xi32, #tpu.memory_space<hbm>>
      %dma_start3A_55 = tpu.memref_squeeze %dma_start3A_54 : memref<1x1x100x100xi32, #tpu.memory_space<hbm>> -> memref<100x100xi32, #tpu.memory_space<hbm>>
      %dma_start3A_56 = arith.constant 0 : i32
      %dma_start3A_57 = arith.constant 0 : i32
      %dma_start3A_58 = tpu.memref_slice %arg3[%run_scoped3A, %add3A, %dma_start3A_56, %dma_start3A_57] : memref<2x32x100x100xi32, #tpu.memory_space<hbm>> -> memref<1x1x100x100xi32, #tpu.memory_space<hbm>>
      %dma_start3A_59 = tpu.memref_squeeze %dma_start3A_58 : memref<1x1x100x100xi32, #tpu.memory_space<hbm>> -> memref<100x100xi32, #tpu.memory_space<hbm>>
      tpu.enqueue_dma source(%dma_start3A_59 : memref<100x100xi32, #tpu.memory_space<hbm>>) target(%arg5 : memref<100x100xi32, #tpu.memory_space<vmem>>) target_semaphore(%run_scoped3A_51 : memref<!tpu.dma_semaphore, #tpu.memory_space<semaphore_mem>>)
      %dma_wait3A_60 = arith.constant 0 : i32
      %dma_wait3A_61 = arith.constant 0 : i32
      %dma_wait3A_62 = tpu.memref_slice %arg3[%run_scoped3A, %add3A, %dma_wait3A_60, %dma_wait3A_61] : memref<2x32x100x100xi32, #tpu.memory_space<hbm>> -> memref<1x1x100x100xi32, #tpu.memory_space<hbm>>
      %dma_wait3A_63 = tpu.memref_squeeze %dma_wait3A_62 : memref<1x1x100x100xi32, #tpu.memory_space<hbm>> -> memref<100x100xi32, #tpu.memory_space<hbm>>
      %dma_wait3A_64 = arith.constant 0 : i32
      %dma_wait3A_65 = arith.constant 0 : i32
      %dma_wait3A_66 = tpu.memref_slice %arg3[%run_scoped3A, %add3A, %dma_wait3A_64, %dma_wait3A_65] : memref<2x32x100x100xi32, #tpu.memory_space<hbm>> -> memref<1x1x100x100xi32, #tpu.memory_space<hbm>>
      %dma_wait3A_67 = tpu.memref_squeeze %dma_wait3A_66 : memref<1x1x100x100xi32, #tpu.memory_space<hbm>> -> memref<100x100xi32, #tpu.memory_space<hbm>>
      tpu.wait_dma2 semaphore(%run_scoped3A_51 : memref<!tpu.dma_semaphore, #tpu.memory_space<semaphore_mem>>) src(%dma_wait3A_67 : memref<100x100xi32, #tpu.memory_space<hbm>>) dst(%arg5 : memref<100x100xi32, #tpu.memory_space<vmem>>)
      tpu.yield
    }) : () -> ()
    %run_scoped3A_3 = arith.constant 1 : i32
    "tpu.region"() ({
      %run_scoped3A_51 = tpu.sem_alloc : memref<!tpu.dma_semaphore, #tpu.memory_space<semaphore_mem>>
      %dma_start3A_52 = arith.constant 0 : i32
      %dma_start3A_53 = arith.constant 0 : i32
      %dma_start3A_54 = tpu.memref_slice %arg3[%run_scoped3A_3, %add3A, %dma_start3A_52, %dma_start3A_53] : memref<2x32x100x100xi32, #tpu.memory_space<hbm>> -> memref<1x1x100x100xi32, #tpu.memory_space<hbm>>
      %dma_start3A_55 = tpu.memref_squeeze %dma_start3A_54 : memref<1x1x100x100xi32, #tpu.memory_space<hbm>> -> memref<100x100xi32, #tpu.memory_space<hbm>>
      %dma_start3A_56 = arith.constant 0 : i32
      %dma_start3A_57 = arith.constant 0 : i32
      %dma_start3A_58 = tpu.memref_slice %arg3[%run_scoped3A_3, %add3A, %dma_start3A_56, %dma_start3A_57] : memref<2x32x100x100xi32, #tpu.memory_space<hbm>> -> memref<1x1x100x100xi32, #tpu.memory_space<hbm>>
      %dma_start3A_59 = tpu.memref_squeeze %dma_start3A_58 : memref<1x1x100x100xi32, #tpu.memory_space<hbm>> -> memref<100x100xi32, #tpu.memory_space<hbm>>
      tpu.enqueue_dma source(%dma_start3A_59 : memref<100x100xi32, #tpu.memory_space<hbm>>) target(%arg6 : memref<100x100xi32, #tpu.memory_space<vmem>>) target_semaphore(%run_scoped3A_51 : memref<!tpu.dma_semaphore, #tpu.memory_space<semaphore_mem>>)
      %dma_wait3A_60 = arith.constant 0 : i32
      %dma_wait3A_61 = arith.constant 0 : i32
      %dma_wait3A_62 = tpu.memref_slice %arg3[%run_scoped3A_3, %add3A, %dma_wait3A_60, %dma_wait3A_61] : memref<2x32x100x100xi32, #tpu.memory_space<hbm>> -> memref<1x1x100x100xi32, #tpu.memory_space<hbm>>
      %dma_wait3A_63 = tpu.memref_squeeze %dma_wait3A_62 : memref<1x1x100x100xi32, #tpu.memory_space<hbm>> -> memref<100x100xi32, #tpu.memory_space<hbm>>
      %dma_wait3A_64 = arith.constant 0 : i32
      %dma_wait3A_65 = arith.constant 0 : i32
      %dma_wait3A_66 = tpu.memref_slice %arg3[%run_scoped3A_3, %add3A, %dma_wait3A_64, %dma_wait3A_65] : memref<2x32x100x100xi32, #tpu.memory_space<hbm>> -> memref<1x1x100x100xi32, #tpu.memory_space<hbm>>
      %dma_wait3A_67 = tpu.memref_squeeze %dma_wait3A_66 : memref<1x1x100x100xi32, #tpu.memory_space<hbm>> -> memref<100x100xi32, #tpu.memory_space<hbm>>
      tpu.wait_dma2 semaphore(%run_scoped3A_51 : memref<!tpu.dma_semaphore, #tpu.memory_space<semaphore_mem>>) src(%dma_wait3A_67 : memref<100x100xi32, #tpu.memory_space<hbm>>) dst(%arg6 : memref<100x100xi32, #tpu.memory_space<vmem>>)
      tpu.yield
    }) : () -> ()
    %broadcast_in_dim3A = arith.constant 0.000000e+00 : f32
    %broadcast_in_dim3A_4 = vector.broadcast %broadcast_in_dim3A : f32 to vector<16xf32>
    %scan3A = arith.constant 0 : i32
    %scan3A_5 = arith.constant 0 : i32
    %scan3A_6 = arith.constant 16 : i32
    %scan3A_7 = arith.addi %scan3A_5, %scan3A_6 : i32
    %scan3A_8 = arith.constant 1 : i32
    %scan3A_9 = scf.for %scan3A_51 = %scan3A_5 to %scan3A_7 step %scan3A_8 iter_args(%scan3A_52 = %scan3A) -> (i32)  : i32 {
      %swap3A = arith.index_cast %scan3A_51 : i32 to index
      %swap3A_53 = arith.constant 0 : index
      %swap3A_54 = tpu.vector_load %arg9[%swap3A, %swap3A_53] {strides = array<i32>} : memref<16x128xf32, #tpu.memory_space<vmem>>, vector<1x16xf32>,
      %swap3A_55 = vector.shape_cast %swap3A_54 : vector<1x16xf32> to vector<16xf32>
      %swap3A_56 = vector.shape_cast %broadcast_in_dim3A_4 : vector<16xf32> to vector<1x16xf32>
      tpu.vector_store %arg9[%swap3A, %swap3A_53], %swap3A_56 {strides = array<i32>} : memref<16x128xf32, #tpu.memory_space<vmem>>, vector<1x16xf32>,
      %swap3A_57 = arith.index_cast %scan3A_51 : i32 to index
      %swap3A_58 = arith.constant 16 : index
      %swap3A_59 = tpu.vector_load %arg9[%swap3A_57, %swap3A_58] {strides = array<i32>} : memref<16x128xf32, #tpu.memory_space<vmem>>, vector<1x16xf32>,
      %swap3A_60 = vector.shape_cast %swap3A_59 : vector<1x16xf32> to vector<16xf32>
      %swap3A_61 = vector.shape_cast %broadcast_in_dim3A_4 : vector<16xf32> to vector<1x16xf32>
      tpu.vector_store %arg9[%swap3A_57, %swap3A_58], %swap3A_61 {strides = array<i32>} : memref<16x128xf32, #tpu.memory_space<vmem>>, vector<1x16xf32>,
      %swap3A_62 = arith.index_cast %scan3A_51 : i32 to index
      %swap3A_63 = arith.constant 32 : index
      %swap3A_64 = tpu.vector_load %arg9[%swap3A_62, %swap3A_63] {strides = array<i32>} : memref<16x128xf32, #tpu.memory_space<vmem>>, vector<1x16xf32>,
      %swap3A_65 = vector.shape_cast %swap3A_64 : vector<1x16xf32> to vector<16xf32>
      %swap3A_66 = vector.shape_cast %broadcast_in_dim3A_4 : vector<16xf32> to vector<1x16xf32>
      tpu.vector_store %arg9[%swap3A_62, %swap3A_63], %swap3A_66 {strides = array<i32>} : memref<16x128xf32, #tpu.memory_space<vmem>>, vector<1x16xf32>,
      %swap3A_67 = arith.index_cast %scan3A_51 : i32 to index
      %swap3A_68 = arith.constant 48 : index
      %swap3A_69 = tpu.vector_load %arg9[%swap3A_67, %swap3A_68] {strides = array<i32>} : memref<16x128xf32, #tpu.memory_space<vmem>>, vector<1x16xf32>,
      %swap3A_70 = vector.shape_cast %swap3A_69 : vector<1x16xf32> to vector<16xf32>
      %swap3A_71 = vector.shape_cast %broadcast_in_dim3A_4 : vector<16xf32> to vector<1x16xf32>
      tpu.vector_store %arg9[%swap3A_67, %swap3A_68], %swap3A_71 {strides = array<i32>} : memref<16x128xf32, #tpu.memory_space<vmem>>, vector<1x16xf32>,
      %swap3A_72 = arith.index_cast %scan3A_51 : i32 to index
      %swap3A_73 = arith.constant 64 : index
      %swap3A_74 = tpu.vector_load %arg9[%swap3A_72, %swap3A_73] {strides = array<i32>} : memref<16x128xf32, #tpu.memory_space<vmem>>, vector<1x16xf32>,
      %swap3A_75 = vector.shape_cast %swap3A_74 : vector<1x16xf32> to vector<16xf32>
      %swap3A_76 = vector.shape_cast %broadcast_in_dim3A_4 : vector<16xf32> to vector<1x16xf32>
      tpu.vector_store %arg9[%swap3A_72, %swap3A_73], %swap3A_76 {strides = array<i32>} : memref<16x128xf32, #tpu.memory_space<vmem>>, vector<1x16xf32>,
      %swap3A_77 = arith.index_cast %scan3A_51 : i32 to index
      %swap3A_78 = arith.constant 80 : index
      %swap3A_79 = tpu.vector_load %arg9[%swap3A_77, %swap3A_78] {strides = array<i32>} : memref<16x128xf32, #tpu.memory_space<vmem>>, vector<1x16xf32>,
      %swap3A_80 = vector.shape_cast %swap3A_79 : vector<1x16xf32> to vector<16xf32>
      %swap3A_81 = vector.shape_cast %broadcast_in_dim3A_4 : vector<16xf32> to vector<1x16xf32>
      tpu.vector_store %arg9[%swap3A_77, %swap3A_78], %swap3A_81 {strides = array<i32>} : memref<16x128xf32, #tpu.memory_space<vmem>>, vector<1x16xf32>,
      %swap3A_82 = arith.index_cast %scan3A_51 : i32 to index
      %swap3A_83 = arith.constant 96 : index
      %swap3A_84 = tpu.vector_load %arg9[%swap3A_82, %swap3A_83] {strides = array<i32>} : memref<16x128xf32, #tpu.memory_space<vmem>>, vector<1x16xf32>,
      %swap3A_85 = vector.shape_cast %swap3A_84 : vector<1x16xf32> to vector<16xf32>
      %swap3A_86 = vector.shape_cast %broadcast_in_dim3A_4 : vector<16xf32> to vector<1x16xf32>
      tpu.vector_store %arg9[%swap3A_82, %swap3A_83], %swap3A_86 {strides = array<i32>} : memref<16x128xf32, #tpu.memory_space<vmem>>, vector<1x16xf32>,
      %swap3A_87 = arith.index_cast %scan3A_51 : i32 to index
      %swap3A_88 = arith.constant 112 : index
      %swap3A_89 = tpu.vector_load %arg9[%swap3A_87, %swap3A_88] {strides = array<i32>} : memref<16x128xf32, #tpu.memory_space<vmem>>, vector<1x16xf32>,
      %swap3A_90 = vector.shape_cast %swap3A_89 : vector<1x16xf32> to vector<16xf32>
      %swap3A_91 = vector.shape_cast %broadcast_in_dim3A_4 : vector<16xf32> to vector<1x16xf32>
      tpu.vector_store %arg9[%swap3A_87, %swap3A_88], %swap3A_91 {strides = array<i32>} : memref<16x128xf32, #tpu.memory_space<vmem>>, vector<1x16xf32>,
      %scan3A_92 = arith.constant 0 : i32
      scf.yield %scan3A_92 : i32
    }
    %scan3A_10 = arith.constant 16 : i32
    %scan3A_11 = arith.constant 0 : i32
    %scan3A_12 = arith.constant 0 : i32
    %scan3A_13 = arith.constant 40 : i32
    %scan3A_14 = arith.addi %scan3A_12, %scan3A_13 : i32
    %scan3A_15 = arith.constant 1 : i32
    %scan3A_16 = scf.for %scan3A_51 = %scan3A_12 to %scan3A_14 step %scan3A_15 iter_args(%scan3A_52 = %scan3A_11) -> (i32)  : i32 {
      %mul3A_53 = arith.constant 16 : i32
      %mul3A_54 = arith.muli %scan3A_51, %mul3A_53 : i32
      %add3A_55 = arith.addi %mul3A_2, %mul3A_54 : i32
      "tpu.region"() ({
        %run_scoped3A_57 = tpu.sem_alloc : memref<!tpu.dma_semaphore, #tpu.memory_space<semaphore_mem>>
        %dma_start3A_58 = arith.constant 0 : i32
        %dma_start3A_59 = tpu.memref_slice %arg10[%add3A_55, %dma_start3A_58] : memref<10240x128xf32, #tpu.memory_space<vmem_shared>> -> memref<16x128xf32, #tpu.memory_space<vmem_shared>>
        %dma_start3A_60 = arith.constant 0 : i32
        %dma_start3A_61 = tpu.memref_slice %arg10[%add3A_55, %dma_start3A_60] : memref<10240x128xf32, #tpu.memory_space<vmem_shared>> -> memref<16x128xf32, #tpu.memory_space<vmem_shared>>
        tpu.enqueue_dma source(%arg9 : memref<16x128xf32, #tpu.memory_space<vmem>>) target(%dma_start3A_61 : memref<16x128xf32, #tpu.memory_space<vmem_shared>>) target_semaphore(%run_scoped3A_57 : memref<!tpu.dma_semaphore, #tpu.memory_space<semaphore_mem>>)
        %dma_wait3A_62 = arith.constant 0 : i32
        %dma_wait3A_63 = tpu.memref_slice %arg10[%add3A_55, %dma_wait3A_62] : memref<10240x128xf32, #tpu.memory_space<vmem_shared>> -> memref<16x128xf32, #tpu.memory_space<vmem_shared>>
        %dma_wait3A_64 = arith.constant 0 : i32
        %dma_wait3A_65 = tpu.memref_slice %arg10[%add3A_55, %dma_wait3A_64] : memref<10240x128xf32, #tpu.memory_space<vmem_shared>> -> memref<16x128xf32, #tpu.memory_space<vmem_shared>>
        tpu.wait_dma2 semaphore(%run_scoped3A_57 : memref<!tpu.dma_semaphore, #tpu.memory_space<semaphore_mem>>) src(%arg9 : memref<16x128xf32, #tpu.memory_space<vmem>>) dst(%dma_wait3A_65 : memref<16x128xf32, #tpu.memory_space<vmem_shared>>)
        tpu.yield
      }) : () -> ()
      %scan3A_56 = arith.constant 0 : i32
      scf.yield %scan3A_56 : i32
    }
    %scan3A_17 = arith.constant 40 : i32
    %barrier3A = arith.constant 0 : index
    tpu.barrier barrier_id(%barrier3A)
    %dma_start3A = arith.constant 0 : i32
    %dma_start3A_18 = arith.constant 0 : i32
    %dma_start3A_19 = tpu.memref_slice %arg5[%dma_start3A, %dma_start3A_18] : memref<100x100xi32, #tpu.memory_space<vmem>> -> memref<1x100xi32, #tpu.memory_space<vmem>>
    %dma_start3A_20 = tpu.memref_squeeze %dma_start3A_19 : memref<1x100xi32, #tpu.memory_space<vmem>> -> memref<100xi32, #tpu.memory_space<vmem>>
    %dma_start3A_21 = arith.constant 0 : i32
    %dma_start3A_22 = arith.constant 0 : i32
    %dma_start3A_23 = tpu.memref_slice %arg2[%dma_start3A_21, %dma_start3A_22] : memref<10240x128xf32, #tpu.memory_space<hbm>> -> memref<10240x128xf32, #tpu.memory_space<hbm>>
    tpu.enqueue_indirect_dma source(%dma_start3A_23 : memref<10240x128xf32, #tpu.memory_space<hbm>>) target(%arg7 : memref<100x128xf32, #tpu.memory_space<vmem>>) offsets(%dma_start3A_20 : memref<100xi32, #tpu.memory_space<vmem>>) semaphore(%arg11 : memref<!tpu.dma_semaphore, #tpu.memory_space<semaphore_mem>>)
    %dma_start3A_24 = arith.constant 1 : i32
    %dma_start3A_25 = arith.constant 0 : i32
    %dma_start3A_26 = tpu.memref_slice %arg5[%dma_start3A_24, %dma_start3A_25] : memref<100x100xi32, #tpu.memory_space<vmem>> -> memref<1x100xi32, #tpu.memory_space<vmem>>
    %dma_start3A_27 = tpu.memref_squeeze %dma_start3A_26 : memref<1x100xi32, #tpu.memory_space<vmem>> -> memref<100xi32, #tpu.memory_space<vmem>>
    %dma_start3A_28 = arith.constant 0 : i32
    %dma_start3A_29 = arith.constant 0 : i32
    %dma_start3A_30 = tpu.memref_slice %arg2[%dma_start3A_28, %dma_start3A_29] : memref<10240x128xf32, #tpu.memory_space<hbm>> -> memref<10240x128xf32, #tpu.memory_space<hbm>>
    tpu.enqueue_indirect_dma source(%dma_start3A_30 : memref<10240x128xf32, #tpu.memory_space<hbm>>) target(%arg8 : memref<100x128xf32, #tpu.memory_space<vmem>>) offsets(%dma_start3A_27 : memref<100xi32, #tpu.memory_space<vmem>>) semaphore(%arg12 : memref<!tpu.dma_semaphore, #tpu.memory_space<semaphore_mem>>)
    %scan3A_31 = arith.constant 0 : i32
    %scan3A_32 = arith.constant 0 : i32
    %scan3A_33 = arith.constant 50 : i32
    %scan3A_34 = arith.addi %scan3A_32, %scan3A_33 : i32
    %scan3A_35 = arith.constant 1 : i32
    %scan3A_36 = scf.for %scan3A_51 = %scan3A_32 to %scan3A_34 step %scan3A_35 iter_args(%scan3A_52 = %scan3A_31) -> (i32)  : i32 {
      %mul3A_53 = arith.constant 2 : i32
      %mul3A_54 = arith.muli %scan3A_51, %mul3A_53 : i32
      %dma_wait3A_55 = arith.constant 0 : i32
      %dma_wait3A_56 = arith.constant 0 : i32
      %dma_wait3A_57 = tpu.memref_slice %arg2[%dma_wait3A_55, %dma_wait3A_56] : memref<10240x128xf32, #tpu.memory_space<hbm>> -> memref<100x128xf32, #tpu.memory_space<hbm>>
      %dma_wait3A_58 = arith.constant 0 : i32
      %dma_wait3A_59 = arith.constant 0 : i32
      %dma_wait3A_60 = tpu.memref_slice %arg2[%dma_wait3A_58, %dma_wait3A_59] : memref<10240x128xf32, #tpu.memory_space<hbm>> -> memref<100x128xf32, #tpu.memory_space<hbm>>
      tpu.wait_dma2 semaphore(%arg11 : memref<!tpu.dma_semaphore, #tpu.memory_space<semaphore_mem>>) src(%dma_wait3A_60 : memref<100x128xf32, #tpu.memory_space<hbm>>) dst(%arg7 : memref<100x128xf32, #tpu.memory_space<vmem>>)
      %add3A_61 = arith.constant 0 : i32
      %add3A_62 = arith.addi %mul3A_54, %add3A_61 : i32
      "tpu.region"() ({
        %run_scoped3A_95 = tpu.sem_alloc : memref<!tpu.dma_semaphore, #tpu.memory_space<semaphore_mem>>
        %dma_start3A_96 = arith.constant 0 : i32
        %dma_start3A_97 = tpu.memref_slice %arg6[%add3A_62, %dma_start3A_96] : memref<100x100xi32, #tpu.memory_space<vmem>> -> memref<1x100xi32, #tpu.memory_space<vmem>>
        %dma_start3A_98 = tpu.memref_squeeze %dma_start3A_97 : memref<1x100xi32, #tpu.memory_space<vmem>> -> memref<100xi32, #tpu.memory_space<vmem>>
        %dma_start3A_99 = arith.constant 0 : i32
        %dma_start3A_100 = arith.constant 0 : i32
        %dma_start3A_101 = tpu.memref_slice %arg10[%dma_start3A_99, %dma_start3A_100] : memref<10240x128xf32, #tpu.memory_space<vmem_shared>> -> memref<10240x128xf32, #tpu.memory_space<vmem_shared>>
        tpu.enqueue_indirect_dma source(%arg7 : memref<100x128xf32, #tpu.memory_space<vmem>>) target(%dma_start3A_101 : memref<10240x128xf32, #tpu.memory_space<vmem_shared>>) offsets(%dma_start3A_98 : memref<100xi32, #tpu.memory_space<vmem>>) semaphore(%run_scoped3A_95 : memref<!tpu.dma_semaphore, #tpu.memory_space<semaphore_mem>>) {add = true}
        %dma_wait3A_102 = arith.constant 0 : i32
        %dma_wait3A_103 = tpu.memref_slice %arg6[%add3A_62, %dma_wait3A_102] : memref<100x100xi32, #tpu.memory_space<vmem>> -> memref<1x100xi32, #tpu.memory_space<vmem>>
        %dma_wait3A_104 = tpu.memref_squeeze %dma_wait3A_103 : memref<1x100xi32, #tpu.memory_space<vmem>> -> memref<100xi32, #tpu.memory_space<vmem>>
        %dma_wait3A_105 = arith.constant 0 : i32
        %dma_wait3A_106 = arith.constant 0 : i32
        %dma_wait3A_107 = tpu.memref_slice %arg10[%dma_wait3A_105, %dma_wait3A_106] : memref<10240x128xf32, #tpu.memory_space<vmem_shared>> -> memref<10240x128xf32, #tpu.memory_space<vmem_shared>>
        tpu.wait_indirect_dma semaphore(%run_scoped3A_95 : memref<!tpu.dma_semaphore, #tpu.memory_space<semaphore_mem>>) src(%arg7 : memref<100x128xf32, #tpu.memory_space<vmem>>) dst(%dma_wait3A_107 : memref<10240x128xf32, #tpu.memory_space<vmem_shared>>)
        tpu.yield
      }) : () -> ()
      %add3A_63 = arith.constant 2 : i32
      %add3A_64 = arith.addi %mul3A_54, %add3A_63 : i32
      %add3A_65 = arith.constant 0 : i32
      %add3A_66 = arith.addi %add3A_64, %add3A_65 : i32
      %min3A = arith.constant 99 : i32
      %min3A_67 = arith.minsi %add3A_66, %min3A : i32
      %dma_start3A_68 = arith.constant 0 : i32
      %dma_start3A_69 = tpu.memref_slice %arg5[%min3A_67, %dma_start3A_68] : memref<100x100xi32, #tpu.memory_space<vmem>> -> memref<1x100xi32, #tpu.memory_space<vmem>>
      %dma_start3A_70 = tpu.memref_squeeze %dma_start3A_69 : memref<1x100xi32, #tpu.memory_space<vmem>> -> memref<100xi32, #tpu.memory_space<vmem>>
      %dma_start3A_71 = arith.constant 0 : i32
      %dma_start3A_72 = arith.constant 0 : i32
      %dma_start3A_73 = tpu.memref_slice %arg2[%dma_start3A_71, %dma_start3A_72] : memref<10240x128xf32, #tpu.memory_space<hbm>> -> memref<10240x128xf32, #tpu.memory_space<hbm>>
      tpu.enqueue_indirect_dma source(%dma_start3A_73 : memref<10240x128xf32, #tpu.memory_space<hbm>>) target(%arg7 : memref<100x128xf32, #tpu.memory_space<vmem>>) offsets(%dma_start3A_70 : memref<100xi32, #tpu.memory_space<vmem>>) semaphore(%arg11 : memref<!tpu.dma_semaphore, #tpu.memory_space<semaphore_mem>>)
      %dma_wait3A_74 = arith.constant 0 : i32
      %dma_wait3A_75 = arith.constant 0 : i32
      %dma_wait3A_76 = tpu.memref_slice %arg2[%dma_wait3A_74, %dma_wait3A_75] : memref<10240x128xf32, #tpu.memory_space<hbm>> -> memref<100x128xf32, #tpu.memory_space<hbm>>
      %dma_wait3A_77 = arith.constant 0 : i32
      %dma_wait3A_78 = arith.constant 0 : i32
      %dma_wait3A_79 = tpu.memref_slice %arg2[%dma_wait3A_77, %dma_wait3A_78] : memref<10240x128xf32, #tpu.memory_space<hbm>> -> memref<100x128xf32, #tpu.memory_space<hbm>>
      tpu.wait_dma2 semaphore(%arg12 : memref<!tpu.dma_semaphore, #tpu.memory_space<semaphore_mem>>) src(%dma_wait3A_79 : memref<100x128xf32, #tpu.memory_space<hbm>>) dst(%arg8 : memref<100x128xf32, #tpu.memory_space<vmem>>)
      %add3A_80 = arith.constant 1 : i32
      %add3A_81 = arith.addi %mul3A_54, %add3A_80 : i32
      "tpu.region"() ({
        %run_scoped3A_95 = tpu.sem_alloc : memref<!tpu.dma_semaphore, #tpu.memory_space<semaphore_mem>>
        %dma_start3A_96 = arith.constant 0 : i32
        %dma_start3A_97 = tpu.memref_slice %arg6[%add3A_81, %dma_start3A_96] : memref<100x100xi32, #tpu.memory_space<vmem>> -> memref<1x100xi32, #tpu.memory_space<vmem>>
        %dma_start3A_98 = tpu.memref_squeeze %dma_start3A_97 : memref<1x100xi32, #tpu.memory_space<vmem>> -> memref<100xi32, #tpu.memory_space<vmem>>
        %dma_start3A_99 = arith.constant 0 : i32
        %dma_start3A_100 = arith.constant 0 : i32
        %dma_start3A_101 = tpu.memref_slice %arg10[%dma_start3A_99, %dma_start3A_100] : memref<10240x128xf32, #tpu.memory_space<vmem_shared>> -> memref<10240x128xf32, #tpu.memory_space<vmem_shared>>
        tpu.enqueue_indirect_dma source(%arg8 : memref<100x128xf32, #tpu.memory_space<vmem>>) target(%dma_start3A_101 : memref<10240x128xf32, #tpu.memory_space<vmem_shared>>) offsets(%dma_start3A_98 : memref<100xi32, #tpu.memory_space<vmem>>) semaphore(%run_scoped3A_95 : memref<!tpu.dma_semaphore, #tpu.memory_space<semaphore_mem>>) {add = true}
        %dma_wait3A_102 = arith.constant 0 : i32
        %dma_wait3A_103 = tpu.memref_slice %arg6[%add3A_81, %dma_wait3A_102] : memref<100x100xi32, #tpu.memory_space<vmem>> -> memref<1x100xi32, #tpu.memory_space<vmem>>
        %dma_wait3A_104 = tpu.memref_squeeze %dma_wait3A_103 : memref<1x100xi32, #tpu.memory_space<vmem>> -> memref<100xi32, #tpu.memory_space<vmem>>
        %dma_wait3A_105 = arith.constant 0 : i32
        %dma_wait3A_106 = arith.constant 0 : i32
        %dma_wait3A_107 = tpu.memref_slice %arg10[%dma_wait3A_105, %dma_wait3A_106] : memref<10240x128xf32, #tpu.memory_space<vmem_shared>> -> memref<10240x128xf32, #tpu.memory_space<vmem_shared>>
        tpu.wait_indirect_dma semaphore(%run_scoped3A_95 : memref<!tpu.dma_semaphore, #tpu.memory_space<semaphore_mem>>) src(%arg8 : memref<100x128xf32, #tpu.memory_space<vmem>>) dst(%dma_wait3A_107 : memref<10240x128xf32, #tpu.memory_space<vmem_shared>>)
        tpu.yield
      }) : () -> ()
      %add3A_82 = arith.constant 2 : i32
      %add3A_83 = arith.addi %mul3A_54, %add3A_82 : i32
      %add3A_84 = arith.constant 1 : i32
      %add3A_85 = arith.addi %add3A_83, %add3A_84 : i32
      %min3A_86 = arith.constant 99 : i32
      %min3A_87 = arith.minsi %add3A_85, %min3A_86 : i32
      %dma_start3A_88 = arith.constant 0 : i32
      %dma_start3A_89 = tpu.memref_slice %arg5[%min3A_87, %dma_start3A_88] : memref<100x100xi32, #tpu.memory_space<vmem>> -> memref<1x100xi32, #tpu.memory_space<vmem>>
      %dma_start3A_90 = tpu.memref_squeeze %dma_start3A_89 : memref<1x100xi32, #tpu.memory_space<vmem>> -> memref<100xi32, #tpu.memory_space<vmem>>
      %dma_start3A_91 = arith.constant 0 : i32
      %dma_start3A_92 = arith.constant 0 : i32
      %dma_start3A_93 = tpu.memref_slice %arg2[%dma_start3A_91, %dma_start3A_92] : memref<10240x128xf32, #tpu.memory_space<hbm>> -> memref<10240x128xf32, #tpu.memory_space<hbm>>
      tpu.enqueue_indirect_dma source(%dma_start3A_93 : memref<10240x128xf32, #tpu.memory_space<hbm>>) target(%arg8 : memref<100x128xf32, #tpu.memory_space<vmem>>) offsets(%dma_start3A_90 : memref<100xi32, #tpu.memory_space<vmem>>) semaphore(%arg12 : memref<!tpu.dma_semaphore, #tpu.memory_space<semaphore_mem>>)
      %scan3A_94 = arith.constant 0 : i32
      scf.yield %scan3A_94 : i32
    }
    %scan3A_37 = arith.constant 50 : i32
    %dma_wait3A = arith.constant 0 : i32
    %dma_wait3A_38 = arith.constant 0 : i32
    %dma_wait3A_39 = tpu.memref_slice %arg2[%dma_wait3A, %dma_wait3A_38] : memref<10240x128xf32, #tpu.memory_space<hbm>> -> memref<100x128xf32, #tpu.memory_space<hbm>>
    %dma_wait3A_40 = arith.constant 0 : i32
    %dma_wait3A_41 = arith.constant 0 : i32
    %dma_wait3A_42 = tpu.memref_slice %arg2[%dma_wait3A_40, %dma_wait3A_41] : memref<10240x128xf32, #tpu.memory_space<hbm>> -> memref<100x128xf32, #tpu.memory_space<hbm>>
    tpu.wait_dma2 semaphore(%arg11 : memref<!tpu.dma_semaphore, #tpu.memory_space<semaphore_mem>>) src(%dma_wait3A_42 : memref<100x128xf32, #tpu.memory_space<hbm>>) dst(%arg7 : memref<100x128xf32, #tpu.memory_space<vmem>>)
    %dma_wait3A_43 = arith.constant 0 : i32
    %dma_wait3A_44 = arith.constant 0 : i32
    %dma_wait3A_45 = tpu.memref_slice %arg2[%dma_wait3A_43, %dma_wait3A_44] : memref<10240x128xf32, #tpu.memory_space<hbm>> -> memref<100x128xf32, #tpu.memory_space<hbm>>
    %dma_wait3A_46 = arith.constant 0 : i32
    %dma_wait3A_47 = arith.constant 0 : i32
    %dma_wait3A_48 = tpu.memref_slice %arg2[%dma_wait3A_46, %dma_wait3A_47] : memref<10240x128xf32, #tpu.memory_space<hbm>> -> memref<100x128xf32, #tpu.memory_space<hbm>>
    tpu.wait_dma2 semaphore(%arg12 : memref<!tpu.dma_semaphore, #tpu.memory_space<semaphore_mem>>) src(%dma_wait3A_48 : memref<100x128xf32, #tpu.memory_space<hbm>>) dst(%arg8 : memref<100x128xf32, #tpu.memory_space<vmem>>)
    %barrier3A_49 = arith.constant 0 : index
    tpu.barrier barrier_id(%barrier3A_49)
    %run_scoped3A_50 = arith.constant 0 : i32
    "tpu.region"() ({
      %run_scoped3A_51 = tpu.sem_alloc : memref<!tpu.dma_semaphore, #tpu.memory_space<semaphore_mem>>
      %dma_start3A_52 = arith.constant 0 : i32
      %dma_start3A_53 = tpu.memref_slice %arg4[%arg0, %run_scoped3A_50, %mul3A_2, %dma_start3A_52] : memref<2x1x10240x128xf32, #tpu.memory_space<hbm>> -> memref<1x1x640x128xf32, #tpu.memory_space<hbm>>
      %dma_start3A_54 = tpu.memref_squeeze %dma_start3A_53 : memref<1x1x640x128xf32, #tpu.memory_space<hbm>> -> memref<640x128xf32, #tpu.memory_space<hbm>>
      %dma_start3A_55 = arith.constant 0 : i32
      %dma_start3A_56 = tpu.memref_slice %arg10[%mul3A_2, %dma_start3A_55] : memref<10240x128xf32, #tpu.memory_space<vmem_shared>> -> memref<640x128xf32, #tpu.memory_space<vmem_shared>>
      tpu.enqueue_dma source(%dma_start3A_56 : memref<640x128xf32, #tpu.memory_space<vmem_shared>>) target(%dma_start3A_54 : memref<640x128xf32, #tpu.memory_space<hbm>>) target_semaphore(%run_scoped3A_51 : memref<!tpu.dma_semaphore, #tpu.memory_space<semaphore_mem>>)
      %dma_wait3A_57 = arith.constant 0 : i32
      %dma_wait3A_58 = tpu.memref_slice %arg4[%arg0, %run_scoped3A_50, %mul3A_2, %dma_wait3A_57] : memref<2x1x10240x128xf32, #tpu.memory_space<hbm>> -> memref<1x1x640x128xf32, #tpu.memory_space<hbm>>
      %dma_wait3A_59 = tpu.memref_squeeze %dma_wait3A_58 : memref<1x1x640x128xf32, #tpu.memory_space<hbm>> -> memref<640x128xf32, #tpu.memory_space<hbm>>
      %dma_wait3A_60 = arith.constant 0 : i32
      %dma_wait3A_61 = tpu.memref_slice %arg10[%mul3A_2, %dma_wait3A_60] : memref<10240x128xf32, #tpu.memory_space<vmem_shared>> -> memref<640x128xf32, #tpu.memory_space<vmem_shared>>
      tpu.wait_dma2 semaphore(%run_scoped3A_51 : memref<!tpu.dma_semaphore, #tpu.memory_space<semaphore_mem>>) src(%dma_wait3A_61 : memref<640x128xf32, #tpu.memory_space<vmem_shared>>) dst(%dma_wait3A_59 : memref<640x128xf32, #tpu.memory_space<hbm>>)
      tpu.yield
    }) : () -> ()
    return
  }
}

#map = affine_map<(d0, d1) -> (0, 0)>
#map1 = affine_map<(d0, d1) -> (0, 0, 0, 0)>
module attributes {stable_mosaic.version = 14 : i64} {
  func.func @body(%arg0: i32, %arg1: i32, %arg2: memref<10240x16xf32, #tpu.memory_space<hbm>>, %arg3: memref<2x32x100x100xi32, #tpu.memory_space<hbm>>, %arg4: memref<2x1x10240x16xf32, #tpu.memory_space<hbm>>, %arg5: memref<100x100xi32, #tpu.memory_space<vmem>>, %arg6: memref<100x100xi32, #tpu.memory_space<vmem>>, %arg7: memref<100x16xf32, #tpu.memory_space<vmem>>, %arg8: memref<100x16xf32, #tpu.memory_space<vmem>>, %arg9: memref<100x16xf32, #tpu.memory_space<vmem>>, %arg10: memref<100x16xf32, #tpu.memory_space<vmem>>, %arg11: memref<16x16xf32, #tpu.memory_space<vmem>>, %arg12: memref<10240x16xf32, #tpu.memory_space<vmem_shared>>, %arg13: memref<!tpu.dma_semaphore, #tpu.memory_space<semaphore_mem>>, %arg14: memref<!tpu.dma_semaphore, #tpu.memory_space<semaphore_mem>>, %arg15: memref<!tpu.dma_semaphore, #tpu.memory_space<semaphore_mem>>, %arg16: memref<!tpu.dma_semaphore, #tpu.memory_space<semaphore_mem>>, %arg17: memref<!tpu.dma_semaphore, #tpu.memory_space<semaphore_mem>>, %arg18: memref<!tpu.dma_semaphore, #tpu.memory_space<semaphore_mem>>, %arg19: memref<!tpu.dma_semaphore, #tpu.memory_space<semaphore_mem>>, %arg20: memref<!tpu.dma_semaphore, #tpu.memory_space<semaphore_mem>>) attributes {dimension_semantics = [#tpu.dimension_semantics<core_parallel>, #tpu.dimension_semantics<subcore_parallel>], iteration_bounds = array<i64: 2, 16>, scalar_prefetch = 0 : i64, scratch_operands = 16 : i64, tpu.core_type = #tpu.core_type<sc_vector_subcore>, window_params = [{transform_indices = #map}, {transform_indices = #map1}, {transform_indices = #map1}]} {
    %mul3A = arith.constant 2 : i32
    %mul3A_0 = arith.muli %arg1, %mul3A : i32
    %add3A = arith.addi %mul3A_0, %arg0 : i32
    %mul3A_1 = arith.constant 640 : i32
    %mul3A_2 = arith.muli %arg1, %mul3A_1 : i32
    %run_scoped3A = arith.constant 0 : i32
    "tpu.region"() ({
      %run_scoped3A_77 = tpu.sem_alloc : memref<!tpu.dma_semaphore, #tpu.memory_space<semaphore_mem>>
      %dma_start3A_78 = arith.constant 0 : i32
      %dma_start3A_79 = arith.constant 0 : i32
      %dma_start3A_80 = tpu.memref_slice %arg3[%run_scoped3A, %add3A, %dma_start3A_78, %dma_start3A_79] : memref<2x32x100x100xi32, #tpu.memory_space<hbm>> -> memref<1x1x100x100xi32, #tpu.memory_space<hbm>>
      %dma_start3A_81 = tpu.memref_squeeze %dma_start3A_80 : memref<1x1x100x100xi32, #tpu.memory_space<hbm>> -> memref<100x100xi32, #tpu.memory_space<hbm>>
      %dma_start3A_82 = arith.constant 0 : i32
      %dma_start3A_83 = arith.constant 0 : i32
      %dma_start3A_84 = tpu.memref_slice %arg3[%run_scoped3A, %add3A, %dma_start3A_82, %dma_start3A_83] : memref<2x32x100x100xi32, #tpu.memory_space<hbm>> -> memref<1x1x100x100xi32, #tpu.memory_space<hbm>>
      %dma_start3A_85 = tpu.memref_squeeze %dma_start3A_84 : memref<1x1x100x100xi32, #tpu.memory_space<hbm>> -> memref<100x100xi32, #tpu.memory_space<hbm>>
      tpu.enqueue_dma source(%dma_start3A_85 : memref<100x100xi32, #tpu.memory_space<hbm>>) target(%arg5 : memref<100x100xi32, #tpu.memory_space<vmem>>) target_semaphore(%run_scoped3A_77 : memref<!tpu.dma_semaphore, #tpu.memory_space<semaphore_mem>>)
      %dma_wait3A_86 = arith.constant 0 : i32
      %dma_wait3A_87 = arith.constant 0 : i32
      %dma_wait3A_88 = tpu.memref_slice %arg3[%run_scoped3A, %add3A, %dma_wait3A_86, %dma_wait3A_87] : memref<2x32x100x100xi32, #tpu.memory_space<hbm>> -> memref<1x1x100x100xi32, #tpu.memory_space<hbm>>
      %dma_wait3A_89 = tpu.memref_squeeze %dma_wait3A_88 : memref<1x1x100x100xi32, #tpu.memory_space<hbm>> -> memref<100x100xi32, #tpu.memory_space<hbm>>
      %dma_wait3A_90 = arith.constant 0 : i32
      %dma_wait3A_91 = arith.constant 0 : i32
      %dma_wait3A_92 = tpu.memref_slice %arg3[%run_scoped3A, %add3A, %dma_wait3A_90, %dma_wait3A_91] : memref<2x32x100x100xi32, #tpu.memory_space<hbm>> -> memref<1x1x100x100xi32, #tpu.memory_space<hbm>>
      %dma_wait3A_93 = tpu.memref_squeeze %dma_wait3A_92 : memref<1x1x100x100xi32, #tpu.memory_space<hbm>> -> memref<100x100xi32, #tpu.memory_space<hbm>>
      tpu.wait_dma2 semaphore(%run_scoped3A_77 : memref<!tpu.dma_semaphore, #tpu.memory_space<semaphore_mem>>) src(%dma_wait3A_93 : memref<100x100xi32, #tpu.memory_space<hbm>>) dst(%arg5 : memref<100x100xi32, #tpu.memory_space<vmem>>)
      tpu.yield
    }) : () -> ()
    %run_scoped3A_3 = arith.constant 1 : i32
    "tpu.region"() ({
      %run_scoped3A_77 = tpu.sem_alloc : memref<!tpu.dma_semaphore, #tpu.memory_space<semaphore_mem>>
      %dma_start3A_78 = arith.constant 0 : i32
      %dma_start3A_79 = arith.constant 0 : i32
      %dma_start3A_80 = tpu.memref_slice %arg3[%run_scoped3A_3, %add3A, %dma_start3A_78, %dma_start3A_79] : memref<2x32x100x100xi32, #tpu.memory_space<hbm>> -> memref<1x1x100x100xi32, #tpu.memory_space<hbm>>
      %dma_start3A_81 = tpu.memref_squeeze %dma_start3A_80 : memref<1x1x100x100xi32, #tpu.memory_space<hbm>> -> memref<100x100xi32, #tpu.memory_space<hbm>>
      %dma_start3A_82 = arith.constant 0 : i32
      %dma_start3A_83 = arith.constant 0 : i32
      %dma_start3A_84 = tpu.memref_slice %arg3[%run_scoped3A_3, %add3A, %dma_start3A_82, %dma_start3A_83] : memref<2x32x100x100xi32, #tpu.memory_space<hbm>> -> memref<1x1x100x100xi32, #tpu.memory_space<hbm>>
      %dma_start3A_85 = tpu.memref_squeeze %dma_start3A_84 : memref<1x1x100x100xi32, #tpu.memory_space<hbm>> -> memref<100x100xi32, #tpu.memory_space<hbm>>
      tpu.enqueue_dma source(%dma_start3A_85 : memref<100x100xi32, #tpu.memory_space<hbm>>) target(%arg6 : memref<100x100xi32, #tpu.memory_space<vmem>>) target_semaphore(%run_scoped3A_77 : memref<!tpu.dma_semaphore, #tpu.memory_space<semaphore_mem>>)
      %dma_wait3A_86 = arith.constant 0 : i32
      %dma_wait3A_87 = arith.constant 0 : i32
      %dma_wait3A_88 = tpu.memref_slice %arg3[%run_scoped3A_3, %add3A, %dma_wait3A_86, %dma_wait3A_87] : memref<2x32x100x100xi32, #tpu.memory_space<hbm>> -> memref<1x1x100x100xi32, #tpu.memory_space<hbm>>
      %dma_wait3A_89 = tpu.memref_squeeze %dma_wait3A_88 : memref<1x1x100x100xi32, #tpu.memory_space<hbm>> -> memref<100x100xi32, #tpu.memory_space<hbm>>
      %dma_wait3A_90 = arith.constant 0 : i32
      %dma_wait3A_91 = arith.constant 0 : i32
      %dma_wait3A_92 = tpu.memref_slice %arg3[%run_scoped3A_3, %add3A, %dma_wait3A_90, %dma_wait3A_91] : memref<2x32x100x100xi32, #tpu.memory_space<hbm>> -> memref<1x1x100x100xi32, #tpu.memory_space<hbm>>
      %dma_wait3A_93 = tpu.memref_squeeze %dma_wait3A_92 : memref<1x1x100x100xi32, #tpu.memory_space<hbm>> -> memref<100x100xi32, #tpu.memory_space<hbm>>
      tpu.wait_dma2 semaphore(%run_scoped3A_77 : memref<!tpu.dma_semaphore, #tpu.memory_space<semaphore_mem>>) src(%dma_wait3A_93 : memref<100x100xi32, #tpu.memory_space<hbm>>) dst(%arg6 : memref<100x100xi32, #tpu.memory_space<vmem>>)
      tpu.yield
    }) : () -> ()
    %broadcast_in_dim3A = arith.constant 0.000000e+00 : f32
    %broadcast_in_dim3A_4 = vector.broadcast %broadcast_in_dim3A : f32 to vector<16xf32>
    %scan3A = arith.constant 0 : i32
    %scan3A_5 = arith.constant 0 : i32
    %scan3A_6 = arith.constant 16 : i32
    %scan3A_7 = arith.addi %scan3A_5, %scan3A_6 : i32
    %scan3A_8 = arith.constant 1 : i32
    %scan3A_9 = scf.for %scan3A_77 = %scan3A_5 to %scan3A_7 step %scan3A_8 iter_args(%scan3A_78 = %scan3A) -> (i32)  : i32 {
      %swap3A = arith.index_cast %scan3A_77 : i32 to index
      %swap3A_79 = arith.constant 0 : index
      %swap3A_80 = tpu.vector_load %arg11[%swap3A, %swap3A_79] {strides = array<i32>} : memref<16x16xf32, #tpu.memory_space<vmem>>, vector<1x16xf32>,
      %swap3A_81 = vector.shape_cast %swap3A_80 : vector<1x16xf32> to vector<16xf32>
      %swap3A_82 = vector.shape_cast %broadcast_in_dim3A_4 : vector<16xf32> to vector<1x16xf32>
      tpu.vector_store %arg11[%swap3A, %swap3A_79], %swap3A_82 {strides = array<i32>} : memref<16x16xf32, #tpu.memory_space<vmem>>, vector<1x16xf32>,
      %scan3A_83 = arith.constant 0 : i32
      scf.yield %scan3A_83 : i32
    }
    %scan3A_10 = arith.constant 16 : i32
    %scan3A_11 = arith.constant 0 : i32
    %scan3A_12 = arith.constant 0 : i32
    %scan3A_13 = arith.constant 40 : i32
    %scan3A_14 = arith.addi %scan3A_12, %scan3A_13 : i32
    %scan3A_15 = arith.constant 1 : i32
    %scan3A_16 = scf.for %scan3A_77 = %scan3A_12 to %scan3A_14 step %scan3A_15 iter_args(%scan3A_78 = %scan3A_11) -> (i32)  : i32 {
      %mul3A_79 = arith.constant 16 : i32
      %mul3A_80 = arith.muli %scan3A_77, %mul3A_79 : i32
      %add3A_81 = arith.addi %mul3A_2, %mul3A_80 : i32
      "tpu.region"() ({
        %run_scoped3A_83 = tpu.sem_alloc : memref<!tpu.dma_semaphore, #tpu.memory_space<semaphore_mem>>
        %dma_start3A_84 = arith.constant 0 : i32
        %dma_start3A_85 = tpu.memref_slice %arg12[%add3A_81, %dma_start3A_84] : memref<10240x16xf32, #tpu.memory_space<vmem_shared>> -> memref<16x16xf32, #tpu.memory_space<vmem_shared>>
        %dma_start3A_86 = arith.constant 0 : i32
        %dma_start3A_87 = tpu.memref_slice %arg12[%add3A_81, %dma_start3A_86] : memref<10240x16xf32, #tpu.memory_space<vmem_shared>> -> memref<16x16xf32, #tpu.memory_space<vmem_shared>>
        tpu.enqueue_dma source(%arg11 : memref<16x16xf32, #tpu.memory_space<vmem>>) target(%dma_start3A_87 : memref<16x16xf32, #tpu.memory_space<vmem_shared>>) target_semaphore(%run_scoped3A_83 : memref<!tpu.dma_semaphore, #tpu.memory_space<semaphore_mem>>)
        %dma_wait3A_88 = arith.constant 0 : i32
        %dma_wait3A_89 = tpu.memref_slice %arg12[%add3A_81, %dma_wait3A_88] : memref<10240x16xf32, #tpu.memory_space<vmem_shared>> -> memref<16x16xf32, #tpu.memory_space<vmem_shared>>
        %dma_wait3A_90 = arith.constant 0 : i32
        %dma_wait3A_91 = tpu.memref_slice %arg12[%add3A_81, %dma_wait3A_90] : memref<10240x16xf32, #tpu.memory_space<vmem_shared>> -> memref<16x16xf32, #tpu.memory_space<vmem_shared>>
        tpu.wait_dma2 semaphore(%run_scoped3A_83 : memref<!tpu.dma_semaphore, #tpu.memory_space<semaphore_mem>>) src(%arg11 : memref<16x16xf32, #tpu.memory_space<vmem>>) dst(%dma_wait3A_91 : memref<16x16xf32, #tpu.memory_space<vmem_shared>>)
        tpu.yield
      }) : () -> ()
      %scan3A_82 = arith.constant 0 : i32
      scf.yield %scan3A_82 : i32
    }
    %scan3A_17 = arith.constant 40 : i32
    %barrier3A = arith.constant 0 : index
    tpu.barrier barrier_id(%barrier3A)
    %dma_start3A = arith.constant 0 : i32
    %dma_start3A_18 = arith.constant 0 : i32
    %dma_start3A_19 = tpu.memref_slice %arg5[%dma_start3A, %dma_start3A_18] : memref<100x100xi32, #tpu.memory_space<vmem>> -> memref<1x100xi32, #tpu.memory_space<vmem>>
    %dma_start3A_20 = tpu.memref_squeeze %dma_start3A_19 : memref<1x100xi32, #tpu.memory_space<vmem>> -> memref<100xi32, #tpu.memory_space<vmem>>
    %dma_start3A_21 = arith.constant 0 : i32
    %dma_start3A_22 = arith.constant 0 : i32
    %dma_start3A_23 = tpu.memref_slice %arg2[%dma_start3A_21, %dma_start3A_22] : memref<10240x16xf32, #tpu.memory_space<hbm>> -> memref<10240x16xf32, #tpu.memory_space<hbm>>
    tpu.enqueue_indirect_dma source(%dma_start3A_23 : memref<10240x16xf32, #tpu.memory_space<hbm>>) target(%arg7 : memref<100x16xf32, #tpu.memory_space<vmem>>) offsets(%dma_start3A_20 : memref<100xi32, #tpu.memory_space<vmem>>) semaphore(%arg13 : memref<!tpu.dma_semaphore, #tpu.memory_space<semaphore_mem>>)
    %dma_start3A_24 = arith.constant 1 : i32
    %dma_start3A_25 = arith.constant 0 : i32
    %dma_start3A_26 = tpu.memref_slice %arg5[%dma_start3A_24, %dma_start3A_25] : memref<100x100xi32, #tpu.memory_space<vmem>> -> memref<1x100xi32, #tpu.memory_space<vmem>>
    %dma_start3A_27 = tpu.memref_squeeze %dma_start3A_26 : memref<1x100xi32, #tpu.memory_space<vmem>> -> memref<100xi32, #tpu.memory_space<vmem>>
    %dma_start3A_28 = arith.constant 0 : i32
    %dma_start3A_29 = arith.constant 0 : i32
    %dma_start3A_30 = tpu.memref_slice %arg2[%dma_start3A_28, %dma_start3A_29] : memref<10240x16xf32, #tpu.memory_space<hbm>> -> memref<10240x16xf32, #tpu.memory_space<hbm>>
    tpu.enqueue_indirect_dma source(%dma_start3A_30 : memref<10240x16xf32, #tpu.memory_space<hbm>>) target(%arg8 : memref<100x16xf32, #tpu.memory_space<vmem>>) offsets(%dma_start3A_27 : memref<100xi32, #tpu.memory_space<vmem>>) semaphore(%arg14 : memref<!tpu.dma_semaphore, #tpu.memory_space<semaphore_mem>>)
    %dma_start3A_31 = arith.constant 2 : i32
    %dma_start3A_32 = arith.constant 0 : i32
    %dma_start3A_33 = tpu.memref_slice %arg5[%dma_start3A_31, %dma_start3A_32] : memref<100x100xi32, #tpu.memory_space<vmem>> -> memref<1x100xi32, #tpu.memory_space<vmem>>
    %dma_start3A_34 = tpu.memref_squeeze %dma_start3A_33 : memref<1x100xi32, #tpu.memory_space<vmem>> -> memref<100xi32, #tpu.memory_space<vmem>>
    %dma_start3A_35 = arith.constant 0 : i32
    %dma_start3A_36 = arith.constant 0 : i32
    %dma_start3A_37 = tpu.memref_slice %arg2[%dma_start3A_35, %dma_start3A_36] : memref<10240x16xf32, #tpu.memory_space<hbm>> -> memref<10240x16xf32, #tpu.memory_space<hbm>>
    tpu.enqueue_indirect_dma source(%dma_start3A_37 : memref<10240x16xf32, #tpu.memory_space<hbm>>) target(%arg9 : memref<100x16xf32, #tpu.memory_space<vmem>>) offsets(%dma_start3A_34 : memref<100xi32, #tpu.memory_space<vmem>>) semaphore(%arg15 : memref<!tpu.dma_semaphore, #tpu.memory_space<semaphore_mem>>)
    %dma_start3A_38 = arith.constant 3 : i32
    %dma_start3A_39 = arith.constant 0 : i32
    %dma_start3A_40 = tpu.memref_slice %arg5[%dma_start3A_38, %dma_start3A_39] : memref<100x100xi32, #tpu.memory_space<vmem>> -> memref<1x100xi32, #tpu.memory_space<vmem>>
    %dma_start3A_41 = tpu.memref_squeeze %dma_start3A_40 : memref<1x100xi32, #tpu.memory_space<vmem>> -> memref<100xi32, #tpu.memory_space<vmem>>
    %dma_start3A_42 = arith.constant 0 : i32
    %dma_start3A_43 = arith.constant 0 : i32
    %dma_start3A_44 = tpu.memref_slice %arg2[%dma_start3A_42, %dma_start3A_43] : memref<10240x16xf32, #tpu.memory_space<hbm>> -> memref<10240x16xf32, #tpu.memory_space<hbm>>
    tpu.enqueue_indirect_dma source(%dma_start3A_44 : memref<10240x16xf32, #tpu.memory_space<hbm>>) target(%arg10 : memref<100x16xf32, #tpu.memory_space<vmem>>) offsets(%dma_start3A_41 : memref<100xi32, #tpu.memory_space<vmem>>) semaphore(%arg16 : memref<!tpu.dma_semaphore, #tpu.memory_space<semaphore_mem>>)
    %scan3A_45 = arith.constant 0 : i32
    %scan3A_46 = arith.constant 0 : i32
    %scan3A_47 = arith.constant 25 : i32
    %scan3A_48 = arith.addi %scan3A_46, %scan3A_47 : i32
    %scan3A_49 = arith.constant 1 : i32
    %scan3A_50 = scf.for %scan3A_77 = %scan3A_46 to %scan3A_48 step %scan3A_49 iter_args(%scan3A_78 = %scan3A_45) -> (i32)  : i32 {
      %mul3A_79 = arith.constant 4 : i32
      %mul3A_80 = arith.muli %scan3A_77, %mul3A_79 : i32
      %dma_wait3A_81 = arith.constant 0 : i32
      %dma_wait3A_82 = arith.constant 0 : i32
      %dma_wait3A_83 = tpu.memref_slice %arg2[%dma_wait3A_81, %dma_wait3A_82] : memref<10240x16xf32, #tpu.memory_space<hbm>> -> memref<100x16xf32, #tpu.memory_space<hbm>>
      %dma_wait3A_84 = arith.constant 0 : i32
      %dma_wait3A_85 = arith.constant 0 : i32
      %dma_wait3A_86 = tpu.memref_slice %arg2[%dma_wait3A_84, %dma_wait3A_85] : memref<10240x16xf32, #tpu.memory_space<hbm>> -> memref<100x16xf32, #tpu.memory_space<hbm>>
      tpu.wait_dma2 semaphore(%arg13 : memref<!tpu.dma_semaphore, #tpu.memory_space<semaphore_mem>>) src(%dma_wait3A_86 : memref<100x16xf32, #tpu.memory_space<hbm>>) dst(%arg7 : memref<100x16xf32, #tpu.memory_space<vmem>>)
      %add3A_87 = arith.constant 0 : i32
      %add3A_88 = arith.addi %mul3A_80, %add3A_87 : i32
      "tpu.region"() ({
        %run_scoped3A_161 = tpu.sem_alloc : memref<!tpu.dma_semaphore, #tpu.memory_space<semaphore_mem>>
        %dma_start3A_162 = arith.constant 0 : i32
        %dma_start3A_163 = tpu.memref_slice %arg6[%add3A_88, %dma_start3A_162] : memref<100x100xi32, #tpu.memory_space<vmem>> -> memref<1x100xi32, #tpu.memory_space<vmem>>
        %dma_start3A_164 = tpu.memref_squeeze %dma_start3A_163 : memref<1x100xi32, #tpu.memory_space<vmem>> -> memref<100xi32, #tpu.memory_space<vmem>>
        %dma_start3A_165 = arith.constant 0 : i32
        %dma_start3A_166 = arith.constant 0 : i32
        %dma_start3A_167 = tpu.memref_slice %arg12[%dma_start3A_165, %dma_start3A_166] : memref<10240x16xf32, #tpu.memory_space<vmem_shared>> -> memref<10240x16xf32, #tpu.memory_space<vmem_shared>>
        tpu.enqueue_indirect_dma source(%arg7 : memref<100x16xf32, #tpu.memory_space<vmem>>) target(%dma_start3A_167 : memref<10240x16xf32, #tpu.memory_space<vmem_shared>>) offsets(%dma_start3A_164 : memref<100xi32, #tpu.memory_space<vmem>>) semaphore(%run_scoped3A_161 : memref<!tpu.dma_semaphore, #tpu.memory_space<semaphore_mem>>) {add = true}
        %dma_wait3A_168 = arith.constant 0 : i32
        %dma_wait3A_169 = tpu.memref_slice %arg6[%add3A_88, %dma_wait3A_168] : memref<100x100xi32, #tpu.memory_space<vmem>> -> memref<1x100xi32, #tpu.memory_space<vmem>>
        %dma_wait3A_170 = tpu.memref_squeeze %dma_wait3A_169 : memref<1x100xi32, #tpu.memory_space<vmem>> -> memref<100xi32, #tpu.memory_space<vmem>>
        %dma_wait3A_171 = arith.constant 0 : i32
        %dma_wait3A_172 = arith.constant 0 : i32
        %dma_wait3A_173 = tpu.memref_slice %arg12[%dma_wait3A_171, %dma_wait3A_172] : memref<10240x16xf32, #tpu.memory_space<vmem_shared>> -> memref<10240x16xf32, #tpu.memory_space<vmem_shared>>
        tpu.wait_indirect_dma semaphore(%run_scoped3A_161 : memref<!tpu.dma_semaphore, #tpu.memory_space<semaphore_mem>>) src(%arg7 : memref<100x16xf32, #tpu.memory_space<vmem>>) dst(%dma_wait3A_173 : memref<10240x16xf32, #tpu.memory_space<vmem_shared>>)
        tpu.yield
      }) : () -> ()
      %add3A_89 = arith.constant 4 : i32
      %add3A_90 = arith.addi %mul3A_80, %add3A_89 : i32
      %add3A_91 = arith.constant 0 : i32
      %add3A_92 = arith.addi %add3A_90, %add3A_91 : i32
      %min3A = arith.constant 99 : i32
      %min3A_93 = arith.minsi %add3A_92, %min3A : i32
      %dma_start3A_94 = arith.constant 0 : i32
      %dma_start3A_95 = tpu.memref_slice %arg5[%min3A_93, %dma_start3A_94] : memref<100x100xi32, #tpu.memory_space<vmem>> -> memref<1x100xi32, #tpu.memory_space<vmem>>
      %dma_start3A_96 = tpu.memref_squeeze %dma_start3A_95 : memref<1x100xi32, #tpu.memory_space<vmem>> -> memref<100xi32, #tpu.memory_space<vmem>>
      %dma_start3A_97 = arith.constant 0 : i32
      %dma_start3A_98 = arith.constant 0 : i32
      %dma_start3A_99 = tpu.memref_slice %arg2[%dma_start3A_97, %dma_start3A_98] : memref<10240x16xf32, #tpu.memory_space<hbm>> -> memref<10240x16xf32, #tpu.memory_space<hbm>>
      tpu.enqueue_indirect_dma source(%dma_start3A_99 : memref<10240x16xf32, #tpu.memory_space<hbm>>) target(%arg7 : memref<100x16xf32, #tpu.memory_space<vmem>>) offsets(%dma_start3A_96 : memref<100xi32, #tpu.memory_space<vmem>>) semaphore(%arg13 : memref<!tpu.dma_semaphore, #tpu.memory_space<semaphore_mem>>)
      %dma_wait3A_100 = arith.constant 0 : i32
      %dma_wait3A_101 = arith.constant 0 : i32
      %dma_wait3A_102 = tpu.memref_slice %arg2[%dma_wait3A_100, %dma_wait3A_101] : memref<10240x16xf32, #tpu.memory_space<hbm>> -> memref<100x16xf32, #tpu.memory_space<hbm>>
      %dma_wait3A_103 = arith.constant 0 : i32
      %dma_wait3A_104 = arith.constant 0 : i32
      %dma_wait3A_105 = tpu.memref_slice %arg2[%dma_wait3A_103, %dma_wait3A_104] : memref<10240x16xf32, #tpu.memory_space<hbm>> -> memref<100x16xf32, #tpu.memory_space<hbm>>
      tpu.wait_dma2 semaphore(%arg14 : memref<!tpu.dma_semaphore, #tpu.memory_space<semaphore_mem>>) src(%dma_wait3A_105 : memref<100x16xf32, #tpu.memory_space<hbm>>) dst(%arg8 : memref<100x16xf32, #tpu.memory_space<vmem>>)
      %add3A_106 = arith.constant 1 : i32
      %add3A_107 = arith.addi %mul3A_80, %add3A_106 : i32
      "tpu.region"() ({
        %run_scoped3A_161 = tpu.sem_alloc : memref<!tpu.dma_semaphore, #tpu.memory_space<semaphore_mem>>
        %dma_start3A_162 = arith.constant 0 : i32
        %dma_start3A_163 = tpu.memref_slice %arg6[%add3A_107, %dma_start3A_162] : memref<100x100xi32, #tpu.memory_space<vmem>> -> memref<1x100xi32, #tpu.memory_space<vmem>>
        %dma_start3A_164 = tpu.memref_squeeze %dma_start3A_163 : memref<1x100xi32, #tpu.memory_space<vmem>> -> memref<100xi32, #tpu.memory_space<vmem>>
        %dma_start3A_165 = arith.constant 0 : i32
        %dma_start3A_166 = arith.constant 0 : i32
        %dma_start3A_167 = tpu.memref_slice %arg12[%dma_start3A_165, %dma_start3A_166] : memref<10240x16xf32, #tpu.memory_space<vmem_shared>> -> memref<10240x16xf32, #tpu.memory_space<vmem_shared>>
        tpu.enqueue_indirect_dma source(%arg8 : memref<100x16xf32, #tpu.memory_space<vmem>>) target(%dma_start3A_167 : memref<10240x16xf32, #tpu.memory_space<vmem_shared>>) offsets(%dma_start3A_164 : memref<100xi32, #tpu.memory_space<vmem>>) semaphore(%run_scoped3A_161 : memref<!tpu.dma_semaphore, #tpu.memory_space<semaphore_mem>>) {add = true}
        %dma_wait3A_168 = arith.constant 0 : i32
        %dma_wait3A_169 = tpu.memref_slice %arg6[%add3A_107, %dma_wait3A_168] : memref<100x100xi32, #tpu.memory_space<vmem>> -> memref<1x100xi32, #tpu.memory_space<vmem>>
        %dma_wait3A_170 = tpu.memref_squeeze %dma_wait3A_169 : memref<1x100xi32, #tpu.memory_space<vmem>> -> memref<100xi32, #tpu.memory_space<vmem>>
        %dma_wait3A_171 = arith.constant 0 : i32
        %dma_wait3A_172 = arith.constant 0 : i32
        %dma_wait3A_173 = tpu.memref_slice %arg12[%dma_wait3A_171, %dma_wait3A_172] : memref<10240x16xf32, #tpu.memory_space<vmem_shared>> -> memref<10240x16xf32, #tpu.memory_space<vmem_shared>>
        tpu.wait_indirect_dma semaphore(%run_scoped3A_161 : memref<!tpu.dma_semaphore, #tpu.memory_space<semaphore_mem>>) src(%arg8 : memref<100x16xf32, #tpu.memory_space<vmem>>) dst(%dma_wait3A_173 : memref<10240x16xf32, #tpu.memory_space<vmem_shared>>)
        tpu.yield
      }) : () -> ()
      %add3A_108 = arith.constant 4 : i32
      %add3A_109 = arith.addi %mul3A_80, %add3A_108 : i32
      %add3A_110 = arith.constant 1 : i32
      %add3A_111 = arith.addi %add3A_109, %add3A_110 : i32
      %min3A_112 = arith.constant 99 : i32
      %min3A_113 = arith.minsi %add3A_111, %min3A_112 : i32
      %dma_start3A_114 = arith.constant 0 : i32
      %dma_start3A_115 = tpu.memref_slice %arg5[%min3A_113, %dma_start3A_114] : memref<100x100xi32, #tpu.memory_space<vmem>> -> memref<1x100xi32, #tpu.memory_space<vmem>>
      %dma_start3A_116 = tpu.memref_squeeze %dma_start3A_115 : memref<1x100xi32, #tpu.memory_space<vmem>> -> memref<100xi32, #tpu.memory_space<vmem>>
      %dma_start3A_117 = arith.constant 0 : i32
      %dma_start3A_118 = arith.constant 0 : i32
      %dma_start3A_119 = tpu.memref_slice %arg2[%dma_start3A_117, %dma_start3A_118] : memref<10240x16xf32, #tpu.memory_space<hbm>> -> memref<10240x16xf32, #tpu.memory_space<hbm>>
      tpu.enqueue_indirect_dma source(%dma_start3A_119 : memref<10240x16xf32, #tpu.memory_space<hbm>>) target(%arg8 : memref<100x16xf32, #tpu.memory_space<vmem>>) offsets(%dma_start3A_116 : memref<100xi32, #tpu.memory_space<vmem>>) semaphore(%arg14 : memref<!tpu.dma_semaphore, #tpu.memory_space<semaphore_mem>>)
      %dma_wait3A_120 = arith.constant 0 : i32
      %dma_wait3A_121 = arith.constant 0 : i32
      %dma_wait3A_122 = tpu.memref_slice %arg2[%dma_wait3A_120, %dma_wait3A_121] : memref<10240x16xf32, #tpu.memory_space<hbm>> -> memref<100x16xf32, #tpu.memory_space<hbm>>
      %dma_wait3A_123 = arith.constant 0 : i32
      %dma_wait3A_124 = arith.constant 0 : i32
      %dma_wait3A_125 = tpu.memref_slice %arg2[%dma_wait3A_123, %dma_wait3A_124] : memref<10240x16xf32, #tpu.memory_space<hbm>> -> memref<100x16xf32, #tpu.memory_space<hbm>>
      tpu.wait_dma2 semaphore(%arg15 : memref<!tpu.dma_semaphore, #tpu.memory_space<semaphore_mem>>) src(%dma_wait3A_125 : memref<100x16xf32, #tpu.memory_space<hbm>>) dst(%arg9 : memref<100x16xf32, #tpu.memory_space<vmem>>)
      %add3A_126 = arith.constant 2 : i32
      %add3A_127 = arith.addi %mul3A_80, %add3A_126 : i32
      "tpu.region"() ({
        %run_scoped3A_161 = tpu.sem_alloc : memref<!tpu.dma_semaphore, #tpu.memory_space<semaphore_mem>>
        %dma_start3A_162 = arith.constant 0 : i32
        %dma_start3A_163 = tpu.memref_slice %arg6[%add3A_127, %dma_start3A_162] : memref<100x100xi32, #tpu.memory_space<vmem>> -> memref<1x100xi32, #tpu.memory_space<vmem>>
        %dma_start3A_164 = tpu.memref_squeeze %dma_start3A_163 : memref<1x100xi32, #tpu.memory_space<vmem>> -> memref<100xi32, #tpu.memory_space<vmem>>
        %dma_start3A_165 = arith.constant 0 : i32
        %dma_start3A_166 = arith.constant 0 : i32
        %dma_start3A_167 = tpu.memref_slice %arg12[%dma_start3A_165, %dma_start3A_166] : memref<10240x16xf32, #tpu.memory_space<vmem_shared>> -> memref<10240x16xf32, #tpu.memory_space<vmem_shared>>
        tpu.enqueue_indirect_dma source(%arg9 : memref<100x16xf32, #tpu.memory_space<vmem>>) target(%dma_start3A_167 : memref<10240x16xf32, #tpu.memory_space<vmem_shared>>) offsets(%dma_start3A_164 : memref<100xi32, #tpu.memory_space<vmem>>) semaphore(%run_scoped3A_161 : memref<!tpu.dma_semaphore, #tpu.memory_space<semaphore_mem>>) {add = true}
        %dma_wait3A_168 = arith.constant 0 : i32
        %dma_wait3A_169 = tpu.memref_slice %arg6[%add3A_127, %dma_wait3A_168] : memref<100x100xi32, #tpu.memory_space<vmem>> -> memref<1x100xi32, #tpu.memory_space<vmem>>
        %dma_wait3A_170 = tpu.memref_squeeze %dma_wait3A_169 : memref<1x100xi32, #tpu.memory_space<vmem>> -> memref<100xi32, #tpu.memory_space<vmem>>
        %dma_wait3A_171 = arith.constant 0 : i32
        %dma_wait3A_172 = arith.constant 0 : i32
        %dma_wait3A_173 = tpu.memref_slice %arg12[%dma_wait3A_171, %dma_wait3A_172] : memref<10240x16xf32, #tpu.memory_space<vmem_shared>> -> memref<10240x16xf32, #tpu.memory_space<vmem_shared>>
        tpu.wait_indirect_dma semaphore(%run_scoped3A_161 : memref<!tpu.dma_semaphore, #tpu.memory_space<semaphore_mem>>) src(%arg9 : memref<100x16xf32, #tpu.memory_space<vmem>>) dst(%dma_wait3A_173 : memref<10240x16xf32, #tpu.memory_space<vmem_shared>>)
        tpu.yield
      }) : () -> ()
      %add3A_128 = arith.constant 4 : i32
      %add3A_129 = arith.addi %mul3A_80, %add3A_128 : i32
      %add3A_130 = arith.constant 2 : i32
      %add3A_131 = arith.addi %add3A_129, %add3A_130 : i32
      %min3A_132 = arith.constant 99 : i32
      %min3A_133 = arith.minsi %add3A_131, %min3A_132 : i32
      %dma_start3A_134 = arith.constant 0 : i32
      %dma_start3A_135 = tpu.memref_slice %arg5[%min3A_133, %dma_start3A_134] : memref<100x100xi32, #tpu.memory_space<vmem>> -> memref<1x100xi32, #tpu.memory_space<vmem>>
      %dma_start3A_136 = tpu.memref_squeeze %dma_start3A_135 : memref<1x100xi32, #tpu.memory_space<vmem>> -> memref<100xi32, #tpu.memory_space<vmem>>
      %dma_start3A_137 = arith.constant 0 : i32
      %dma_start3A_138 = arith.constant 0 : i32
      %dma_start3A_139 = tpu.memref_slice %arg2[%dma_start3A_137, %dma_start3A_138] : memref<10240x16xf32, #tpu.memory_space<hbm>> -> memref<10240x16xf32, #tpu.memory_space<hbm>>
      tpu.enqueue_indirect_dma source(%dma_start3A_139 : memref<10240x16xf32, #tpu.memory_space<hbm>>) target(%arg9 : memref<100x16xf32, #tpu.memory_space<vmem>>) offsets(%dma_start3A_136 : memref<100xi32, #tpu.memory_space<vmem>>) semaphore(%arg15 : memref<!tpu.dma_semaphore, #tpu.memory_space<semaphore_mem>>)
      %dma_wait3A_140 = arith.constant 0 : i32
      %dma_wait3A_141 = arith.constant 0 : i32
      %dma_wait3A_142 = tpu.memref_slice %arg2[%dma_wait3A_140, %dma_wait3A_141] : memref<10240x16xf32, #tpu.memory_space<hbm>> -> memref<100x16xf32, #tpu.memory_space<hbm>>
      %dma_wait3A_143 = arith.constant 0 : i32
      %dma_wait3A_144 = arith.constant 0 : i32
      %dma_wait3A_145 = tpu.memref_slice %arg2[%dma_wait3A_143, %dma_wait3A_144] : memref<10240x16xf32, #tpu.memory_space<hbm>> -> memref<100x16xf32, #tpu.memory_space<hbm>>
      tpu.wait_dma2 semaphore(%arg16 : memref<!tpu.dma_semaphore, #tpu.memory_space<semaphore_mem>>) src(%dma_wait3A_145 : memref<100x16xf32, #tpu.memory_space<hbm>>) dst(%arg10 : memref<100x16xf32, #tpu.memory_space<vmem>>)
      %add3A_146 = arith.constant 3 : i32
      %add3A_147 = arith.addi %mul3A_80, %add3A_146 : i32
      "tpu.region"() ({
        %run_scoped3A_161 = tpu.sem_alloc : memref<!tpu.dma_semaphore, #tpu.memory_space<semaphore_mem>>
        %dma_start3A_162 = arith.constant 0 : i32
        %dma_start3A_163 = tpu.memref_slice %arg6[%add3A_147, %dma_start3A_162] : memref<100x100xi32, #tpu.memory_space<vmem>> -> memref<1x100xi32, #tpu.memory_space<vmem>>
        %dma_start3A_164 = tpu.memref_squeeze %dma_start3A_163 : memref<1x100xi32, #tpu.memory_space<vmem>> -> memref<100xi32, #tpu.memory_space<vmem>>
        %dma_start3A_165 = arith.constant 0 : i32
        %dma_start3A_166 = arith.constant 0 : i32
        %dma_start3A_167 = tpu.memref_slice %arg12[%dma_start3A_165, %dma_start3A_166] : memref<10240x16xf32, #tpu.memory_space<vmem_shared>> -> memref<10240x16xf32, #tpu.memory_space<vmem_shared>>
        tpu.enqueue_indirect_dma source(%arg10 : memref<100x16xf32, #tpu.memory_space<vmem>>) target(%dma_start3A_167 : memref<10240x16xf32, #tpu.memory_space<vmem_shared>>) offsets(%dma_start3A_164 : memref<100xi32, #tpu.memory_space<vmem>>) semaphore(%run_scoped3A_161 : memref<!tpu.dma_semaphore, #tpu.memory_space<semaphore_mem>>) {add = true}
        %dma_wait3A_168 = arith.constant 0 : i32
        %dma_wait3A_169 = tpu.memref_slice %arg6[%add3A_147, %dma_wait3A_168] : memref<100x100xi32, #tpu.memory_space<vmem>> -> memref<1x100xi32, #tpu.memory_space<vmem>>
        %dma_wait3A_170 = tpu.memref_squeeze %dma_wait3A_169 : memref<1x100xi32, #tpu.memory_space<vmem>> -> memref<100xi32, #tpu.memory_space<vmem>>
        %dma_wait3A_171 = arith.constant 0 : i32
        %dma_wait3A_172 = arith.constant 0 : i32
        %dma_wait3A_173 = tpu.memref_slice %arg12[%dma_wait3A_171, %dma_wait3A_172] : memref<10240x16xf32, #tpu.memory_space<vmem_shared>> -> memref<10240x16xf32, #tpu.memory_space<vmem_shared>>
        tpu.wait_indirect_dma semaphore(%run_scoped3A_161 : memref<!tpu.dma_semaphore, #tpu.memory_space<semaphore_mem>>) src(%arg10 : memref<100x16xf32, #tpu.memory_space<vmem>>) dst(%dma_wait3A_173 : memref<10240x16xf32, #tpu.memory_space<vmem_shared>>)
        tpu.yield
      }) : () -> ()
      %add3A_148 = arith.constant 4 : i32
      %add3A_149 = arith.addi %mul3A_80, %add3A_148 : i32
      %add3A_150 = arith.constant 3 : i32
      %add3A_151 = arith.addi %add3A_149, %add3A_150 : i32
      %min3A_152 = arith.constant 99 : i32
      %min3A_153 = arith.minsi %add3A_151, %min3A_152 : i32
      %dma_start3A_154 = arith.constant 0 : i32
      %dma_start3A_155 = tpu.memref_slice %arg5[%min3A_153, %dma_start3A_154] : memref<100x100xi32, #tpu.memory_space<vmem>> -> memref<1x100xi32, #tpu.memory_space<vmem>>
      %dma_start3A_156 = tpu.memref_squeeze %dma_start3A_155 : memref<1x100xi32, #tpu.memory_space<vmem>> -> memref<100xi32, #tpu.memory_space<vmem>>
      %dma_start3A_157 = arith.constant 0 : i32
      %dma_start3A_158 = arith.constant 0 : i32
      %dma_start3A_159 = tpu.memref_slice %arg2[%dma_start3A_157, %dma_start3A_158] : memref<10240x16xf32, #tpu.memory_space<hbm>> -> memref<10240x16xf32, #tpu.memory_space<hbm>>
      tpu.enqueue_indirect_dma source(%dma_start3A_159 : memref<10240x16xf32, #tpu.memory_space<hbm>>) target(%arg10 : memref<100x16xf32, #tpu.memory_space<vmem>>) offsets(%dma_start3A_156 : memref<100xi32, #tpu.memory_space<vmem>>) semaphore(%arg16 : memref<!tpu.dma_semaphore, #tpu.memory_space<semaphore_mem>>)
      %scan3A_160 = arith.constant 0 : i32
      scf.yield %scan3A_160 : i32
    }
    %scan3A_51 = arith.constant 25 : i32
    %dma_wait3A = arith.constant 0 : i32
    %dma_wait3A_52 = arith.constant 0 : i32
    %dma_wait3A_53 = tpu.memref_slice %arg2[%dma_wait3A, %dma_wait3A_52] : memref<10240x16xf32, #tpu.memory_space<hbm>> -> memref<100x16xf32, #tpu.memory_space<hbm>>
    %dma_wait3A_54 = arith.constant 0 : i32
    %dma_wait3A_55 = arith.constant 0 : i32
    %dma_wait3A_56 = tpu.memref_slice %arg2[%dma_wait3A_54, %dma_wait3A_55] : memref<10240x16xf32, #tpu.memory_space<hbm>> -> memref<100x16xf32, #tpu.memory_space<hbm>>
    tpu.wait_dma2 semaphore(%arg13 : memref<!tpu.dma_semaphore, #tpu.memory_space<semaphore_mem>>) src(%dma_wait3A_56 : memref<100x16xf32, #tpu.memory_space<hbm>>) dst(%arg7 : memref<100x16xf32, #tpu.memory_space<vmem>>)
    %dma_wait3A_57 = arith.constant 0 : i32
    %dma_wait3A_58 = arith.constant 0 : i32
    %dma_wait3A_59 = tpu.memref_slice %arg2[%dma_wait3A_57, %dma_wait3A_58] : memref<10240x16xf32, #tpu.memory_space<hbm>> -> memref<100x16xf32, #tpu.memory_space<hbm>>
    %dma_wait3A_60 = arith.constant 0 : i32
    %dma_wait3A_61 = arith.constant 0 : i32
    %dma_wait3A_62 = tpu.memref_slice %arg2[%dma_wait3A_60, %dma_wait3A_61] : memref<10240x16xf32, #tpu.memory_space<hbm>> -> memref<100x16xf32, #tpu.memory_space<hbm>>
    tpu.wait_dma2 semaphore(%arg14 : memref<!tpu.dma_semaphore, #tpu.memory_space<semaphore_mem>>) src(%dma_wait3A_62 : memref<100x16xf32, #tpu.memory_space<hbm>>) dst(%arg8 : memref<100x16xf32, #tpu.memory_space<vmem>>)
    %dma_wait3A_63 = arith.constant 0 : i32
    %dma_wait3A_64 = arith.constant 0 : i32
    %dma_wait3A_65 = tpu.memref_slice %arg2[%dma_wait3A_63, %dma_wait3A_64] : memref<10240x16xf32, #tpu.memory_space<hbm>> -> memref<100x16xf32, #tpu.memory_space<hbm>>
    %dma_wait3A_66 = arith.constant 0 : i32
    %dma_wait3A_67 = arith.constant 0 : i32
    %dma_wait3A_68 = tpu.memref_slice %arg2[%dma_wait3A_66, %dma_wait3A_67] : memref<10240x16xf32, #tpu.memory_space<hbm>> -> memref<100x16xf32, #tpu.memory_space<hbm>>
    tpu.wait_dma2 semaphore(%arg15 : memref<!tpu.dma_semaphore, #tpu.memory_space<semaphore_mem>>) src(%dma_wait3A_68 : memref<100x16xf32, #tpu.memory_space<hbm>>) dst(%arg9 : memref<100x16xf32, #tpu.memory_space<vmem>>)
    %dma_wait3A_69 = arith.constant 0 : i32
    %dma_wait3A_70 = arith.constant 0 : i32
    %dma_wait3A_71 = tpu.memref_slice %arg2[%dma_wait3A_69, %dma_wait3A_70] : memref<10240x16xf32, #tpu.memory_space<hbm>> -> memref<100x16xf32, #tpu.memory_space<hbm>>
    %dma_wait3A_72 = arith.constant 0 : i32
    %dma_wait3A_73 = arith.constant 0 : i32
    %dma_wait3A_74 = tpu.memref_slice %arg2[%dma_wait3A_72, %dma_wait3A_73] : memref<10240x16xf32, #tpu.memory_space<hbm>> -> memref<100x16xf32, #tpu.memory_space<hbm>>
    tpu.wait_dma2 semaphore(%arg16 : memref<!tpu.dma_semaphore, #tpu.memory_space<semaphore_mem>>) src(%dma_wait3A_74 : memref<100x16xf32, #tpu.memory_space<hbm>>) dst(%arg10 : memref<100x16xf32, #tpu.memory_space<vmem>>)
    %barrier3A_75 = arith.constant 0 : index
    tpu.barrier barrier_id(%barrier3A_75)
    %run_scoped3A_76 = arith.constant 0 : i32
    "tpu.region"() ({
      %run_scoped3A_77 = tpu.sem_alloc : memref<!tpu.dma_semaphore, #tpu.memory_space<semaphore_mem>>
      %dma_start3A_78 = arith.constant 0 : i32
      %dma_start3A_79 = tpu.memref_slice %arg4[%arg0, %run_scoped3A_76, %mul3A_2, %dma_start3A_78] : memref<2x1x10240x16xf32, #tpu.memory_space<hbm>> -> memref<1x1x640x16xf32, #tpu.memory_space<hbm>>
      %dma_start3A_80 = tpu.memref_squeeze %dma_start3A_79 : memref<1x1x640x16xf32, #tpu.memory_space<hbm>> -> memref<640x16xf32, #tpu.memory_space<hbm>>
      %dma_start3A_81 = arith.constant 0 : i32
      %dma_start3A_82 = tpu.memref_slice %arg12[%mul3A_2, %dma_start3A_81] : memref<10240x16xf32, #tpu.memory_space<vmem_shared>> -> memref<640x16xf32, #tpu.memory_space<vmem_shared>>
      tpu.enqueue_dma source(%dma_start3A_82 : memref<640x16xf32, #tpu.memory_space<vmem_shared>>) target(%dma_start3A_80 : memref<640x16xf32, #tpu.memory_space<hbm>>) target_semaphore(%run_scoped3A_77 : memref<!tpu.dma_semaphore, #tpu.memory_space<semaphore_mem>>)
      %dma_wait3A_83 = arith.constant 0 : i32
      %dma_wait3A_84 = tpu.memref_slice %arg4[%arg0, %run_scoped3A_76, %mul3A_2, %dma_wait3A_83] : memref<2x1x10240x16xf32, #tpu.memory_space<hbm>> -> memref<1x1x640x16xf32, #tpu.memory_space<hbm>>
      %dma_wait3A_85 = tpu.memref_squeeze %dma_wait3A_84 : memref<1x1x640x16xf32, #tpu.memory_space<hbm>> -> memref<640x16xf32, #tpu.memory_space<hbm>>
      %dma_wait3A_86 = arith.constant 0 : i32
      %dma_wait3A_87 = tpu.memref_slice %arg12[%mul3A_2, %dma_wait3A_86] : memref<10240x16xf32, #tpu.memory_space<vmem_shared>> -> memref<640x16xf32, #tpu.memory_space<vmem_shared>>
      tpu.wait_dma2 semaphore(%run_scoped3A_77 : memref<!tpu.dma_semaphore, #tpu.memory_space<semaphore_mem>>) src(%dma_wait3A_87 : memref<640x16xf32, #tpu.memory_space<vmem_shared>>) dst(%dma_wait3A_85 : memref<640x16xf32, #tpu.memory_space<hbm>>)
      tpu.yield
    }) : () -> ()
    return
  }
}

module attributes {stable_mosaic.version = 14 : i64} {
  func.func @_k2_body(%arg0: i32, %arg1: memref<1x1x1024x16xf32, #tpu.memory_space<vmem>>, %arg2: memref<1x1x1024x16xf32, #tpu.memory_space<vmem>>, %arg3: memref<1024x128xf32, #tpu.memory_space<vmem>>, %arg4: memref<1024x1xf32, #tpu.memory_space<vmem>>, %arg5: memref<1024x128xf32, #tpu.memory_space<vmem>>) attributes {dimension_semantics = [#tpu.dimension_semantics<arbitrary>], iteration_bounds = array<i64: 10>, scalar_prefetch = 0 : i64, scratch_operands = 0 : i64, tpu.core_type = #tpu.core_type<tc>, window_params = [{transform_indices = @transform_0, window_bounds = array<i64: 1, 1, 1024, 16>}, {transform_indices = @transform_1, window_bounds = array<i64: 1, 1, 1024, 16>}, {transform_indices = @transform_2, window_bounds = array<i64: 1024, 128>}, {transform_indices = @transform_3, window_bounds = array<i64: 1024, 1>}, {transform_indices = @transform_4, window_bounds = array<i64: 1024, 128>}]} {
    %iota3A = tpu.iota {dimensions = array<i32: 0>} : vector<1024x1xi32>
    %mul3A = arith.constant 1024 : i32
    %mul3A_0 = arith.muli %arg0, %mul3A : i32
    %add3A = vector.broadcast %mul3A_0 : i32 to vector<1024x1xi32>
    %add3A_1 = arith.addi %iota3A, %add3A : vector<1024x1xi32>
    %get3A = arith.constant 0 : index
    %get3A_2 = arith.constant 0 : index
    %get3A_3 = arith.constant 0 : index
    %get3A_4 = arith.constant 0 : index
    %get3A_5 = vector.load %arg1[%get3A, %get3A_2, %get3A_3, %get3A_4] : memref<1x1x1024x16xf32, #tpu.memory_space<vmem>>, vector<1x1x1024x16xf32>
    %get3A_6 = vector.shape_cast %get3A_5 : vector<1x1x1024x16xf32> to vector<1024x16xf32>
    %slice3A = vector.extract_strided_slice %get3A_6 {offsets = [0, 0], sizes = [1024, 1], strides = [1, 1]} : vector<1024x16xf32> to vector<1024x1xf32>
    %add3A_7 = arith.constant 1.000000e+00 : f32
    %add3A_8 = vector.broadcast %add3A_7 : f32 to vector<1024x1xf32>
    %add3A_9 = arith.addf %add3A_8, %slice3A : vector<1024x1xf32>
    %get3A_10 = arith.constant 0 : index
    %get3A_11 = arith.constant 0 : index
    %get3A_12 = arith.constant 0 : index
    %get3A_13 = arith.constant 0 : index
    %get3A_14 = vector.load %arg2[%get3A_10, %get3A_11, %get3A_12, %get3A_13] : memref<1x1x1024x16xf32, #tpu.memory_space<vmem>>, vector<1x1x1024x16xf32>
    %get3A_15 = vector.shape_cast %get3A_14 : vector<1x1x1024x16xf32> to vector<1024x16xf32>
    %slice3A_16 = vector.extract_strided_slice %get3A_15 {offsets = [0, 0], sizes = [1024, 1], strides = [1, 1]} : vector<1024x16xf32> to vector<1024x1xf32>
    %add3A_17 = arith.addf %add3A_9, %slice3A_16 : vector<1024x1xf32>
    %lt3A = arith.constant 10000 : i32
    %lt3A_18 = vector.broadcast %lt3A : i32 to vector<1024x1xi32>
    %lt3A_19 = arith.cmpi slt, %add3A_1, %lt3A_18 : vector<1024x1xi32>
    %rsqrt3A = math.rsqrt %add3A_17 : vector<1024x1xf32>
    %jit3A = arith.constant 0.000000e+00 : f32
    %broadcast_in_dim3A = vector.broadcast %jit3A : f32 to vector<1024x1xf32>
    %select_n3A = arith.select %lt3A_19, %rsqrt3A, %broadcast_in_dim3A : vector<1024x1xi1>, vector<1024x1xf32>
    %swap3A = arith.constant 0 : index
    %swap3A_20 = arith.constant 0 : index
    %swap3A_21 = vector.load %arg4[%swap3A, %swap3A_20] : memref<1024x1xf32, #tpu.memory_space<vmem>>, vector<1024x1xf32>
    tpu.vector_store %arg4[%swap3A, %swap3A_20], %select_n3A {strides = array<i32>} : memref<1024x1xf32, #tpu.memory_space<vmem>>, vector<1024x1xf32>,
    %get3A_22 = arith.constant 0 : index
    %get3A_23 = arith.constant 0 : index
    %get3A_24 = vector.load %arg3[%get3A_22, %get3A_23] : memref<1024x128xf32, #tpu.memory_space<vmem>>, vector<1024x128xf32>
    %mul3A_25 = vector.broadcast %select_n3A : vector<1024x1xf32> to vector<1024x128xf32>
    %mul3A_26 = arith.mulf %mul3A_25, %get3A_24 : vector<1024x128xf32>
    %swap3A_27 = arith.constant 0 : index
    %swap3A_28 = arith.constant 0 : index
    %swap3A_29 = vector.load %arg5[%swap3A_27, %swap3A_28] : memref<1024x128xf32, #tpu.memory_space<vmem>>, vector<1024x128xf32>
    tpu.vector_store %arg5[%swap3A_27, %swap3A_28], %mul3A_26 {strides = array<i32>} : memref<1024x128xf32, #tpu.memory_space<vmem>>, vector<1024x128xf32>,
    return
  }
  func.func @transform_0(%arg0: i32) -> (i32, i32, i32, i32) {
    %c0_i32 = arith.constant 0 : i32
    %c0_i32_0 = arith.constant 0 : i32
    %c0_i32_1 = arith.constant 0 : i32
    %c0_i32_2 = arith.constant 0 : i32
    return %c0_i32, %c0_i32_0, %arg0, %c0_i32_1 : i32, i32, i32, i32
  }
  func.func @transform_1(%arg0: i32) -> (i32, i32, i32, i32) {
    %c1_i32 = arith.constant 1 : i32
    %c0_i32 = arith.constant 0 : i32
    %c0_i32_0 = arith.constant 0 : i32
    %c0_i32_1 = arith.constant 0 : i32
    return %c1_i32, %c0_i32, %arg0, %c0_i32_0 : i32, i32, i32, i32
  }
  func.func @transform_2(%arg0: i32) -> (i32, i32) {
    %c0_i32 = arith.constant 0 : i32
    %c0_i32_0 = arith.constant 0 : i32
    return %arg0, %c0_i32 : i32, i32
  }
  func.func @transform_3(%arg0: i32) -> (i32, i32) {
    %c0_i32 = arith.constant 0 : i32
    %c0_i32_0 = arith.constant 0 : i32
    return %arg0, %c0_i32 : i32, i32
  }
  func.func @transform_4(%arg0: i32) -> (i32, i32) {
    %c0_i32 = arith.constant 0 : i32
    %c0_i32_0 = arith.constant 0 : i32
    return %arg0, %c0_i32 : i32, i32
  }
}

module attributes {stable_mosaic.version = 14 : i64} {
  func.func @_k4_body(%arg0: i32, %arg1: memref<1024x128xf32, #tpu.memory_space<vmem>>, %arg2: memref<1x1x1024x128xf32, #tpu.memory_space<vmem>>, %arg3: memref<1x1x1024x128xf32, #tpu.memory_space<vmem>>, %arg4: memref<1024x1xf32, #tpu.memory_space<vmem>>, %arg5: memref<128x400xf32, #tpu.memory_space<vmem>>, %arg6: memref<1x400xf32, #tpu.memory_space<vmem>>, %arg7: memref<400x200xf32, #tpu.memory_space<vmem>>, %arg8: memref<1024x128xf32, #tpu.memory_space<vmem>>, %arg9: memref<1024x80xf32, #tpu.memory_space<vmem>>) attributes {dimension_semantics = [#tpu.dimension_semantics<arbitrary>], iteration_bounds = array<i64: 10>, scalar_prefetch = 0 : i64, scratch_operands = 0 : i64, tpu.core_type = #tpu.core_type<tc>, window_params = [{transform_indices = @transform_0, window_bounds = array<i64: 1024, 128>}, {transform_indices = @transform_1, window_bounds = array<i64: 1, 1, 1024, 128>}, {transform_indices = @transform_2, window_bounds = array<i64: 1, 1, 1024, 128>}, {transform_indices = @transform_3, window_bounds = array<i64: 1024, 1>}, {pipeline_mode = #tpu.pipeline_mode<synchronous>, transform_indices = @transform_4, window_bounds = array<i64: 128, 400>}, {pipeline_mode = #tpu.pipeline_mode<synchronous>, transform_indices = @transform_5, window_bounds = array<i64: 1, 400>}, {pipeline_mode = #tpu.pipeline_mode<synchronous>, transform_indices = @transform_6, window_bounds = array<i64: 400, 200>}, {transform_indices = @transform_7, window_bounds = array<i64: 1024, 128>}, {transform_indices = @transform_8, window_bounds = array<i64: 1024, 80>}]} {
    %get3A = arith.constant 0 : index
    %get3A_0 = arith.constant 0 : index
    %get3A_1 = vector.load %arg4[%get3A, %get3A_0] : memref<1024x1xf32, #tpu.memory_space<vmem>>, vector<1024x1xf32>
    %get3A_2 = arith.constant 0 : index
    %get3A_3 = arith.constant 0 : index
    %get3A_4 = vector.load %arg1[%get3A_2, %get3A_3] : memref<1024x128xf32, #tpu.memory_space<vmem>>, vector<1024x128xf32>
    %get3A_5 = arith.constant 0 : index
    %get3A_6 = arith.constant 0 : index
    %get3A_7 = arith.constant 0 : index
    %get3A_8 = arith.constant 0 : index
    %get3A_9 = vector.load %arg2[%get3A_5, %get3A_6, %get3A_7, %get3A_8] : memref<1x1x1024x128xf32, #tpu.memory_space<vmem>>, vector<1x1x1024x128xf32>
    %get3A_10 = vector.shape_cast %get3A_9 : vector<1x1x1024x128xf32> to vector<1024x128xf32>
    %add3A = arith.addf %get3A_4, %get3A_10 : vector<1024x128xf32>
    %get3A_11 = arith.constant 0 : index
    %get3A_12 = arith.constant 0 : index
    %get3A_13 = arith.constant 0 : index
    %get3A_14 = arith.constant 0 : index
    %get3A_15 = vector.load %arg3[%get3A_11, %get3A_12, %get3A_13, %get3A_14] : memref<1x1x1024x128xf32, #tpu.memory_space<vmem>>, vector<1x1x1024x128xf32>
    %get3A_16 = vector.shape_cast %get3A_15 : vector<1x1x1024x128xf32> to vector<1024x128xf32>
    %add3A_17 = arith.addf %add3A, %get3A_16 : vector<1024x128xf32>
    %mul3A = vector.broadcast %get3A_1 : vector<1024x1xf32> to vector<1024x128xf32>
    %mul3A_18 = arith.mulf %mul3A, %add3A_17 : vector<1024x128xf32>
    %get3A_19 = arith.constant 0 : index
    %get3A_20 = arith.constant 0 : index
    %get3A_21 = vector.load %arg5[%get3A_19, %get3A_20] : memref<128x400xf32, #tpu.memory_space<vmem>>, vector<128x400xf32>
    %dot_general3A = arith.constant dense<0.000000e+00> : vector<1024x400xf32>
    %dot_general3A_22 = tpu.matmul %mul3A_18, %get3A_21, %dot_general3A {dimension_numbers = #tpu.dot_dimension_numbers<[1], [0], [0], [1], [0, 0, 1, 1], [], []>, transpose_lhs_hint = false} : vector<1024x128xf32>, vector<128x400xf32>, vector<1024x400xf32> -> vector<1024x400xf32>
    %get3A_23 = arith.constant 0 : index
    %get3A_24 = arith.constant 0 : index
    %get3A_25 = vector.load %arg6[%get3A_23, %get3A_24] : memref<1x400xf32, #tpu.memory_space<vmem>>, vector<1x400xf32>
    %add3A_26 = vector.broadcast %get3A_25 : vector<1x400xf32> to vector<1024x400xf32>
    %add3A_27 = arith.addf %dot_general3A_22, %add3A_26 : vector<1024x400xf32>
    %max3A = arith.constant 0.000000e+00 : f32
    %max3A_28 = vector.broadcast %max3A : f32 to vector<1024x400xf32>
    %max3A_29 = arith.maximumf %add3A_27, %max3A_28 : vector<1024x400xf32>
    %convert_element_type3A = arith.truncf %max3A_29 : vector<1024x400xf32> to vector<1024x400xbf16>
    %get3A_30 = arith.constant 0 : index
    %get3A_31 = arith.constant 0 : index
    %get3A_32 = vector.load %arg7[%get3A_30, %get3A_31] : memref<400x200xf32, #tpu.memory_space<vmem>>, vector<400x200xf32>
    %convert_element_type3A_33 = arith.truncf %get3A_32 : vector<400x200xf32> to vector<400x200xbf16>
    %dot_general3A_34 = arith.constant dense<0.000000e+00> : vector<1024x200xf32>
    %dot_general3A_35 = tpu.matmul %convert_element_type3A, %convert_element_type3A_33, %dot_general3A_34 {dimension_numbers = #tpu.dot_dimension_numbers<[1], [0], [0], [1], [0, 0, 1, 1], [], []>, transpose_lhs_hint = false} : vector<1024x400xbf16>, vector<400x200xbf16>, vector<1024x200xf32> -> vector<1024x200xf32>
    %mul3A_36 = vector.broadcast %get3A_1 : vector<1024x1xf32> to vector<1024x200xf32>
    %mul3A_37 = arith.mulf %mul3A_36, %dot_general3A_35 : vector<1024x200xf32>
    %broadcast_in_dim3A = arith.constant 0.000000e+00 : f32
    %broadcast_in_dim3A_38 = vector.broadcast %broadcast_in_dim3A : f32 to vector<1024x8xf32>
    %slice3A = vector.extract_strided_slice %mul3A_37 {offsets = [0, 0], sizes = [1024, 128], strides = [1, 1]} : vector<1024x200xf32> to vector<1024x128xf32>
    %swap3A = arith.constant 0 : index
    %swap3A_39 = arith.constant 0 : index
    %swap3A_40 = vector.load %arg8[%swap3A, %swap3A_39] : memref<1024x128xf32, #tpu.memory_space<vmem>>, vector<1024x128xf32>
    tpu.vector_store %arg8[%swap3A, %swap3A_39], %slice3A {strides = array<i32>} : memref<1024x128xf32, #tpu.memory_space<vmem>>, vector<1024x128xf32>,
    %slice3A_41 = vector.extract_strided_slice %mul3A_37 {offsets = [0, 128], sizes = [1024, 72], strides = [1, 1]} : vector<1024x200xf32> to vector<1024x72xf32>
    %concatenate3A = tpu.concatenate %slice3A_41, %broadcast_in_dim3A_38 in 1 : vector<1024x72xf32>, vector<1024x8xf32> -> vector<1024x80xf32>
    %swap3A_42 = arith.constant 0 : index
    %swap3A_43 = arith.constant 0 : index
    %swap3A_44 = vector.load %arg9[%swap3A_42, %swap3A_43] : memref<1024x80xf32, #tpu.memory_space<vmem>>, vector<1024x80xf32>
    tpu.vector_store %arg9[%swap3A_42, %swap3A_43], %concatenate3A {strides = array<i32>} : memref<1024x80xf32, #tpu.memory_space<vmem>>, vector<1024x80xf32>,
    return
  }
  func.func @transform_0(%arg0: i32) -> (i32, i32) {
    %c0_i32 = arith.constant 0 : i32
    %c0_i32_0 = arith.constant 0 : i32
    return %arg0, %c0_i32 : i32, i32
  }
  func.func @transform_1(%arg0: i32) -> (i32, i32, i32, i32) {
    %c0_i32 = arith.constant 0 : i32
    %c0_i32_0 = arith.constant 0 : i32
    %c0_i32_1 = arith.constant 0 : i32
    %c0_i32_2 = arith.constant 0 : i32
    return %c0_i32, %c0_i32_0, %arg0, %c0_i32_1 : i32, i32, i32, i32
  }
  func.func @transform_2(%arg0: i32) -> (i32, i32, i32, i32) {
    %c1_i32 = arith.constant 1 : i32
    %c0_i32 = arith.constant 0 : i32
    %c0_i32_0 = arith.constant 0 : i32
    %c0_i32_1 = arith.constant 0 : i32
    return %c1_i32, %c0_i32, %arg0, %c0_i32_0 : i32, i32, i32, i32
  }
  func.func @transform_3(%arg0: i32) -> (i32, i32) {
    %c0_i32 = arith.constant 0 : i32
    %c0_i32_0 = arith.constant 0 : i32
    return %arg0, %c0_i32 : i32, i32
  }
  func.func @transform_4(%arg0: i32) -> (i32, i32) {
    %c0_i32 = arith.constant 0 : i32
    %c0_i32_0 = arith.constant 0 : i32
    %c0_i32_1 = arith.constant 0 : i32
    return %c0_i32, %c0_i32_0 : i32, i32
  }
  func.func @transform_5(%arg0: i32) -> (i32, i32) {
    %c0_i32 = arith.constant 0 : i32
    %c0_i32_0 = arith.constant 0 : i32
    %c0_i32_1 = arith.constant 0 : i32
    return %c0_i32, %c0_i32_0 : i32, i32
  }
  func.func @transform_6(%arg0: i32) -> (i32, i32) {
    %c0_i32 = arith.constant 0 : i32
    %c0_i32_0 = arith.constant 0 : i32
    %c0_i32_1 = arith.constant 0 : i32
    return %c0_i32, %c0_i32_0 : i32, i32
  }
  func.func @transform_7(%arg0: i32) -> (i32, i32) {
    %c0_i32 = arith.constant 0 : i32
    %c0_i32_0 = arith.constant 0 : i32
    return %arg0, %c0_i32 : i32, i32
  }
  func.func @transform_8(%arg0: i32) -> (i32, i32) {
    %c0_i32 = arith.constant 0 : i32
    %c0_i32_0 = arith.constant 0 : i32
    return %arg0, %c0_i32 : i32, i32
  }
}

module attributes {stable_mosaic.version = 14 : i64} {
  func.func @_k6_body(%arg0: i32, %arg1: memref<1024x128xf32, #tpu.memory_space<vmem>>, %arg2: memref<1024x80xf32, #tpu.memory_space<vmem>>, %arg3: memref<1x1x1024x128xf32, #tpu.memory_space<vmem>>, %arg4: memref<1x1x1024x128xf32, #tpu.memory_space<vmem>>, %arg5: memref<1x1x1024x80xf32, #tpu.memory_space<vmem>>, %arg6: memref<1x1x1024x80xf32, #tpu.memory_space<vmem>>, %arg7: memref<1024x1xf32, #tpu.memory_space<vmem>>, %arg8: memref<1x200xf32, #tpu.memory_space<vmem>>, %arg9: memref<200x16xf32, #tpu.memory_space<vmem>>, %arg10: memref<1024x16xf32, #tpu.memory_space<vmem>>) attributes {dimension_semantics = [#tpu.dimension_semantics<arbitrary>], iteration_bounds = array<i64: 10>, scalar_prefetch = 0 : i64, scratch_operands = 0 : i64, tpu.core_type = #tpu.core_type<tc>, window_params = [{transform_indices = @transform_0, window_bounds = array<i64: 1024, 128>}, {transform_indices = @transform_1, window_bounds = array<i64: 1024, 80>}, {transform_indices = @transform_2, window_bounds = array<i64: 1, 1, 1024, 128>}, {transform_indices = @transform_3, window_bounds = array<i64: 1, 1, 1024, 128>}, {transform_indices = @transform_4, window_bounds = array<i64: 1, 1, 1024, 80>}, {transform_indices = @transform_5, window_bounds = array<i64: 1, 1, 1024, 80>}, {transform_indices = @transform_6, window_bounds = array<i64: 1024, 1>}, {pipeline_mode = #tpu.pipeline_mode<synchronous>, transform_indices = @transform_7, window_bounds = array<i64: 1, 200>}, {pipeline_mode = #tpu.pipeline_mode<synchronous>, transform_indices = @transform_8, window_bounds = array<i64: 200, 16>}, {transform_indices = @transform_9, window_bounds = array<i64: 1024, 16>}]} {
    %get3A = arith.constant 0 : index
    %get3A_0 = arith.constant 0 : index
    %get3A_1 = vector.load %arg7[%get3A, %get3A_0] : memref<1024x1xf32, #tpu.memory_space<vmem>>, vector<1024x1xf32>
    %get3A_2 = arith.constant 0 : index
    %get3A_3 = arith.constant 0 : index
    %get3A_4 = vector.load %arg1[%get3A_2, %get3A_3] : memref<1024x128xf32, #tpu.memory_space<vmem>>, vector<1024x128xf32>
    %get3A_5 = arith.constant 0 : index
    %get3A_6 = arith.constant 0 : index
    %get3A_7 = arith.constant 0 : index
    %get3A_8 = arith.constant 0 : index
    %get3A_9 = vector.load %arg3[%get3A_5, %get3A_6, %get3A_7, %get3A_8] : memref<1x1x1024x128xf32, #tpu.memory_space<vmem>>, vector<1x1x1024x128xf32>
    %get3A_10 = vector.shape_cast %get3A_9 : vector<1x1x1024x128xf32> to vector<1024x128xf32>
    %add3A = arith.addf %get3A_4, %get3A_10 : vector<1024x128xf32>
    %get3A_11 = arith.constant 0 : index
    %get3A_12 = arith.constant 0 : index
    %get3A_13 = arith.constant 0 : index
    %get3A_14 = arith.constant 0 : index
    %get3A_15 = vector.load %arg4[%get3A_11, %get3A_12, %get3A_13, %get3A_14] : memref<1x1x1024x128xf32, #tpu.memory_space<vmem>>, vector<1x1x1024x128xf32>
    %get3A_16 = vector.shape_cast %get3A_15 : vector<1x1x1024x128xf32> to vector<1024x128xf32>
    %add3A_17 = arith.addf %add3A, %get3A_16 : vector<1024x128xf32>
    %get3A_18 = arith.constant 0 : index
    %get3A_19 = arith.constant 0 : index
    %get3A_20 = vector.load %arg2[%get3A_18, %get3A_19] : memref<1024x80xf32, #tpu.memory_space<vmem>>, vector<1024x80xf32>
    %get3A_21 = arith.constant 0 : index
    %get3A_22 = arith.constant 0 : index
    %get3A_23 = arith.constant 0 : index
    %get3A_24 = arith.constant 0 : index
    %get3A_25 = vector.load %arg5[%get3A_21, %get3A_22, %get3A_23, %get3A_24] : memref<1x1x1024x80xf32, #tpu.memory_space<vmem>>, vector<1x1x1024x80xf32>
    %get3A_26 = vector.shape_cast %get3A_25 : vector<1x1x1024x80xf32> to vector<1024x80xf32>
    %add3A_27 = arith.addf %get3A_20, %get3A_26 : vector<1024x80xf32>
    %get3A_28 = arith.constant 0 : index
    %get3A_29 = arith.constant 0 : index
    %get3A_30 = arith.constant 0 : index
    %get3A_31 = arith.constant 0 : index
    %get3A_32 = vector.load %arg6[%get3A_28, %get3A_29, %get3A_30, %get3A_31] : memref<1x1x1024x80xf32, #tpu.memory_space<vmem>>, vector<1x1x1024x80xf32>
    %get3A_33 = vector.shape_cast %get3A_32 : vector<1x1x1024x80xf32> to vector<1024x80xf32>
    %add3A_34 = arith.addf %add3A_27, %get3A_33 : vector<1024x80xf32>
    %slice3A = vector.extract_strided_slice %add3A_34 {offsets = [0, 0], sizes = [1024, 72], strides = [1, 1]} : vector<1024x80xf32> to vector<1024x72xf32>
    %concatenate3A = tpu.concatenate %add3A_17, %slice3A in 1 : vector<1024x128xf32>, vector<1024x72xf32> -> vector<1024x200xf32>
    %mul3A = vector.broadcast %get3A_1 : vector<1024x1xf32> to vector<1024x200xf32>
    %mul3A_35 = arith.mulf %mul3A, %concatenate3A : vector<1024x200xf32>
    %get3A_36 = arith.constant 0 : index
    %get3A_37 = arith.constant 0 : index
    %get3A_38 = vector.load %arg8[%get3A_36, %get3A_37] : memref<1x200xf32, #tpu.memory_space<vmem>>, vector<1x200xf32>
    %add3A_39 = vector.broadcast %get3A_38 : vector<1x200xf32> to vector<1024x200xf32>
    %add3A_40 = arith.addf %mul3A_35, %add3A_39 : vector<1024x200xf32>
    %max3A = arith.constant 0.000000e+00 : f32
    %max3A_41 = vector.broadcast %max3A : f32 to vector<1024x200xf32>
    %max3A_42 = arith.maximumf %add3A_40, %max3A_41 : vector<1024x200xf32>
    %get3A_43 = arith.constant 0 : index
    %get3A_44 = arith.constant 0 : index
    %get3A_45 = vector.load %arg9[%get3A_43, %get3A_44] : memref<200x16xf32, #tpu.memory_space<vmem>>, vector<200x16xf32>
    %dot_general3A = arith.constant dense<0.000000e+00> : vector<1024x16xf32>
    %dot_general3A_46 = tpu.matmul %max3A_42, %get3A_45, %dot_general3A {dimension_numbers = #tpu.dot_dimension_numbers<[1], [0], [0], [1], [0, 0, 1, 1], [], []>, transpose_lhs_hint = false} : vector<1024x200xf32>, vector<200x16xf32>, vector<1024x16xf32> -> vector<1024x16xf32>
    %mul3A_47 = vector.broadcast %get3A_1 : vector<1024x1xf32> to vector<1024x16xf32>
    %mul3A_48 = arith.mulf %mul3A_47, %dot_general3A_46 : vector<1024x16xf32>
    %swap3A = arith.constant 0 : index
    %swap3A_49 = arith.constant 0 : index
    %swap3A_50 = vector.load %arg10[%swap3A, %swap3A_49] : memref<1024x16xf32, #tpu.memory_space<vmem>>, vector<1024x16xf32>
    tpu.vector_store %arg10[%swap3A, %swap3A_49], %mul3A_48 {strides = array<i32>} : memref<1024x16xf32, #tpu.memory_space<vmem>>, vector<1024x16xf32>,
    return
  }
  func.func @transform_0(%arg0: i32) -> (i32, i32) {
    %c0_i32 = arith.constant 0 : i32
    %c0_i32_0 = arith.constant 0 : i32
    return %arg0, %c0_i32 : i32, i32
  }
  func.func @transform_1(%arg0: i32) -> (i32, i32) {
    %c0_i32 = arith.constant 0 : i32
    %c0_i32_0 = arith.constant 0 : i32
    return %arg0, %c0_i32 : i32, i32
  }
  func.func @transform_2(%arg0: i32) -> (i32, i32, i32, i32) {
    %c0_i32 = arith.constant 0 : i32
    %c0_i32_0 = arith.constant 0 : i32
    %c0_i32_1 = arith.constant 0 : i32
    %c0_i32_2 = arith.constant 0 : i32
    return %c0_i32, %c0_i32_0, %arg0, %c0_i32_1 : i32, i32, i32, i32
  }
  func.func @transform_3(%arg0: i32) -> (i32, i32, i32, i32) {
    %c1_i32 = arith.constant 1 : i32
    %c0_i32 = arith.constant 0 : i32
    %c0_i32_0 = arith.constant 0 : i32
    %c0_i32_1 = arith.constant 0 : i32
    return %c1_i32, %c0_i32, %arg0, %c0_i32_0 : i32, i32, i32, i32
  }
  func.func @transform_4(%arg0: i32) -> (i32, i32, i32, i32) {
    %c0_i32 = arith.constant 0 : i32
    %c0_i32_0 = arith.constant 0 : i32
    %c0_i32_1 = arith.constant 0 : i32
    %c0_i32_2 = arith.constant 0 : i32
    return %c0_i32, %c0_i32_0, %arg0, %c0_i32_1 : i32, i32, i32, i32
  }
  func.func @transform_5(%arg0: i32) -> (i32, i32, i32, i32) {
    %c1_i32 = arith.constant 1 : i32
    %c0_i32 = arith.constant 0 : i32
    %c0_i32_0 = arith.constant 0 : i32
    %c0_i32_1 = arith.constant 0 : i32
    return %c1_i32, %c0_i32, %arg0, %c0_i32_0 : i32, i32, i32, i32
  }
  func.func @transform_6(%arg0: i32) -> (i32, i32) {
    %c0_i32 = arith.constant 0 : i32
    %c0_i32_0 = arith.constant 0 : i32
    return %arg0, %c0_i32 : i32, i32
  }
  func.func @transform_7(%arg0: i32) -> (i32, i32) {
    %c0_i32 = arith.constant 0 : i32
    %c0_i32_0 = arith.constant 0 : i32
    %c0_i32_1 = arith.constant 0 : i32
    return %c0_i32, %c0_i32_0 : i32, i32
  }
  func.func @transform_8(%arg0: i32) -> (i32, i32) {
    %c0_i32 = arith.constant 0 : i32
    %c0_i32_0 = arith.constant 0 : i32
    %c0_i32_1 = arith.constant 0 : i32
    return %c0_i32, %c0_i32_0 : i32, i32
  }
  func.func @transform_9(%arg0: i32) -> (i32, i32) {
    %c0_i32 = arith.constant 0 : i32
    %c0_i32_0 = arith.constant 0 : i32
    return %arg0, %c0_i32 : i32, i32
  }
}

module attributes {stable_mosaic.version = 14 : i64} {
  func.func @_k8_body(%arg0: i32, %arg1: memref<2000x16xf32, #tpu.memory_space<vmem>>, %arg2: memref<1x1x2000x16xf32, #tpu.memory_space<vmem>>, %arg3: memref<1x1x2000x16xf32, #tpu.memory_space<vmem>>, %arg4: memref<2000x1xf32, #tpu.memory_space<vmem>>, %arg5: memref<1x4xf32, #tpu.memory_space<vmem>>, %arg6: memref<2000x4xf32, #tpu.memory_space<vmem>>) attributes {dimension_semantics = [#tpu.dimension_semantics<arbitrary>], iteration_bounds = array<i64: 5>, scalar_prefetch = 0 : i64, scratch_operands = 0 : i64, tpu.core_type = #tpu.core_type<tc>, window_params = [{transform_indices = @transform_0, window_bounds = array<i64: 2000, 16>}, {transform_indices = @transform_1, window_bounds = array<i64: 1, 1, 2000, 16>}, {transform_indices = @transform_2, window_bounds = array<i64: 1, 1, 2000, 16>}, {transform_indices = @transform_3, window_bounds = array<i64: 2000, 1>}, {pipeline_mode = #tpu.pipeline_mode<synchronous>, transform_indices = @transform_4, window_bounds = array<i64: 1, 4>}, {transform_indices = @transform_5, window_bounds = array<i64: 2000, 4>}]} {
    %get3A = arith.constant 0 : index
    %get3A_0 = arith.constant 0 : index
    %get3A_1 = vector.load %arg4[%get3A, %get3A_0] : memref<2000x1xf32, #tpu.memory_space<vmem>>, vector<2000x1xf32>
    %get3A_2 = arith.constant 0 : index
    %get3A_3 = arith.constant 0 : index
    %get3A_4 = vector.load %arg1[%get3A_2, %get3A_3] : memref<2000x16xf32, #tpu.memory_space<vmem>>, vector<2000x16xf32>
    %get3A_5 = arith.constant 0 : index
    %get3A_6 = arith.constant 0 : index
    %get3A_7 = arith.constant 0 : index
    %get3A_8 = arith.constant 0 : index
    %get3A_9 = vector.load %arg2[%get3A_5, %get3A_6, %get3A_7, %get3A_8] : memref<1x1x2000x16xf32, #tpu.memory_space<vmem>>, vector<1x1x2000x16xf32>
    %get3A_10 = vector.shape_cast %get3A_9 : vector<1x1x2000x16xf32> to vector<2000x16xf32>
    %add3A = arith.addf %get3A_4, %get3A_10 : vector<2000x16xf32>
    %get3A_11 = arith.constant 0 : index
    %get3A_12 = arith.constant 0 : index
    %get3A_13 = arith.constant 0 : index
    %get3A_14 = arith.constant 0 : index
    %get3A_15 = vector.load %arg3[%get3A_11, %get3A_12, %get3A_13, %get3A_14] : memref<1x1x2000x16xf32, #tpu.memory_space<vmem>>, vector<1x1x2000x16xf32>
    %get3A_16 = vector.shape_cast %get3A_15 : vector<1x1x2000x16xf32> to vector<2000x16xf32>
    %add3A_17 = arith.addf %add3A, %get3A_16 : vector<2000x16xf32>
    %mul3A = vector.broadcast %get3A_1 : vector<2000x1xf32> to vector<2000x16xf32>
    %mul3A_18 = arith.mulf %mul3A, %add3A_17 : vector<2000x16xf32>
    %slice3A = vector.extract_strided_slice %mul3A_18 {offsets = [0, 0], sizes = [2000, 4], strides = [1, 1]} : vector<2000x16xf32> to vector<2000x4xf32>
    %get3A_19 = arith.constant 0 : index
    %get3A_20 = arith.constant 0 : index
    %get3A_21 = vector.load %arg5[%get3A_19, %get3A_20] : memref<1x4xf32, #tpu.memory_space<vmem>>, vector<1x4xf32>
    %add3A_22 = vector.broadcast %get3A_21 : vector<1x4xf32> to vector<2000x4xf32>
    %add3A_23 = arith.addf %slice3A, %add3A_22 : vector<2000x4xf32>
    %max3A = arith.constant 0.000000e+00 : f32
    %max3A_24 = vector.broadcast %max3A : f32 to vector<2000x4xf32>
    %max3A_25 = arith.maximumf %add3A_23, %max3A_24 : vector<2000x4xf32>
    %swap3A = arith.constant 0 : index
    %swap3A_26 = arith.constant 0 : index
    %swap3A_27 = vector.load %arg6[%swap3A, %swap3A_26] : memref<2000x4xf32, #tpu.memory_space<vmem>>, vector<2000x4xf32>
    tpu.vector_store %arg6[%swap3A, %swap3A_26], %max3A_25 {strides = array<i32>} : memref<2000x4xf32, #tpu.memory_space<vmem>>, vector<2000x4xf32>,
    return
  }
  func.func @transform_0(%arg0: i32) -> (i32, i32) {
    %c0_i32 = arith.constant 0 : i32
    %c0_i32_0 = arith.constant 0 : i32
    return %arg0, %c0_i32 : i32, i32
  }
  func.func @transform_1(%arg0: i32) -> (i32, i32, i32, i32) {
    %c0_i32 = arith.constant 0 : i32
    %c0_i32_0 = arith.constant 0 : i32
    %c0_i32_1 = arith.constant 0 : i32
    %c0_i32_2 = arith.constant 0 : i32
    return %c0_i32, %c0_i32_0, %arg0, %c0_i32_1 : i32, i32, i32, i32
  }
  func.func @transform_2(%arg0: i32) -> (i32, i32, i32, i32) {
    %c1_i32 = arith.constant 1 : i32
    %c0_i32 = arith.constant 0 : i32
    %c0_i32_0 = arith.constant 0 : i32
    %c0_i32_1 = arith.constant 0 : i32
    return %c1_i32, %c0_i32, %arg0, %c0_i32_0 : i32, i32, i32, i32
  }
  func.func @transform_3(%arg0: i32) -> (i32, i32) {
    %c0_i32 = arith.constant 0 : i32
    %c0_i32_0 = arith.constant 0 : i32
    return %arg0, %c0_i32 : i32, i32
  }
  func.func @transform_4(%arg0: i32) -> (i32, i32) {
    %c0_i32 = arith.constant 0 : i32
    %c0_i32_0 = arith.constant 0 : i32
    %c0_i32_1 = arith.constant 0 : i32
    return %c0_i32, %c0_i32_0 : i32, i32
  }
  func.func @transform_5(%arg0: i32) -> (i32, i32) {
    %c0_i32 = arith.constant 0 : i32
    %c0_i32_0 = arith.constant 0 : i32
    return %arg0, %c0_i32 : i32, i32
  }
}

</mosaic_0001>

<sc_bundles>
// kernel: kernel.11.cloned.1.call-start
scs
__scs_entry_jumppad:
0x0: {  	(pc) =	sbr.rel $0x88, $3  }
0x1: {  	(tag) =	ssettag $0x0;
	lr =	simm.s32 $0x1  }
0x2: {  	[smem:$0x3F99] =	sst lr;
	_ =	strace $0xD0000000  }
0x3: {  	_ = 	snop  }
0x4: {  	_ = 	snop  }
0x5: {  	_ = 	snop  }
0x6: {  	_ = 	snop  }
0x7: {  	_ = 	snop  }
__scs_overlays_trampoline_lowered:
0x8: {  	[smem:$0x3FA8] =	sst s0  }
0x9: {  	[smem:$0x3FA9] =	sst s1  }
0xa: {  	[smem:$0x3FAA] =	sst s2  }
0xb: {  	[smem:$0x3FAB] =	sst s3  }
0xc: {  	[smem:$0x3FAC] =	sst s4  }
0xd: {  	[smem:$0x3FAD] =	sst s5  }
0xe: {  	[smem:$0x3FAE] =	sst s6  }
0xf: {  	[smem:$0x3FAF] =	sst s7  }
0x10: {  	[smem:$0x3FB0] =	sst s8  }
0x11: {  	[smem:$0x3FB1] =	sst s9;
	s0 =	simm.s32 @!p0 $0x0  }
0x12: {  	s1 =	sld [smem:$0x3F97];
	s0 =	simm.s32 @p0 $0x1  }
0x13: {  	[smem:$0x3FB2] =	sst s0;
	s0 =	simm.s32 @!p1 $0x0  }
0x14: {  	s2 =	sld [smem:$0x3F96];
	s0 =	simm.s32 @p1 $0x1  }
0x15: {  	[smem:$0x3FB3] =	sst s0;
	s0 =	simm.s32 @!p2 $0x0  }
0x16: {  	s3 =	sld [smem:$0x3FDB];
	s0 =	simm.s32 @p2 $0x1  }
0x17: {  	s4 =	simm.s32 $0x1BF5;
	[smem:$0x3FB5] =	sst s0  }
0x18: {  	s0 =	sld [smem:$0x3F98];
	_ =	swait.ge [sflag:s4], $0x0  }
0x19: {  	s7 =	sld [smem:$0x3F99]  }
0x1a: {  	s8 =	sadd.s32 $0xFFFFE003, lr  }
0x1b: {  	s9 =	sadd.s32 $0xFFFFFEF7, lr;
	s5 =	simm.s32 $0xFFFFFFFF;
	p2 =	slt.u32 s8, $0xFFFFF086  }
0x1c: {  	p1 =	slt.u32 s9, $0xF7A;
	s5 =	simm.s32 @!p2 $0x0  }
0x1d: {  	s5 =	simm.s32 @p1 $0x1;
	p0 =	seq.s32 s7, s2  }
0x1e: {  	s7 =	smul.u32 @!p0 $0xF7A, s2;
	p2 =	seq.s32 @!p0 s5, $0x0  }
0x1f: {  	s9 =	smul.u32 $0xF7A, s1;
	s8 =	simm.s32 @!p0 $0x1BF5;
	p2 =	por !p2, p0  }
0x20: {  	[sflag:s8] =	ssyncset.s32 @!p0 $0xFFFFF086;
	s6 =	sadd.s32 @!p0 s3, s7;
	s7 =	simm.s32 @!p0 $0x108  }
0x21: {  	s3 =	sadd.s32 s3, s9;
	s6 =	sadd.s32 @!p0 $0x88, s6;
	s7 =	simm.s32 @p2 $0x1082  }
0x22: {  	[simem:s7], [sflag:s8] =	dma.local @!p0 [hbm:s6], $0xF7A  }
0x23: {  	s9 =	sor.u32 $0xD0000000, s2;
	s6 =	simm.s32 $0x108;
	_ =	swait.ge @!p0 [sflag:s8], $0x0  }
0x24: {  	s3 =	sadd.s32 $0x88, s3;
	s6 =	simm.s32 @!p1 $0x1082;
	[sflag:s4] =	ssyncset.s32 $0xFFFFF086  }
0x25: {  	[simem:s6], [sflag:s4] =	dma.local [hbm:s3], $0xF7A  }
0x26: {  	[smem:$0x3F99] =	sst s1;
	(tag) =	ssettag s2;
	_ =	strace s9  }
0x27: {  	s1 =	sld [smem:$0x3FA9]  }
0x28: {  	s2 =	sld [smem:$0x3FAA]  }
0x29: {  	s4 =	sld [smem:$0x3FAC]  }
0x2a: {  	p0 =	seq.s32 s5, $0x0;
	s5 =	sld [smem:$0x3FAD]  }
0x2b: {  	s6 =	sld [smem:$0x3FAE]  }
0x2c: {  	s7 =	sld [smem:$0x3FAF]  }
0x2d: {  	s3 =	simm.s32 $0x108;
	s8 =	sld [smem:$0x3FB0]  }
0x2e: {  	s3 =	simm.s32 @!p0 $0x1082;
	s9 =	sld [smem:$0x3FB1]  }
0x2f: {  	lr =	sadd.s32 s0, s3;
	s0 =	sld [smem:$0x3FA8]  }
0x30: {  	s3 =	sld [smem:$0x3FAB]  }
0x31: {  	[smem:$0x3FB4] =	sst s10  }
0x32: {  	s10 =	sld [smem:$0x3FB2];
	_ =	sdelay $0x3  }
0x33: {  	p0 =	seq.s32 s10, $0x1;
	s10 =	sld [smem:$0x3FB4];
	_ =	sdelay $0x3  }
0x34: {  	[smem:$0x3FB4] =	sst s10  }
0x35: {  	s10 =	sld [smem:$0x3FB3];
	_ =	sdelay $0x3  }
0x36: {  	p1 =	seq.s32 s10, $0x1;
	s10 =	sld [smem:$0x3FB4];
	_ =	sdelay $0x3  }
0x37: {  	[smem:$0x3FB4] =	sst s10  }
0x38: {  	s10 =	sld [smem:$0x3FB5]  }
0x39: {  	_ = 	snop;
	(pc) =	sbr.ind lr, $3  }
0x3a: {  	_ = 	snop  }
0x3b: {  	_ = 	snop  }
0x3c: {  	p2 =	seq.s32 s10, $0x1;
	s10 =	sld [smem:$0x3FB4]  }
0x3d: {  	_ =	shalt  }
0x3e: {  	_ =	shalt  }
0x3f: {  	_ =	shalt  }
0x40: {  	_ =	shalt  }
0x41: {  	_ =	shalt  }
0x42: {  	_ =	shalt  }
0x43: {  	_ =	shalt  }
0x44: {  	_ =	shalt  }
0x45: {  	_ =	shalt  }
0x46: {  	_ =	shalt  }
0x47: {  	_ =	shalt  }
0x48: {  	_ =	shalt  }
0x49: {  	_ =	shalt  }
0x4a: {  	_ =	shalt  }
0x4b: {  	_ =	shalt  }
0x4c: {  	_ =	shalt  }
0x4d: {  	_ =	shalt  }
0x4e: {  	_ =	shalt  }
0x4f: {  	_ =	shalt  }
0x50: {  	_ =	shalt  }
0x51: {  	_ =	shalt  }
0x52: {  	_ =	shalt  }
0x53: {  	_ =	shalt  }
0x54: {  	_ =	shalt  }
0x55: {  	_ =	shalt  }
0x56: {  	_ =	shalt  }
0x57: {  	_ =	shalt  }
0x58: {  	_ =	shalt  }
0x59: {  	_ =	shalt  }
0x5a: {  	_ =	shalt  }
0x5b: {  	_ =	shalt  }
0x5c: {  	_ =	shalt  }
0x5d: {  	_ =	shalt  }
0x5e: {  	_ =	shalt  }
0x5f: {  	_ =	shalt  }
0x60: {  	_ =	shalt  }
0x61: {  	_ =	shalt  }
0x62: {  	_ =	shalt  }
0x63: {  	_ =	shalt  }
0x64: {  	_ =	shalt  }
0x65: {  	_ =	shalt  }
0x66: {  	_ =	shalt  }
0x67: {  	_ =	shalt  }
0x68: {  	_ =	shalt  }
0x69: {  	_ =	shalt  }
0x6a: {  	_ =	shalt  }
0x6b: {  	_ =	shalt  }
0x6c: {  	_ =	shalt  }
0x6d: {  	_ =	shalt  }
0x6e: {  	_ =	shalt  }
0x6f: {  	_ =	shalt  }
0x70: {  	_ =	shalt  }
0x71: {  	_ =	shalt  }
0x72: {  	_ =	shalt  }
0x73: {  	_ =	shalt  }
0x74: {  	_ =	shalt  }
0x75: {  	_ =	shalt  }
0x76: {  	_ =	shalt  }
0x77: {  	_ =	shalt  }
0x78: {  	_ =	shalt  }
0x79: {  	_ =	shalt  }
0x7a: {  	_ =	shalt  }
0x7b: {  	_ =	shalt  }
0x7c: {  	_ =	shalt  }
0x7d: {  	_ =	shalt  }
0x7e: {  	_ =	shalt  }
0x7f: {  	_ =	shalt  }
0x80: {  	_ =	shalt  }
0x81: {  	_ =	shalt  }
0x82: {  	_ =	shalt  }
0x83: {  	_ =	shalt  }
0x84: {  	_ =	shalt  }
0x85: {  	_ =	shalt  }
0x86: {  	_ =	shalt  }
0x87: {  	_ =	shalt  }
.Lfunc_end0:
.L_simem_size_0:
called_computation_lowered:
.L_overlay_start_0:
0x88: {  	s2 =	sld [smem:$0x3FD9]  }
0x89: {  	s3 =	sld [smem:$0x3FFE];
	_ =	sdelay $0x1  }
0x8a: {  	s1 =	srdreg.scid  }
0x8b: {  	s0 =	sand.u32 $0x1, s1  }
0x8c: {  	s16 =	sshll.u32 s0, $0xA;
	s2 =	sadd.s32 s3, s2  }
0x8d: {  	s2 =	sadd.s32 s2, s16  }
0x8e: {  	[smem:$0x3FC0] =	sst s2  }
0x8f: {  	_ = 	snop  }
0x90: {  	(tm) =	ssettm $0x1  }
0x91: {  	s17 =	sld [smem:$0x3FFB];
	_ =	sdelay $0x3  }
0x92: {  	_ =	strace s17  }
0x93: {  	s2 =	sld [smem:$0x3FFC];
	_ =	sdelay $0x3  }
0x94: {  	_ =	strace s2  }
0x95: {  	s2 =	sld [smem:$0x3FFD];
	_ =	sdelay $0x3  }
0x96: {  	_ =	strace s2  }
0x97: {  	_ =	strace $0x8FFFFFFF  }
0x98: {  	s18 =	sld [smem:$0x3FDB];
	_ =	sdelay $0x1  }
0x99: {  	s19 =	simm.s32 $_scs_section_size  }
0x9a: {  	s4 =	simm.s32 $_size__tile_overlayer_lowered;
	s5 =	simm.s32 $_tile_overlayer_lowered  }
0x9b: {  	s22 =	simm.s32 $0x1BFF;
	s21 =	sshll.u32 s5, $0x1;
	s2 =	sadd.s32 s19, s18  }
0x9c: {  	s6 =	simm.s32 $0x0;
	s20 =	sshll.u32 s4, $0x1;
	s4 =	sadd.s32 s21, s2  }
0x9d: {  	[timem:s6], [sflag:s22] =	dma.local [hbm:s4], s20  }
0x9e: {  	_ =	swait.ge [sflag:s22], s20  }
0x9f: {  	s3 =	ssub.s32 $0x0, s20;
	[sflag:s22] =	ssyncset.done $0x0  }
0xa0: {  	[sflag:s22] =	ssyncadd.s32 s3;
	_ =	sdelay $0x1  }
0xa1: {  	s23 =	simm.s32 $0x1B8B  }
0xa2: {  	_ =	swait.ge [sflag:s23], $0x1  }
0xa3: {  	[sflag:s23] =	ssyncset.done $0x0  }
0xa4: {  	s25 =	simm.s32 $0x1B8E;
	s24 =	sld [smem:$0x3FFE];
	[sflag:s23] =	ssyncadd.s32 $0xFFFFFFFF  }
0xa5: {  	s26 =	simm.s32 $execute0_lowered;
	[smem:$0x3FD2] =	sst s25  }
0xa6: {  	s4 =	sshll.u32 s26, $0x1;
	_ =	strace $0x80000046;
	[dreg:$0x1] =	wrdreg $0xFFFFFFFF  }
0xa7: {  	s28 =	simm.s32 $_size_execute0_lowered;
	s2 =	sadd.s32 s2, s4;
	[dreg:$0x0] =	wrdreg $0x0  }
0xa8: {  	s4 =	sshll.u32 s28, $0x1;
	[dreg:$0x2] =	wrdreg s2  }
0xa9: {  	[dreg:$0x3] =	wrdreg s4  }
0xaa: {  	[dreg:$0x4] =	wrdreg $0xC0  }
0xab: {  	_ =	task [dreg:s6], $0x5FFFF  }
0xac: {  	[dreg:$0x1] =	wrdreg $0xFFFFFFFF  }
0xad: {  	[dreg:$0x0] =	wrdreg $0x60  }
0xae: {  	[dreg:$0x2] =	wrdreg s24  }
0xaf: {  	[dreg:$0x3] =	wrdreg $0x2FE00  }
0xb0: {  	[dreg:$0x4] =	wrdreg $0x9  }
0xb1: {  	_ =	task.clear_ibuf [dreg:s6], $0x5FFFF;
	_ =	strace $0x90000046  }
0xb2: {  	s29 =	simm.s32 $0x9;
	_ =	strace $0x80000048  }
0xb3: {  	_ =	swait.ge [sflag:s29], $0x1  }
0xb4: {  	[sflag:s29] =	ssyncadd.s32 $0xFFFFFFFF  }
0xb5: {  	_ =	strace $0x90000048  }
0xb6: {  	_ =	sfence  }
0xb7: {  	s30 =	sld [smem:$0x0];
	_ =	sdelay $0x2  }
0xb8: {  	s31 =	sshll.u32 s1, $0xD;
	s1 =	sshrl.u32 s1, $0x2  }
0xb9: {  	s3 =	sand.u32 $0x4000, s31;
	s1 =	sadd.s32 s1, s30  }
0xba: {  	s0 =	sor.u32 s3, s0;
	s1 =	sshll.u32 s1, $0x11  }
0xbb: {  	s0 =	sor.u32 s1, s0  }
0xbc: {  	s0 =	sadd.s32 $0x8F2B, s0  }
0xbd: {  	[sflag:s0] =	ssyncadd.remote.s32 $0x1  }
0xbe: {  	_ =	sfence.sel $0xFFFF  }
0xbf: {  	[dreg:$0x0] =	wrdreg $0xFFFFFFFF;
	(pc) =	sbr.abs _section_cstart, $3  }
0xc0: {  	[dreg:$0x1] =	wrdreg $0xFFFFFFFF  }
0xc1: {  	_ =	task.clear_ibuf [dreg:s6], $0x2FFFF;
	_ =	strace $0x9FFFFFFF  }
0xc2: {  	(tm) =	ssettm $0x7FFFFFFF  }
0xc3: {  	_ =	shalt  }
tec
execute0_lowered:
.L_overlay_start_1:
0x0: {  	(tag) =	ssettag $0x1  }
0x1: {  	s4 =	rddreg [dreg:$0x0]  }
0x2: {  	s2 =	rddreg [dreg:$0x1]  }
0x3: {  	s0 =	srdreg.scid;
	s1 =	rddreg [dreg:$0x2];
	s3 =	simm.s32 $0x0  }
0x4: {  	s11 =	simm.s32 $0x28A0;
	s12 =	simm.s32 $0x1;
	s5 =	sand.u32 $0x1, s0  }
0x5: {  	s15 =	simm.s32 $0x0;
	s0 =	stileid.u32;
	s6 =	smul.u32 $0x28000, s5  }
0x6: {  	[smem:$0x7FF] =	sst s3;
	s7 =	smul.u32 $0x2800, s0;
	s8 =	sshll.u32 s0, $0x1  }
0x7: {  	_ =	strace $0x80000047;
	s9 =	smul.u32 $0xA000, s0;
	s13 =	sshll.u32 s0, $0x6  }
0x8: {  	s8 =	sor.u32 s5, s8;
	s5 =	ssub.s32 $0x2, s5;
	s13 =	sor.u32 $0x1C02, s13  }
0x9: {  	s6 =	sadd.s32 s7, s6;
	s8 =	smul.u32 $0x28A0, s8;
	s10 =	sshrl.u32 s5, $0x1  }
0xa: {  	s30 =	sshrl.u32 s9, $0x2;
	s14 =	sadd.s32 s7, s2;
	s9 =	simm.s32 $0x2EE0  }
0xb: {  	s6 =	sshrl.u32 s6, $0x3;
	s31 =	ssub.s32 s5, s10;
	s5 =	sadd.s32 s30, s2  }
0xc: {  	s10 =	simm.s32 $0x64;
	s14 =	sshrl.u32 s14, $0x3;
	s8 =	sshrl.u32 s8, $0x3  }
0xd: {  	s6 =	sadd.s32 s6, s4;
	s7 =	smax.u32 s31, $0x1;
	s4 =	sadd.s32 s4, s8  }
0xe: {  	v0 =	vimm.f32 $0.0e+00;
	v1 =	vimm.f32 $1.000000000e+00;
	s6 =	sadd.s32 $0x18000, s6;
	s8 =	simm.s32 $0x2;
	s4 =	sadd.s32 $0xDC80, s4  }
.LBB2_1:
0xf: {  	[tilespmem:s3], [sflag:$0x2] =	stream.linear.gather [hbm4b:s4+s3], $0x28A0, $0x38;
	[tilespmem:$0x57E0] =	vst v63  }
0x10: {  	_ =	swait.ge [sflag:s8], $0x28A0  }
0x11: {  	[sflag:s8] =	ssyncset.done $0x0  }
0x12: {  	[sflag:s8] =	ssyncadd.s32 $0xFFFFD760  }
0x13: {  	[tilespmem:$0x2EE0] =	vst v0  }
0x14: {  	[tilespmem:$0x2EF0] =	vst v0  }
0x15: {  	[tilespmem:$0x2F00] =	vst v0  }
0x16: {  	[tilespmem:$0x2F10] =	vst v0  }
0x17: {  	[tilespmem:$0x2F20] =	vst v0  }
0x18: {  	[tilespmem:$0x2F30] =	vst v0  }
0x19: {  	[tilespmem:$0x2F40] =	vst v0  }
0x1a: {  	[tilespmem:$0x2F50] =	vst v0  }
0x1b: {  	[tilespmem:$0x2F60] =	vst v0  }
0x1c: {  	[tilespmem:$0x2F70] =	vst v0  }
0x1d: {  	[tilespmem:$0x2F80] =	vst v0  }
0x1e: {  	[tilespmem:$0x2F90] =	vst v0  }
0x1f: {  	[tilespmem:$0x2FA0] =	vst v0  }
0x20: {  	[tilespmem:$0x2FB0] =	vst v0  }
0x21: {  	[tilespmem:$0x2FC0] =	vst v0  }
0x22: {  	s16 =	simm.s32 $0x0;
	[tilespmem:$0x2FD0] =	vst v0  }
.LBB2_2:
0x23: {  	p0 =	sne.s32 s16, $0x18C0  }
.Ltmp0:
0x24: {  	_ = 	snop;
	(pc) =	sbr.rel @p0 .LBB2_2-.Ltmp0, $3  }
0x25: {  	_ =	sdelay $0x1  }
0x26: {  	s17 =	sshra.s32 s16, $0x2  }
0x27: {  	s16 =	sadd.s32 $0x40, s16;
	[tilespmem:s17+$0x28A0] =	vst v1  }
0x28: {  	s16 =	sadd.s32 $0x0, s5  }
0x29: {  	[spmem:s16] =	stream.linear.scatter [tilespmem:s9], [sflag:$0x2], $0x100, $0x38;
	[tilespmem:$0x57E0] =	vst v63  }
0x2a: {  	s16 =	simm.s32 $0x400;
	_ =	swait.ge [sflag:s8], $0x100  }
.LBB2_4:
0x2b: {  	s17 =	sshra.s32 s16, $0x2;
	[sflag:s8] =	ssyncset.done $0x0;
	p0 =	sne.s32 s16, $0x9C00  }
.Ltmp1:
0x2c: {  	s17 =	sadd.s32 s17, s5;
	[sflag:s8] =	ssyncadd.s32 $0xFFFFFF00;
	(pc) =	sbr.rel @p0 .LBB2_4-.Ltmp1, $3  }
0x2d: {  	[spmem:s17] =	stream.linear.scatter [tilespmem:s9], [sflag:$0x2], $0x100, $0x38;
	[tilespmem:$0x57E0] =	vst v63  }
0x2e: {  	s16 =	sadd.s32 $0x400, s16;
	_ =	sdelay $0x1  }
0x2f: {  	_ =	swait.ge [sflag:s8], $0x100  }
0x30: {  	[sflag:s8] =	ssyncset.done $0x0  }
0x31: {  	p0 =	por $0x1, $0x1;
	[sflag:s8] =	ssyncadd.s32 $0xFFFFFF00  }
0x32: {  	s16 =	simm.s32 $0x0;
	s18 =	simm.s32 @!p0 $0x1;
	[bflag:$0x0] =	sbarrier.arrive $0xFFFF  }
0x33: {  	[spmem:s2] =	stream.indirect.scatter.add.f32 [tilespmem:s11], [sflag:$0x1], $0x10, s16, s10, $0xb8;
	[tilespmem:$0x57E0] =	vst v63  }
0x34: {  	_ =	swait.ge @!p0 [sflag:s18], $0x640  }
0x35: {  	s17 =	simm.s32 $0x1;
	[sflag:s18] =	ssyncset.done @!p0 $0x0  }
.LBB2_6:
0x36: {  	[sflag:s18] =	ssyncadd.s32 @!p0 $0xFFFFF9C0  }
0x37: {  	s16 =	sadd.s32 $0x68, s16;
	s18 =	smov.u32 s17;
	s17 =	sadd.s32 $0x1, s17  }
0x38: {  	p1 =	sne.s32 s17, $0x64  }
0x39: {  	[spmem:s2] =	stream.indirect.scatter.add.f32 [tilespmem:s11], [sflag:$0x1], $0x10, s16, s10, $0xb8;
	[tilespmem:$0x57E0] =	vst v63  }
.Ltmp2:
0x3a: {  	_ = 	snop;
	(pc) =	sbr.rel @p1 .LBB2_6-.Ltmp2, $4  }
0x3b: {  	p0 =	slt.u32 s18, $0x8  }
0x3c: {  	s18 =	simm.s32 @!p0 $0x1  }
0x3d: {  	_ =	swait.ge @!p0 [sflag:s18], $0x640  }
0x3e: {  	[sflag:s18] =	ssyncset.done @!p0 $0x0  }
0x3f: {  	[sflag:s18] =	ssyncadd.s32 @!p0 $0xFFFFF9C0  }
0x40: {  	_ =	swait.ge [sflag:s12], $0x640  }
0x41: {  	[sflag:s12] =	ssyncset.done $0x0  }
0x42: {  	[sflag:s12] =	ssyncadd.s32 $0xFFFFF9C0  }
0x43: {  	_ =	swait.ge [sflag:s12], $0x640  }
0x44: {  	[sflag:s12] =	ssyncset.done $0x0  }
0x45: {  	[sflag:s12] =	ssyncadd.s32 $0xFFFFF9C0  }
0x46: {  	_ =	swait.ge [sflag:s12], $0x640  }
0x47: {  	[sflag:s12] =	ssyncset.done $0x0  }
0x48: {  	[sflag:s12] =	ssyncadd.s32 $0xFFFFF9C0  }
0x49: {  	_ =	swait.ge [sflag:s12], $0x640  }
0x4a: {  	[sflag:s12] =	ssyncset.done $0x0  }
0x4b: {  	[sflag:s12] =	ssyncadd.s32 $0xFFFFF9C0  }
0x4c: {  	_ =	swait.ge [sflag:s12], $0x640  }
0x4d: {  	[sflag:s12] =	ssyncset.done $0x0  }
0x4e: {  	[sflag:s12] =	ssyncadd.s32 $0xFFFFF9C0  }
0x4f: {  	_ =	swait.ge [sflag:s12], $0x640  }
0x50: {  	[sflag:s12] =	ssyncset.done $0x0  }
0x51: {  	[sflag:s12] =	ssyncadd.s32 $0xFFFFF9C0  }
0x52: {  	_ =	swait.ge [sflag:s12], $0x640  }
0x53: {  	[sflag:s12] =	ssyncset.done $0x0  }
0x54: {  	[sflag:s12] =	ssyncadd.s32 $0xFFFFF9C0  }
0x55: {  	_ =	swait.ge [sflag:s12], $0x640  }
0x56: {  	s15 =	sadd.s32 $0x1, s15;
	[sflag:s12] =	ssyncset.done $0x0  }
0x57: {  	p0 =	sne.s32 s15, s7;
	[sflag:s12] =	ssyncadd.s32 $0xFFFFF9C0  }
.Ltmp3:
0x58: {  	[bflag:$0x0] =	sbarrier.arrive $0xFFFF;
	(pc) =	sbr.rel @p0 .LBB2_1-.Ltmp3, $4  }
0x59: {  	[hbm:s6], [sflag:s13] =	dma.local [spmem:s14], $0x500  }
0x5a: {  	_ =	swait.ge [sflag:s8], $0x500  }
0x5b: {  	[sflag:s8] =	ssyncset.done $0x0  }
0x5c: {  	[sflag:s8] =	ssyncadd.s32 $0xFFFFFB00  }
0x5d: {  	_ =	sfence.sel $0x180000  }
0x5e: {  	[bflag:$0x0] =	sbarrier.arrive $0xFFFF  }
0x5f: {  	p0 =	sne.s32 s0, $0x0;
	_ =	strace $0x90000047  }
0x60: {  	s0 =	sadd.s32 @!p0 $0x100000, s1;
	[bflag:$0x2] =	sbarrier.arrive $0xFFFF  }
0x61: {  	[sflag:s0] =	ssyncadd.tile.s32 @!p0 $0x1;
	_ =	shalt  }
.Lfunc_end2:
_tile_overlayer_lowered:
.L_overlay_start_2:
0x62: {  	(tag) =	ssettag $0x2  }
0x63: {  	s0 =	rddreg [dreg:$0x0];
	s2 =	stileid.u32  }
0x64: {  	s1 =	rddreg [dreg:$0x1];
	p0 =	sne.s32 s2, $0x0  }
0x65: {  	s3 =	rddreg [dreg:$0x2];
	[bflag:$0x3] =	sbarrier.arrive $0xFFFF;
	s2 =	simm.s32 @!p0 $0x1C02  }
0x66: {  	[timem:s3], [sflag:s2] =	dma.local @!p0 [hbm:s0], s1  }
0x67: {  	s0 =	simm.s32 @!p0 $0x2  }
0x68: {  	_ =	swait.ge @!p0 [sflag:s0], s1  }
0x69: {  	s1 =	ssub.s32 @!p0 $0x0, s1;
	[sflag:s0] =	ssyncset.done @!p0 $0x0  }
0x6a: {  	[sflag:s0] =	ssyncadd.s32 @!p0 s1  }
0x6b: {  	[bflag:$0x3] =	sbarrier.arrive $0xFFFF  }
0x6c: {  	_ =	shalt  }

// kernel: kernel.14.cloned.1.call-start
scs
__scs_entry_jumppad:
0x0: {  	(pc) =	sbr.rel $0x88, $3  }
0x1: {  	(tag) =	ssettag $0x0;
	lr =	simm.s32 $0x1  }
0x2: {  	[smem:$0x3F99] =	sst lr;
	_ =	strace $0xD0000000  }
0x3: {  	_ = 	snop  }
0x4: {  	_ = 	snop  }
0x5: {  	_ = 	snop  }
0x6: {  	_ = 	snop  }
0x7: {  	_ = 	snop  }
__scs_overlays_trampoline_lowered:
0x8: {  	[smem:$0x3FA8] =	sst s0  }
0x9: {  	[smem:$0x3FA9] =	sst s1  }
0xa: {  	[smem:$0x3FAA] =	sst s2  }
0xb: {  	[smem:$0x3FAB] =	sst s3  }
0xc: {  	[smem:$0x3FAC] =	sst s4  }
0xd: {  	[smem:$0x3FAD] =	sst s5  }
0xe: {  	[smem:$0x3FAE] =	sst s6  }
0xf: {  	[smem:$0x3FAF] =	sst s7  }
0x10: {  	[smem:$0x3FB0] =	sst s8  }
0x11: {  	[smem:$0x3FB1] =	sst s9;
	s0 =	simm.s32 @!p0 $0x0  }
0x12: {  	s1 =	sld [smem:$0x3F97];
	s0 =	simm.s32 @p0 $0x1  }
0x13: {  	[smem:$0x3FB2] =	sst s0;
	s0 =	simm.s32 @!p1 $0x0  }
0x14: {  	s2 =	sld [smem:$0x3F96];
	s0 =	simm.s32 @p1 $0x1  }
0x15: {  	[smem:$0x3FB3] =	sst s0;
	s0 =	simm.s32 @!p2 $0x0  }
0x16: {  	s3 =	sld [smem:$0x3FDB];
	s0 =	simm.s32 @p2 $0x1  }
0x17: {  	s4 =	simm.s32 $0x1BF5;
	[smem:$0x3FB5] =	sst s0  }
0x18: {  	s0 =	sld [smem:$0x3F98];
	_ =	swait.ge [sflag:s4], $0x0  }
0x19: {  	s7 =	sld [smem:$0x3F99]  }
0x1a: {  	s8 =	sadd.s32 $0xFFFFE003, lr  }
0x1b: {  	s9 =	sadd.s32 $0xFFFFFEF7, lr;
	s5 =	simm.s32 $0xFFFFFFFF;
	p2 =	slt.u32 s8, $0xFFFFF086  }
0x1c: {  	p1 =	slt.u32 s9, $0xF7A;
	s5 =	simm.s32 @!p2 $0x0  }
0x1d: {  	s5 =	simm.s32 @p1 $0x1;
	p0 =	seq.s32 s7, s2  }
0x1e: {  	s7 =	smul.u32 @!p0 $0xF7A, s2;
	p2 =	seq.s32 @!p0 s5, $0x0  }
0x1f: {  	s9 =	smul.u32 $0xF7A, s1;
	s8 =	simm.s32 @!p0 $0x1BF5;
	p2 =	por !p2, p0  }
0x20: {  	[sflag:s8] =	ssyncset.s32 @!p0 $0xFFFFF086;
	s6 =	sadd.s32 @!p0 s3, s7;
	s7 =	simm.s32 @!p0 $0x108  }
0x21: {  	s3 =	sadd.s32 s3, s9;
	s6 =	sadd.s32 @!p0 $0x88, s6;
	s7 =	simm.s32 @p2 $0x1082  }
0x22: {  	[simem:s7], [sflag:s8] =	dma.local @!p0 [hbm:s6], $0xF7A  }
0x23: {  	s9 =	sor.u32 $0xD0000000, s2;
	s6 =	simm.s32 $0x108;
	_ =	swait.ge @!p0 [sflag:s8], $0x0  }
0x24: {  	s3 =	sadd.s32 $0x88, s3;
	s6 =	simm.s32 @!p1 $0x1082;
	[sflag:s4] =	ssyncset.s32 $0xFFFFF086  }
0x25: {  	[simem:s6], [sflag:s4] =	dma.local [hbm:s3], $0xF7A  }
0x26: {  	[smem:$0x3F99] =	sst s1;
	(tag) =	ssettag s2;
	_ =	strace s9  }
0x27: {  	s1 =	sld [smem:$0x3FA9]  }
0x28: {  	s2 =	sld [smem:$0x3FAA]  }
0x29: {  	s4 =	sld [smem:$0x3FAC]  }
0x2a: {  	p0 =	seq.s32 s5, $0x0;
	s5 =	sld [smem:$0x3FAD]  }
0x2b: {  	s6 =	sld [smem:$0x3FAE]  }
0x2c: {  	s7 =	sld [smem:$0x3FAF]  }
0x2d: {  	s3 =	simm.s32 $0x108;
	s8 =	sld [smem:$0x3FB0]  }
0x2e: {  	s3 =	simm.s32 @!p0 $0x1082;
	s9 =	sld [smem:$0x3FB1]  }
0x2f: {  	lr =	sadd.s32 s0, s3;
	s0 =	sld [smem:$0x3FA8]  }
0x30: {  	s3 =	sld [smem:$0x3FAB]  }
0x31: {  	[smem:$0x3FB4] =	sst s10  }
0x32: {  	s10 =	sld [smem:$0x3FB2];
	_ =	sdelay $0x3  }
0x33: {  	p0 =	seq.s32 s10, $0x1;
	s10 =	sld [smem:$0x3FB4];
	_ =	sdelay $0x3  }
0x34: {  	[smem:$0x3FB4] =	sst s10  }
0x35: {  	s10 =	sld [smem:$0x3FB3];
	_ =	sdelay $0x3  }
0x36: {  	p1 =	seq.s32 s10, $0x1;
	s10 =	sld [smem:$0x3FB4];
	_ =	sdelay $0x3  }
0x37: {  	[smem:$0x3FB4] =	sst s10  }
0x38: {  	s10 =	sld [smem:$0x3FB5]  }
0x39: {  	_ = 	snop;
	(pc) =	sbr.ind lr, $3  }
0x3a: {  	_ = 	snop  }
0x3b: {  	_ = 	snop  }
0x3c: {  	p2 =	seq.s32 s10, $0x1;
	s10 =	sld [smem:$0x3FB4]  }
0x3d: {  	_ =	shalt  }
0x3e: {  	_ =	shalt  }
0x3f: {  	_ =	shalt  }
0x40: {  	_ =	shalt  }
0x41: {  	_ =	shalt  }
0x42: {  	_ =	shalt  }
0x43: {  	_ =	shalt  }
0x44: {  	_ =	shalt  }
0x45: {  	_ =	shalt  }
0x46: {  	_ =	shalt  }
0x47: {  	_ =	shalt  }
0x48: {  	_ =	shalt  }
0x49: {  	_ =	shalt  }
0x4a: {  	_ =	shalt  }
0x4b: {  	_ =	shalt  }
0x4c: {  	_ =	shalt  }
0x4d: {  	_ =	shalt  }
0x4e: {  	_ =	shalt  }
0x4f: {  	_ =	shalt  }
0x50: {  	_ =	shalt  }
0x51: {  	_ =	shalt  }
0x52: {  	_ =	shalt  }
0x53: {  	_ =	shalt  }
0x54: {  	_ =	shalt  }
0x55: {  	_ =	shalt  }
0x56: {  	_ =	shalt  }
0x57: {  	_ =	shalt  }
0x58: {  	_ =	shalt  }
0x59: {  	_ =	shalt  }
0x5a: {  	_ =	shalt  }
0x5b: {  	_ =	shalt  }
0x5c: {  	_ =	shalt  }
0x5d: {  	_ =	shalt  }
0x5e: {  	_ =	shalt  }
0x5f: {  	_ =	shalt  }
0x60: {  	_ =	shalt  }
0x61: {  	_ =	shalt  }
0x62: {  	_ =	shalt  }
0x63: {  	_ =	shalt  }
0x64: {  	_ =	shalt  }
0x65: {  	_ =	shalt  }
0x66: {  	_ =	shalt  }
0x67: {  	_ =	shalt  }
0x68: {  	_ =	shalt  }
0x69: {  	_ =	shalt  }
0x6a: {  	_ =	shalt  }
0x6b: {  	_ =	shalt  }
0x6c: {  	_ =	shalt  }
0x6d: {  	_ =	shalt  }
0x6e: {  	_ =	shalt  }
0x6f: {  	_ =	shalt  }
0x70: {  	_ =	shalt  }
0x71: {  	_ =	shalt  }
0x72: {  	_ =	shalt  }
0x73: {  	_ =	shalt  }
0x74: {  	_ =	shalt  }
0x75: {  	_ =	shalt  }
0x76: {  	_ =	shalt  }
0x77: {  	_ =	shalt  }
0x78: {  	_ =	shalt  }
0x79: {  	_ =	shalt  }
0x7a: {  	_ =	shalt  }
0x7b: {  	_ =	shalt  }
0x7c: {  	_ =	shalt  }
0x7d: {  	_ =	shalt  }
0x7e: {  	_ =	shalt  }
0x7f: {  	_ =	shalt  }
0x80: {  	_ =	shalt  }
0x81: {  	_ =	shalt  }
0x82: {  	_ =	shalt  }
0x83: {  	_ =	shalt  }
0x84: {  	_ =	shalt  }
0x85: {  	_ =	shalt  }
0x86: {  	_ =	shalt  }
0x87: {  	_ =	shalt  }
.Lfunc_end0:
.L_simem_size_0:
called_computation.1_lowered:
.L_overlay_start_0:
0x88: {  	s2 =	sld [smem:$0x3FD9]  }
0x89: {  	s3 =	sld [smem:$0x3FFE];
	_ =	sdelay $0x1  }
0x8a: {  	s1 =	srdreg.scid  }
0x8b: {  	s0 =	sand.u32 $0x1, s1  }
0x8c: {  	s16 =	sshll.u32 s0, $0xA;
	s2 =	sadd.s32 s3, s2  }
0x8d: {  	s2 =	sadd.s32 s2, s16  }
0x8e: {  	[smem:$0x3FC0] =	sst s2  }
0x8f: {  	_ = 	snop  }
0x90: {  	(tm) =	ssettm $0x1  }
0x91: {  	s17 =	sld [smem:$0x3FFB];
	_ =	sdelay $0x3  }
0x92: {  	_ =	strace s17  }
0x93: {  	s2 =	sld [smem:$0x3FFC];
	_ =	sdelay $0x3  }
0x94: {  	_ =	strace s2  }
0x95: {  	s2 =	sld [smem:$0x3FFD];
	_ =	sdelay $0x3  }
0x96: {  	_ =	strace s2  }
0x97: {  	_ =	strace $0x8FFFFFFF  }
0x98: {  	s18 =	sld [smem:$0x3FDB];
	_ =	sdelay $0x1  }
0x99: {  	s19 =	simm.s32 $_scs_section_size  }
0x9a: {  	s4 =	simm.s32 $_size__tile_overlayer_lowered;
	s5 =	simm.s32 $_tile_overlayer_lowered  }
0x9b: {  	s22 =	simm.s32 $0x1BFF;
	s21 =	sshll.u32 s5, $0x1;
	s2 =	sadd.s32 s19, s18  }
0x9c: {  	s6 =	simm.s32 $0x0;
	s20 =	sshll.u32 s4, $0x1;
	s4 =	sadd.s32 s21, s2  }
0x9d: {  	[timem:s6], [sflag:s22] =	dma.local [hbm:s4], s20  }
0x9e: {  	_ =	swait.ge [sflag:s22], s20  }
0x9f: {  	s3 =	ssub.s32 $0x0, s20;
	[sflag:s22] =	ssyncset.done $0x0  }
0xa0: {  	[sflag:s22] =	ssyncadd.s32 s3;
	_ =	sdelay $0x1  }
0xa1: {  	s23 =	simm.s32 $0x1B8B  }
0xa2: {  	_ =	swait.ge [sflag:s23], $0x1  }
0xa3: {  	[sflag:s23] =	ssyncset.done $0x0  }
0xa4: {  	s25 =	simm.s32 $0x1B8E;
	s24 =	sld [smem:$0x3FFE];
	[sflag:s23] =	ssyncadd.s32 $0xFFFFFFFF  }
0xa5: {  	s26 =	simm.s32 $execute0_lowered;
	[smem:$0x3FD2] =	sst s25  }
0xa6: {  	s4 =	sshll.u32 s26, $0x1;
	_ =	strace $0x80000049;
	[dreg:$0x1] =	wrdreg $0xFFFFFFFF  }
0xa7: {  	s28 =	simm.s32 $_size_execute0_lowered;
	s2 =	sadd.s32 s2, s4;
	[dreg:$0x0] =	wrdreg $0x0  }
0xa8: {  	s4 =	sshll.u32 s28, $0x1;
	[dreg:$0x2] =	wrdreg s2  }
0xa9: {  	[dreg:$0x3] =	wrdreg s4  }
0xaa: {  	[dreg:$0x4] =	wrdreg $0xC0  }
0xab: {  	_ =	task [dreg:s6], $0x5FFFF  }
0xac: {  	[dreg:$0x1] =	wrdreg $0xFFFFFFFF  }
0xad: {  	[dreg:$0x0] =	wrdreg $0x60  }
0xae: {  	[dreg:$0x2] =	wrdreg s24  }
0xaf: {  	[dreg:$0x3] =	wrdreg $0xBD400  }
0xb0: {  	[dreg:$0x4] =	wrdreg $0x9  }
0xb1: {  	_ =	task.clear_ibuf [dreg:s6], $0x5FFFF;
	_ =	strace $0x90000049  }
0xb2: {  	s29 =	simm.s32 $0x9;
	_ =	strace $0x8000004B  }
0xb3: {  	_ =	swait.ge [sflag:s29], $0x1  }
0xb4: {  	[sflag:s29] =	ssyncadd.s32 $0xFFFFFFFF  }
0xb5: {  	_ =	strace $0x9000004B  }
0xb6: {  	_ =	sfence  }
0xb7: {  	s30 =	sld [smem:$0x0];
	_ =	sdelay $0x2  }
0xb8: {  	s31 =	sshll.u32 s1, $0xD;
	s1 =	sshrl.u32 s1, $0x2  }
0xb9: {  	s3 =	sand.u32 $0x4000, s31;
	s1 =	sadd.s32 s1, s30  }
0xba: {  	s0 =	sor.u32 s3, s0;
	s1 =	sshll.u32 s1, $0x11  }
0xbb: {  	s0 =	sor.u32 s1, s0  }
0xbc: {  	s0 =	sadd.s32 $0x8F2B, s0  }
0xbd: {  	[sflag:s0] =	ssyncadd.remote.s32 $0x1  }
0xbe: {  	_ =	sfence.sel $0xFFFF  }
0xbf: {  	[dreg:$0x0] =	wrdreg $0xFFFFFFFF;
	(pc) =	sbr.abs _section_cstart, $3  }
0xc0: {  	[dreg:$0x1] =	wrdreg $0xFFFFFFFF  }
0xc1: {  	_ =	task.clear_ibuf [dreg:s6], $0x2FFFF;
	_ =	strace $0x9FFFFFFF  }
0xc2: {  	(tm) =	ssettm $0x7FFFFFFF  }
0xc3: {  	_ =	shalt  }
tec
execute0_lowered:
.L_overlay_start_1:
0x0: {  	(tag) =	ssettag $0x1  }
0x1: {  	s1 =	srdreg.scid;
	s6 =	rddreg [dreg:$0x0]  }
0x2: {  	s0 =	stileid.u32;
	s2 =	rddreg [dreg:$0x1]  }
0x3: {  	s3 =	simm.s32 $0x0;
	s12 =	simm.s32 $0xB540;
	s13 =	simm.s32 $0x64  }
0x4: {  	s14 =	simm.s32 $0x5140;
	s15 =	simm.s32 $0x68;
	s16 =	simm.s32 $0x8340  }
0x5: {  	s17 =	simm.s32 $0x1;
	s18 =	simm.s32 $0x2;
	s19 =	simm.s32 $0x27D0  }
0x6: {  	s20 =	simm.s32 $0x2838;
	s21 =	simm.s32 $0x5070;
	s22 =	simm.s32 $0x50D8  }
0x7: {  	s24 =	simm.s32 $0x0;
	s5 =	sand.u32 $0x1, s1;
	s9 =	smul.u32 $0x14000, s0  }
0x8: {  	s31 =	sshll.u32 s0, $0x1;
	[smem:$0x7FF] =	sst s3;
	s10 =	smul.u32 $0x50000, s0  }
0x9: {  	s4 =	sadd.s32 $0x18000, s6;
	s1 =	sor.u32 s5, s31;
	s8 =	smul.u32 $0x140000, s5  }
0xa: {  	s5 =	ssub.s32 $0x2, s5;
	s7 =	smul.u32 $0x28A0, s1;
	s1 =	rddreg [dreg:$0x2]  }
0xb: {  	_ =	strace $0x8000004A;
	s11 =	sshrl.u32 s5, $0x1;
	s10 =	sshrl.u32 s10, $0x2  }
0xc: {  	s23 =	sadd.s32 s9, s2;
	s8 =	sadd.s32 s9, s8;
	s11 =	ssub.s32 s5, s11  }
0xd: {  	s23 =	sshrl.u32 s23, $0x3;
	s7 =	sshrl.u32 s7, $0x3;
	s8 =	sshrl.u32 s8, $0x3  }
0xe: {  	s9 =	smax.u32 s11, $0x1;
	s11 =	simm.s32 $0x28A0;
	s7 =	sadd.s32 s7, s6  }
0xf: {  	s8 =	sadd.s32 s8, s6;
	s5 =	sadd.s32 $0x3A00, s7;
	s6 =	sadd.s32 $0xDC80, s7  }
0x10: {  	v0 =	vimm.f32 $0.0e+00;
	s7 =	sadd.s32 s10, s2;
	s8 =	sadd.s32 $0x40000, s8;
	s10 =	simm.s32 $0x3  }
.LBB2_1:
0x11: {  	[tilespmem:s3], [sflag:$0x3] =	stream.linear.gather [hbm4b:s5+s3], $0x28A0, $0x38;
	[tilespmem:$0x1FD40] =	vst v63  }
0x12: {  	_ =	swait.ge [sflag:s10], $0x28A0  }
0x13: {  	[sflag:s10] =	ssyncset.done $0x0  }
0x14: {  	[sflag:s10] =	ssyncadd.s32 $0xFFFFD760  }
0x15: {  	[tilespmem:s11], [sflag:$0x3] =	stream.linear.gather [hbm4b:s6+s3], $0x28A0, $0x38;
	[tilespmem:$0x1FD40] =	vst v63  }
0x16: {  	_ =	swait.ge [sflag:s10], $0x28A0  }
0x17: {  	[sflag:s10] =	ssyncset.done $0x0  }
0x18: {  	s25 =	simm.s32 $0x0;
	s26 =	simm.s32 $0x200;
	[sflag:s10] =	ssyncadd.s32 $0xFFFFD760  }
.LBB2_2:
0x19: {  	p0 =	sne.s32 s26, $0x1E00;
	[tilespmem:s25+$0xB5B0] =	vst v0  }
0x1a: {  	[tilespmem:s25+$0xB540] =	vst v0  }
0x1b: {  	[tilespmem:s25+$0xB550] =	vst v0  }
.Ltmp0:
0x1c: {  	[tilespmem:s25+$0xB560] =	vst v0;
	(pc) =	sbr.rel @p0 .LBB2_2-.Ltmp0, $4  }
0x1d: {  	[tilespmem:s25+$0xB570] =	vst v0  }
0x1e: {  	[tilespmem:s25+$0xB580] =	vst v0  }
0x1f: {  	[tilespmem:s25+$0xB590] =	vst v0  }
0x20: {  	[tilespmem:s25+$0xB5A0] =	vst v0;
	s25 =	sshra.s32 s26, $0x2;
	s26 =	sadd.s32 $0x200, s26  }
0x21: {  	[tilespmem:s25+$0xB5B0] =	vst v0  }
0x22: {  	[tilespmem:s25+$0xB540] =	vst v0  }
0x23: {  	[tilespmem:s25+$0xB550] =	vst v0  }
0x24: {  	[tilespmem:s25+$0xB560] =	vst v0  }
0x25: {  	[tilespmem:s25+$0xB570] =	vst v0  }
0x26: {  	[tilespmem:s25+$0xB580] =	vst v0  }
0x27: {  	[tilespmem:s25+$0xB590] =	vst v0  }
0x28: {  	[tilespmem:s25+$0xB5A0] =	vst v0;
	s31 =	sadd.s32 $0x0, s7  }
0x29: {  	[spmem:s31] =	stream.linear.scatter [tilespmem:s12], [sflag:$0x3], $0x800, $0x38;
	[tilespmem:$0x1FD40] =	vst v63  }
0x2a: {  	s25 =	simm.s32 $0x2000;
	_ =	swait.ge [sflag:s10], $0x800  }
.LBB2_4:
0x2b: {  	s26 =	sshra.s32 s25, $0x2;
	[sflag:s10] =	ssyncset.done $0x0;
	p0 =	sne.s32 s25, $0x4E000  }
.Ltmp1:
0x2c: {  	s26 =	sadd.s32 s26, s7;
	[sflag:s10] =	ssyncadd.s32 $0xFFFFF800;
	(pc) =	sbr.rel @p0 .LBB2_4-.Ltmp1, $3  }
0x2d: {  	[spmem:s26] =	stream.linear.scatter [tilespmem:s12], [sflag:$0x3], $0x800, $0x38;
	[tilespmem:$0x1FD40] =	vst v63  }
0x2e: {  	s25 =	sadd.s32 $0x2000, s25;
	_ =	sdelay $0x1  }
0x2f: {  	_ =	swait.ge [sflag:s10], $0x800  }
0x30: {  	[sflag:s10] =	ssyncset.done $0x0  }
0x31: {  	[sflag:s10] =	ssyncadd.s32 $0xFFFFF800  }
0x32: {  	s25 =	simm.s32 $0x0;
	[bflag:$0x0] =	sbarrier.arrive $0xFFFF  }
0x33: {  	[tilespmem:s14], [sflag:$0x1] =	stream.indirect.gather [hbm4b:s4+s13], $0x80, s25, s13, $0xb8;
	[tilespmem:$0x1FD40] =	vst v63  }
0x34: {  	_ = 	snop  }
0x35: {  	[tilespmem:s16], [sflag:$0x2] =	stream.indirect.gather [hbm4b:s4+s13], $0x80, s15, s13, $0xb8;
	[tilespmem:$0x1FD40] =	vst v63  }
0x36: {  	_ =	swait.ge [sflag:s17], $0x3200  }
0x37: {  	[sflag:s17] =	ssyncset.done $0x0  }
0x38: {  	s29 =	simm.s32 $0x28A0;
	[sflag:s17] =	ssyncadd.s32 $0xFFFFCE00  }
0x39: {  	[spmem:s2] =	stream.indirect.scatter.add.f32 [tilespmem:s14], [sflag:$0x3], $0x80, s29, s13, $0xb8;
	[tilespmem:$0x1FD40] =	vst v63  }
0x3a: {  	_ =	swait.ge [sflag:s10], $0x3200  }
0x3b: {  	[sflag:s10] =	ssyncset.done $0x0  }
0x3c: {  	s30 =	simm.s32 $0xD0;
	[sflag:s10] =	ssyncadd.s32 $0xFFFFCE00  }
0x3d: {  	[tilespmem:s14], [sflag:$0x1] =	stream.indirect.gather [hbm4b:s4+s13], $0x80, s30, s13, $0xb8;
	[tilespmem:$0x1FD40] =	vst v63  }
0x3e: {  	_ =	swait.ge [sflag:s18], $0x3200  }
0x3f: {  	[sflag:s18] =	ssyncset.done $0x0  }
0x40: {  	s31 =	simm.s32 $0x2908;
	[sflag:s18] =	ssyncadd.s32 $0xFFFFCE00  }
0x41: {  	[spmem:s2] =	stream.indirect.scatter.add.f32 [tilespmem:s16], [sflag:$0x3], $0x80, s31, s13, $0xb8;
	[tilespmem:$0x1FD40] =	vst v63  }
0x42: {  	_ =	swait.ge [sflag:s10], $0x3200  }
0x43: {  	[sflag:s10] =	ssyncset.done $0x0  }
0x44: {  	s26 =	simm.s32 $0x138;
	s25 =	simm.s32 $0x340;
	[sflag:s10] =	ssyncadd.s32 $0xFFFFCE00  }
.LBB2_6:
0x45: {  	[tilespmem:s16], [sflag:$0x2] =	stream.indirect.gather [hbm4b:s4+s13], $0x80, s26, s13, $0xb8;
	[tilespmem:$0x1FD40] =	vst v63  }
0x46: {  	s26 =	smov.u32 s25;
	s25 =	sadd.s32 $0x340, s25;
	_ =	swait.ge [sflag:s17], $0x3200  }
0x47: {  	s26 =	sshra.s32 s26, $0x2;
	p0 =	sne.s32 s25, $0x9C00;
	[sflag:s17] =	ssyncset.done $0x0  }
0x48: {  	s28 =	sadd.s32 $0x28A0, s26;
	[sflag:s17] =	ssyncadd.s32 $0xFFFFCE00  }
0x49: {  	[spmem:s2] =	stream.indirect.scatter.add.f32 [tilespmem:s14], [sflag:$0x3], $0x80, s28, s13, $0xb8;
	[tilespmem:$0x1FD40] =	vst v63  }
0x4a: {  	_ =	swait.ge [sflag:s10], $0x3200  }
0x4b: {  	[sflag:s10] =	ssyncset.done $0x0  }
0x4c: {  	s28 =	sadd.s32 $0xD0, s26;
	[sflag:s10] =	ssyncadd.s32 $0xFFFFCE00  }
0x4d: {  	[tilespmem:s14], [sflag:$0x1] =	stream.indirect.gather [hbm4b:s4+s13], $0x80, s28, s13, $0xb8;
	[tilespmem:$0x1FD40] =	vst v63  }
0x4e: {  	_ =	swait.ge [sflag:s18], $0x3200  }
0x4f: {  	[sflag:s18] =	ssyncset.done $0x0  }
.Ltmp2:
0x50: {  	s28 =	sadd.s32 $0x2908, s26;
	[sflag:s18] =	ssyncadd.s32 $0xFFFFCE00;
	(pc) =	sbr.rel @p0 .LBB2_6-.Ltmp2, $4  }
0x51: {  	[spmem:s2] =	stream.indirect.scatter.add.f32 [tilespmem:s16], [sflag:$0x3], $0x80, s28, s13, $0xb8;
	[tilespmem:$0x1FD40] =	vst v63  }
0x52: {  	_ =	swait.ge [sflag:s10], $0x3200  }
0x53: {  	[sflag:s10] =	ssyncset.done $0x0  }
0x54: {  	s26 =	sadd.s32 $0x138, s26;
	[sflag:s10] =	ssyncadd.s32 $0xFFFFCE00  }
0x55: {  	[tilespmem:s16], [sflag:$0x2] =	stream.indirect.gather [hbm4b:s4+s13], $0x80, s26, s13, $0xb8;
	[tilespmem:$0x1FD40] =	vst v63  }
0x56: {  	_ =	swait.ge [sflag:s17], $0x3200  }
0x57: {  	s25 =	sshra.s32 s25, $0x2;
	[sflag:s17] =	ssyncset.done $0x0  }
0x58: {  	s30 =	sadd.s32 $0x28A0, s25;
	[sflag:s17] =	ssyncadd.s32 $0xFFFFCE00  }
0x59: {  	[spmem:s2] =	stream.indirect.scatter.add.f32 [tilespmem:s14], [sflag:$0x3], $0x80, s30, s13, $0xb8;
	[tilespmem:$0x1FD40] =	vst v63  }
0x5a: {  	_ =	swait.ge [sflag:s10], $0x3200  }
0x5b: {  	[sflag:s10] =	ssyncset.done $0x0  }
0x5c: {  	[sflag:s10] =	ssyncadd.s32 $0xFFFFCE00  }
0x5d: {  	[tilespmem:s14], [sflag:$0x1] =	stream.indirect.gather [hbm4b:s4+s13], $0x80, s19, s13, $0xb8;
	[tilespmem:$0x1FD40] =	vst v63  }
0x5e: {  	_ =	swait.ge [sflag:s18], $0x3200  }
0x5f: {  	[sflag:s18] =	ssyncset.done $0x0  }
0x60: {  	s25 =	sadd.s32 $0x2908, s25;
	[sflag:s18] =	ssyncadd.s32 $0xFFFFCE00  }
0x61: {  	[spmem:s2] =	stream.indirect.scatter.add.f32 [tilespmem:s16], [sflag:$0x3], $0x80, s25, s13, $0xb8;
	[tilespmem:$0x1FD40] =	vst v63  }
0x62: {  	_ =	swait.ge [sflag:s10], $0x3200  }
0x63: {  	[sflag:s10] =	ssyncset.done $0x0  }
0x64: {  	[sflag:s10] =	ssyncadd.s32 $0xFFFFCE00  }
0x65: {  	[tilespmem:s16], [sflag:$0x2] =	stream.indirect.gather [hbm4b:s4+s13], $0x80, s20, s13, $0xb8;
	[tilespmem:$0x1FD40] =	vst v63  }
0x66: {  	_ =	swait.ge [sflag:s17], $0x3200  }
0x67: {  	[sflag:s17] =	ssyncset.done $0x0  }
0x68: {  	[sflag:s17] =	ssyncadd.s32 $0xFFFFCE00  }
0x69: {  	[spmem:s2] =	stream.indirect.scatter.add.f32 [tilespmem:s14], [sflag:$0x3], $0x80, s21, s13, $0xb8;
	[tilespmem:$0x1FD40] =	vst v63  }
0x6a: {  	_ =	swait.ge [sflag:s10], $0x3200  }
0x6b: {  	[sflag:s10] =	ssyncset.done $0x0  }
0x6c: {  	[sflag:s10] =	ssyncadd.s32 $0xFFFFCE00  }
0x6d: {  	[tilespmem:s14], [sflag:$0x1] =	stream.indirect.gather [hbm4b:s4+s13], $0x80, s20, s13, $0xb8;
	[tilespmem:$0x1FD40] =	vst v63  }
0x6e: {  	_ =	swait.ge [sflag:s18], $0x3200  }
0x6f: {  	[sflag:s18] =	ssyncset.done $0x0  }
0x70: {  	[sflag:s18] =	ssyncadd.s32 $0xFFFFCE00  }
0x71: {  	[spmem:s2] =	stream.indirect.scatter.add.f32 [tilespmem:s16], [sflag:$0x3], $0x80, s22, s13, $0xb8;
	[tilespmem:$0x1FD40] =	vst v63  }
0x72: {  	_ =	swait.ge [sflag:s10], $0x3200  }
0x73: {  	[sflag:s10] =	ssyncset.done $0x0  }
0x74: {  	[sflag:s10] =	ssyncadd.s32 $0xFFFFCE00  }
0x75: {  	[tilespmem:s16], [sflag:$0x2] =	stream.indirect.gather [hbm4b:s4+s13], $0x80, s20, s13, $0xb8;
	[tilespmem:$0x1FD40] =	vst v63  }
0x76: {  	_ =	swait.ge [sflag:s17], $0x3200  }
0x77: {  	[sflag:s17] =	ssyncset.done $0x0  }
0x78: {  	[sflag:s17] =	ssyncadd.s32 $0xFFFFCE00  }
0x79: {  	_ =	swait.ge [sflag:s18], $0x3200  }
0x7a: {  	s24 =	sadd.s32 $0x1, s24;
	[sflag:s18] =	ssyncset.done $0x0  }
0x7b: {  	s31 =	sshll.u32 s0, $0x6;
	p0 =	sne.s32 s24, s9;
	[sflag:s18] =	ssyncadd.s32 $0xFFFFCE00  }
.Ltmp3:
0x7c: {  	s25 =	sor.u32 $0x1C03, s31;
	[bflag:$0x0] =	sbarrier.arrive $0xFFFF;
	(pc) =	sbr.rel @p0 .LBB2_1-.Ltmp3, $4  }
0x7d: {  	[hbm:s8], [sflag:s25] =	dma.local [spmem:s23], $0x2800  }
0x7e: {  	_ =	swait.ge [sflag:s10], $0x2800  }
0x7f: {  	[sflag:s10] =	ssyncset.done $0x0  }
0x80: {  	[sflag:s10] =	ssyncadd.s32 $0xFFFFD800  }
0x81: {  	_ =	sfence.sel $0x180000  }
0x82: {  	[bflag:$0x0] =	sbarrier.arrive $0xFFFF  }
0x83: {  	p0 =	sne.s32 s0, $0x0;
	_ =	strace $0x9000004A  }
0x84: {  	s0 =	sadd.s32 @!p0 $0x100000, s1;
	[bflag:$0x2] =	sbarrier.arrive $0xFFFF  }
0x85: {  	[sflag:s0] =	ssyncadd.tile.s32 @!p0 $0x1;
	_ =	shalt  }
.Lfunc_end2:
_tile_overlayer_lowered:
.L_overlay_start_2:
0x86: {  	(tag) =	ssettag $0x2  }
0x87: {  	s0 =	rddreg [dreg:$0x0];
	s2 =	stileid.u32  }
0x88: {  	s1 =	rddreg [dreg:$0x1];
	p0 =	sne.s32 s2, $0x0  }
0x89: {  	s3 =	rddreg [dreg:$0x2];
	[bflag:$0x3] =	sbarrier.arrive $0xFFFF;
	s2 =	simm.s32 @!p0 $0x1C03  }
0x8a: {  	[timem:s3], [sflag:s2] =	dma.local @!p0 [hbm:s0], s1  }
0x8b: {  	s0 =	simm.s32 @!p0 $0x3  }
0x8c: {  	_ =	swait.ge @!p0 [sflag:s0], s1  }
0x8d: {  	s1 =	ssub.s32 @!p0 $0x0, s1;
	[sflag:s0] =	ssyncset.done @!p0 $0x0  }
0x8e: {  	[sflag:s0] =	ssyncadd.s32 @!p0 s1  }
0x8f: {  	[bflag:$0x3] =	sbarrier.arrive $0xFFFF  }
0x90: {  	_ =	shalt  }

// kernel: kernel.17.cloned.1.call-start
scs
__scs_entry_jumppad:
0x0: {  	(pc) =	sbr.rel $0x88, $3  }
0x1: {  	(tag) =	ssettag $0x0;
	lr =	simm.s32 $0x1  }
0x2: {  	[smem:$0x3F99] =	sst lr;
	_ =	strace $0xD0000000  }
0x3: {  	_ = 	snop  }
0x4: {  	_ = 	snop  }
0x5: {  	_ = 	snop  }
0x6: {  	_ = 	snop  }
0x7: {  	_ = 	snop  }
__scs_overlays_trampoline_lowered:
0x8: {  	[smem:$0x3FA8] =	sst s0  }
0x9: {  	[smem:$0x3FA9] =	sst s1  }
0xa: {  	[smem:$0x3FAA] =	sst s2  }
0xb: {  	[smem:$0x3FAB] =	sst s3  }
0xc: {  	[smem:$0x3FAC] =	sst s4  }
0xd: {  	[smem:$0x3FAD] =	sst s5  }
0xe: {  	[smem:$0x3FAE] =	sst s6  }
0xf: {  	[smem:$0x3FAF] =	sst s7  }
0x10: {  	[smem:$0x3FB0] =	sst s8  }
0x11: {  	[smem:$0x3FB1] =	sst s9;
	s0 =	simm.s32 @!p0 $0x0  }
0x12: {  	s1 =	sld [smem:$0x3F97];
	s0 =	simm.s32 @p0 $0x1  }
0x13: {  	[smem:$0x3FB2] =	sst s0;
	s0 =	simm.s32 @!p1 $0x0  }
0x14: {  	s2 =	sld [smem:$0x3F96];
	s0 =	simm.s32 @p1 $0x1  }
0x15: {  	[smem:$0x3FB3] =	sst s0;
	s0 =	simm.s32 @!p2 $0x0  }
0x16: {  	s3 =	sld [smem:$0x3FDB];
	s0 =	simm.s32 @p2 $0x1  }
0x17: {  	s4 =	simm.s32 $0x1BF5;
	[smem:$0x3FB5] =	sst s0  }
0x18: {  	s0 =	sld [smem:$0x3F98];
	_ =	swait.ge [sflag:s4], $0x0  }
0x19: {  	s7 =	sld [smem:$0x3F99]  }
0x1a: {  	s8 =	sadd.s32 $0xFFFFE003, lr  }
0x1b: {  	s9 =	sadd.s32 $0xFFFFFEF7, lr;
	s5 =	simm.s32 $0xFFFFFFFF;
	p2 =	slt.u32 s8, $0xFFFFF086  }
0x1c: {  	p1 =	slt.u32 s9, $0xF7A;
	s5 =	simm.s32 @!p2 $0x0  }
0x1d: {  	s5 =	simm.s32 @p1 $0x1;
	p0 =	seq.s32 s7, s2  }
0x1e: {  	s7 =	smul.u32 @!p0 $0xF7A, s2;
	p2 =	seq.s32 @!p0 s5, $0x0  }
0x1f: {  	s9 =	smul.u32 $0xF7A, s1;
	s8 =	simm.s32 @!p0 $0x1BF5;
	p2 =	por !p2, p0  }
0x20: {  	[sflag:s8] =	ssyncset.s32 @!p0 $0xFFFFF086;
	s6 =	sadd.s32 @!p0 s3, s7;
	s7 =	simm.s32 @!p0 $0x108  }
0x21: {  	s3 =	sadd.s32 s3, s9;
	s6 =	sadd.s32 @!p0 $0x88, s6;
	s7 =	simm.s32 @p2 $0x1082  }
0x22: {  	[simem:s7], [sflag:s8] =	dma.local @!p0 [hbm:s6], $0xF7A  }
0x23: {  	s9 =	sor.u32 $0xD0000000, s2;
	s6 =	simm.s32 $0x108;
	_ =	swait.ge @!p0 [sflag:s8], $0x0  }
0x24: {  	s3 =	sadd.s32 $0x88, s3;
	s6 =	simm.s32 @!p1 $0x1082;
	[sflag:s4] =	ssyncset.s32 $0xFFFFF086  }
0x25: {  	[simem:s6], [sflag:s4] =	dma.local [hbm:s3], $0xF7A  }
0x26: {  	[smem:$0x3F99] =	sst s1;
	(tag) =	ssettag s2;
	_ =	strace s9  }
0x27: {  	s1 =	sld [smem:$0x3FA9]  }
0x28: {  	s2 =	sld [smem:$0x3FAA]  }
0x29: {  	s4 =	sld [smem:$0x3FAC]  }
0x2a: {  	p0 =	seq.s32 s5, $0x0;
	s5 =	sld [smem:$0x3FAD]  }
0x2b: {  	s6 =	sld [smem:$0x3FAE]  }
0x2c: {  	s7 =	sld [smem:$0x3FAF]  }
0x2d: {  	s3 =	simm.s32 $0x108;
	s8 =	sld [smem:$0x3FB0]  }
0x2e: {  	s3 =	simm.s32 @!p0 $0x1082;
	s9 =	sld [smem:$0x3FB1]  }
0x2f: {  	lr =	sadd.s32 s0, s3;
	s0 =	sld [smem:$0x3FA8]  }
0x30: {  	s3 =	sld [smem:$0x3FAB]  }
0x31: {  	[smem:$0x3FB4] =	sst s10  }
0x32: {  	s10 =	sld [smem:$0x3FB2];
	_ =	sdelay $0x3  }
0x33: {  	p0 =	seq.s32 s10, $0x1;
	s10 =	sld [smem:$0x3FB4];
	_ =	sdelay $0x3  }
0x34: {  	[smem:$0x3FB4] =	sst s10  }
0x35: {  	s10 =	sld [smem:$0x3FB3];
	_ =	sdelay $0x3  }
0x36: {  	p1 =	seq.s32 s10, $0x1;
	s10 =	sld [smem:$0x3FB4];
	_ =	sdelay $0x3  }
0x37: {  	[smem:$0x3FB4] =	sst s10  }
0x38: {  	s10 =	sld [smem:$0x3FB5]  }
0x39: {  	_ = 	snop;
	(pc) =	sbr.ind lr, $3  }
0x3a: {  	_ = 	snop  }
0x3b: {  	_ = 	snop  }
0x3c: {  	p2 =	seq.s32 s10, $0x1;
	s10 =	sld [smem:$0x3FB4]  }
0x3d: {  	_ =	shalt  }
0x3e: {  	_ =	shalt  }
0x3f: {  	_ =	shalt  }
0x40: {  	_ =	shalt  }
0x41: {  	_ =	shalt  }
0x42: {  	_ =	shalt  }
0x43: {  	_ =	shalt  }
0x44: {  	_ =	shalt  }
0x45: {  	_ =	shalt  }
0x46: {  	_ =	shalt  }
0x47: {  	_ =	shalt  }
0x48: {  	_ =	shalt  }
0x49: {  	_ =	shalt  }
0x4a: {  	_ =	shalt  }
0x4b: {  	_ =	shalt  }
0x4c: {  	_ =	shalt  }
0x4d: {  	_ =	shalt  }
0x4e: {  	_ =	shalt  }
0x4f: {  	_ =	shalt  }
0x50: {  	_ =	shalt  }
0x51: {  	_ =	shalt  }
0x52: {  	_ =	shalt  }
0x53: {  	_ =	shalt  }
0x54: {  	_ =	shalt  }
0x55: {  	_ =	shalt  }
0x56: {  	_ =	shalt  }
0x57: {  	_ =	shalt  }
0x58: {  	_ =	shalt  }
0x59: {  	_ =	shalt  }
0x5a: {  	_ =	shalt  }
0x5b: {  	_ =	shalt  }
0x5c: {  	_ =	shalt  }
0x5d: {  	_ =	shalt  }
0x5e: {  	_ =	shalt  }
0x5f: {  	_ =	shalt  }
0x60: {  	_ =	shalt  }
0x61: {  	_ =	shalt  }
0x62: {  	_ =	shalt  }
0x63: {  	_ =	shalt  }
0x64: {  	_ =	shalt  }
0x65: {  	_ =	shalt  }
0x66: {  	_ =	shalt  }
0x67: {  	_ =	shalt  }
0x68: {  	_ =	shalt  }
0x69: {  	_ =	shalt  }
0x6a: {  	_ =	shalt  }
0x6b: {  	_ =	shalt  }
0x6c: {  	_ =	shalt  }
0x6d: {  	_ =	shalt  }
0x6e: {  	_ =	shalt  }
0x6f: {  	_ =	shalt  }
0x70: {  	_ =	shalt  }
0x71: {  	_ =	shalt  }
0x72: {  	_ =	shalt  }
0x73: {  	_ =	shalt  }
0x74: {  	_ =	shalt  }
0x75: {  	_ =	shalt  }
0x76: {  	_ =	shalt  }
0x77: {  	_ =	shalt  }
0x78: {  	_ =	shalt  }
0x79: {  	_ =	shalt  }
0x7a: {  	_ =	shalt  }
0x7b: {  	_ =	shalt  }
0x7c: {  	_ =	shalt  }
0x7d: {  	_ =	shalt  }
0x7e: {  	_ =	shalt  }
0x7f: {  	_ =	shalt  }
0x80: {  	_ =	shalt  }
0x81: {  	_ =	shalt  }
0x82: {  	_ =	shalt  }
0x83: {  	_ =	shalt  }
0x84: {  	_ =	shalt  }
0x85: {  	_ =	shalt  }
0x86: {  	_ =	shalt  }
0x87: {  	_ =	shalt  }
.Lfunc_end0:
.L_simem_size_0:
called_computation.2_lowered:
.L_overlay_start_0:
0x88: {  	s2 =	sld [smem:$0x3FD9]  }
0x89: {  	s3 =	sld [smem:$0x3FFE];
	_ =	sdelay $0x1  }
0x8a: {  	s1 =	srdreg.scid  }
0x8b: {  	s0 =	sand.u32 $0x1, s1  }
0x8c: {  	s16 =	sshll.u32 s0, $0xA;
	s2 =	sadd.s32 s3, s2  }
0x8d: {  	s2 =	sadd.s32 s2, s16  }
0x8e: {  	[smem:$0x3FC0] =	sst s2  }
0x8f: {  	_ = 	snop  }
0x90: {  	(tm) =	ssettm $0x1  }
0x91: {  	s17 =	sld [smem:$0x3FFB];
	_ =	sdelay $0x3  }
0x92: {  	_ =	strace s17  }
0x93: {  	s2 =	sld [smem:$0x3FFC];
	_ =	sdelay $0x3  }
0x94: {  	_ =	strace s2  }
0x95: {  	s2 =	sld [smem:$0x3FFD];
	_ =	sdelay $0x3  }
0x96: {  	_ =	strace s2  }
0x97: {  	_ =	strace $0x8FFFFFFF  }
0x98: {  	s18 =	sld [smem:$0x3FDB];
	_ =	sdelay $0x1  }
0x99: {  	s19 =	simm.s32 $_scs_section_size  }
0x9a: {  	s4 =	simm.s32 $_size__tile_overlayer_lowered;
	s5 =	simm.s32 $_tile_overlayer_lowered  }
0x9b: {  	s22 =	simm.s32 $0x1BFF;
	s21 =	sshll.u32 s5, $0x1;
	s2 =	sadd.s32 s19, s18  }
0x9c: {  	s6 =	simm.s32 $0x0;
	s20 =	sshll.u32 s4, $0x1;
	s4 =	sadd.s32 s21, s2  }
0x9d: {  	[timem:s6], [sflag:s22] =	dma.local [hbm:s4], s20  }
0x9e: {  	_ =	swait.ge [sflag:s22], s20  }
0x9f: {  	s3 =	ssub.s32 $0x0, s20;
	[sflag:s22] =	ssyncset.done $0x0  }
0xa0: {  	[sflag:s22] =	ssyncadd.s32 s3;
	_ =	sdelay $0x1  }
0xa1: {  	s23 =	simm.s32 $0x1B8B  }
0xa2: {  	_ =	swait.ge [sflag:s23], $0x1  }
0xa3: {  	[sflag:s23] =	ssyncset.done $0x0  }
0xa4: {  	s25 =	simm.s32 $0x1B8E;
	s24 =	sld [smem:$0x3FFE];
	[sflag:s23] =	ssyncadd.s32 $0xFFFFFFFF  }
0xa5: {  	s26 =	simm.s32 $execute0_lowered;
	[smem:$0x3FD2] =	sst s25  }
0xa6: {  	s4 =	sshll.u32 s26, $0x1;
	_ =	strace $0x8000004C;
	[dreg:$0x1] =	wrdreg $0xFFFFFFFF  }
0xa7: {  	s28 =	simm.s32 $_size_execute0_lowered;
	s2 =	sadd.s32 s2, s4;
	[dreg:$0x0] =	wrdreg $0x0  }
0xa8: {  	s4 =	sshll.u32 s28, $0x1;
	[dreg:$0x2] =	wrdreg s2  }
0xa9: {  	[dreg:$0x3] =	wrdreg s4  }
0xaa: {  	[dreg:$0x4] =	wrdreg $0xC0  }
0xab: {  	_ =	task [dreg:s6], $0x5FFFF  }
0xac: {  	[dreg:$0x1] =	wrdreg $0xFFFFFFFF  }
0xad: {  	[dreg:$0x0] =	wrdreg $0x60  }
0xae: {  	[dreg:$0x2] =	wrdreg s24  }
0xaf: {  	[dreg:$0x3] =	wrdreg $0xBD400  }
0xb0: {  	[dreg:$0x4] =	wrdreg $0x9  }
0xb1: {  	_ =	task.clear_ibuf [dreg:s6], $0x5FFFF;
	_ =	strace $0x9000004C  }
0xb2: {  	s29 =	simm.s32 $0x9;
	_ =	strace $0x8000004E  }
0xb3: {  	_ =	swait.ge [sflag:s29], $0x1  }
0xb4: {  	[sflag:s29] =	ssyncadd.s32 $0xFFFFFFFF  }
0xb5: {  	_ =	strace $0x9000004E  }
0xb6: {  	_ =	sfence  }
0xb7: {  	s30 =	sld [smem:$0x0];
	_ =	sdelay $0x2  }
0xb8: {  	s31 =	sshll.u32 s1, $0xD;
	s1 =	sshrl.u32 s1, $0x2  }
0xb9: {  	s3 =	sand.u32 $0x4000, s31;
	s1 =	sadd.s32 s1, s30  }
0xba: {  	s0 =	sor.u32 s3, s0;
	s1 =	sshll.u32 s1, $0x11  }
0xbb: {  	s0 =	sor.u32 s1, s0  }
0xbc: {  	s0 =	sadd.s32 $0x8F2B, s0  }
0xbd: {  	[sflag:s0] =	ssyncadd.remote.s32 $0x1  }
0xbe: {  	_ =	sfence.sel $0xFFFF  }
0xbf: {  	[dreg:$0x0] =	wrdreg $0xFFFFFFFF;
	(pc) =	sbr.abs _section_cstart, $3  }
0xc0: {  	[dreg:$0x1] =	wrdreg $0xFFFFFFFF  }
0xc1: {  	_ =	task.clear_ibuf [dreg:s6], $0x2FFFF;
	_ =	strace $0x9FFFFFFF  }
0xc2: {  	(tm) =	ssettm $0x7FFFFFFF  }
0xc3: {  	_ =	shalt  }
tec
execute0_lowered:
.L_overlay_start_1:
0x0: {  	(tag) =	ssettag $0x1  }
0x1: {  	s1 =	srdreg.scid;
	s6 =	rddreg [dreg:$0x0]  }
0x2: {  	s0 =	stileid.u32;
	s2 =	rddreg [dreg:$0x1]  }
0x3: {  	s3 =	simm.s32 $0x0;
	s12 =	simm.s32 $0xB540;
	s13 =	simm.s32 $0x64  }
0x4: {  	s14 =	simm.s32 $0x5140;
	s15 =	simm.s32 $0x68;
	s16 =	simm.s32 $0x8340  }
0x5: {  	s17 =	simm.s32 $0x1;
	s18 =	simm.s32 $0x2;
	s19 =	simm.s32 $0x27D0  }
0x6: {  	s20 =	simm.s32 $0x2838;
	s21 =	simm.s32 $0x5070;
	s22 =	simm.s32 $0x50D8  }
0x7: {  	s24 =	simm.s32 $0x0;
	s5 =	sand.u32 $0x1, s1;
	s9 =	smul.u32 $0x14000, s0  }
0x8: {  	s31 =	sshll.u32 s0, $0x1;
	[smem:$0x7FF] =	sst s3;
	s10 =	smul.u32 $0x50000, s0  }
0x9: {  	s4 =	sadd.s32 $0x18000, s6;
	s1 =	sor.u32 s5, s31;
	s8 =	smul.u32 $0x140000, s5  }
0xa: {  	s5 =	ssub.s32 $0x2, s5;
	s7 =	smul.u32 $0x28A0, s1;
	s1 =	rddreg [dreg:$0x2]  }
0xb: {  	_ =	strace $0x8000004D;
	s11 =	sshrl.u32 s5, $0x1;
	s10 =	sshrl.u32 s10, $0x2  }
0xc: {  	s23 =	sadd.s32 s9, s2;
	s8 =	sadd.s32 s9, s8;
	s11 =	ssub.s32 s5, s11  }
0xd: {  	s23 =	sshrl.u32 s23, $0x3;
	s7 =	sshrl.u32 s7, $0x3;
	s8 =	sshrl.u32 s8, $0x3  }
0xe: {  	s9 =	smax.u32 s11, $0x1;
	s11 =	simm.s32 $0x28A0;
	s7 =	sadd.s32 s7, s6  }
0xf: {  	s8 =	sadd.s32 s8, s6;
	s5 =	sadd.s32 $0x3A00, s7;
	s6 =	sadd.s32 $0xDC80, s7  }
0x10: {  	v0 =	vimm.f32 $0.0e+00;
	s7 =	sadd.s32 s10, s2;
	s8 =	sadd.s32 $0x40000, s8;
	s10 =	simm.s32 $0x3  }
.LBB2_1:
0x11: {  	[tilespmem:s3], [sflag:$0x3] =	stream.linear.gather [hbm4b:s5+s3], $0x28A0, $0x38;
	[tilespmem:$0x1FD40] =	vst v63  }
0x12: {  	_ =	swait.ge [sflag:s10], $0x28A0  }
0x13: {  	[sflag:s10] =	ssyncset.done $0x0  }
0x14: {  	[sflag:s10] =	ssyncadd.s32 $0xFFFFD760  }
0x15: {  	[tilespmem:s11], [sflag:$0x3] =	stream.linear.gather [hbm4b:s6+s3], $0x28A0, $0x38;
	[tilespmem:$0x1FD40] =	vst v63  }
0x16: {  	_ =	swait.ge [sflag:s10], $0x28A0  }
0x17: {  	[sflag:s10] =	ssyncset.done $0x0  }
0x18: {  	s25 =	simm.s32 $0x0;
	s26 =	simm.s32 $0x200;
	[sflag:s10] =	ssyncadd.s32 $0xFFFFD760  }
.LBB2_2:
0x19: {  	p0 =	sne.s32 s26, $0x1E00;
	[tilespmem:s25+$0xB5B0] =	vst v0  }
0x1a: {  	[tilespmem:s25+$0xB540] =	vst v0  }
0x1b: {  	[tilespmem:s25+$0xB550] =	vst v0  }
.Ltmp0:
0x1c: {  	[tilespmem:s25+$0xB560] =	vst v0;
	(pc) =	sbr.rel @p0 .LBB2_2-.Ltmp0, $4  }
0x1d: {  	[tilespmem:s25+$0xB570] =	vst v0  }
0x1e: {  	[tilespmem:s25+$0xB580] =	vst v0  }
0x1f: {  	[tilespmem:s25+$0xB590] =	vst v0  }
0x20: {  	[tilespmem:s25+$0xB5A0] =	vst v0;
	s25 =	sshra.s32 s26, $0x2;
	s26 =	sadd.s32 $0x200, s26  }
0x21: {  	[tilespmem:s25+$0xB5B0] =	vst v0  }
0x22: {  	[tilespmem:s25+$0xB540] =	vst v0  }
0x23: {  	[tilespmem:s25+$0xB550] =	vst v0  }
0x24: {  	[tilespmem:s25+$0xB560] =	vst v0  }
0x25: {  	[tilespmem:s25+$0xB570] =	vst v0  }
0x26: {  	[tilespmem:s25+$0xB580] =	vst v0  }
0x27: {  	[tilespmem:s25+$0xB590] =	vst v0  }
0x28: {  	[tilespmem:s25+$0xB5A0] =	vst v0;
	s31 =	sadd.s32 $0x0, s7  }
0x29: {  	[spmem:s31] =	stream.linear.scatter [tilespmem:s12], [sflag:$0x3], $0x800, $0x38;
	[tilespmem:$0x1FD40] =	vst v63  }
0x2a: {  	s25 =	simm.s32 $0x2000;
	_ =	swait.ge [sflag:s10], $0x800  }
.LBB2_4:
0x2b: {  	s26 =	sshra.s32 s25, $0x2;
	[sflag:s10] =	ssyncset.done $0x0;
	p0 =	sne.s32 s25, $0x4E000  }
.Ltmp1:
0x2c: {  	s26 =	sadd.s32 s26, s7;
	[sflag:s10] =	ssyncadd.s32 $0xFFFFF800;
	(pc) =	sbr.rel @p0 .LBB2_4-.Ltmp1, $3  }
0x2d: {  	[spmem:s26] =	stream.linear.scatter [tilespmem:s12], [sflag:$0x3], $0x800, $0x38;
	[tilespmem:$0x1FD40] =	vst v63  }
0x2e: {  	s25 =	sadd.s32 $0x2000, s25;
	_ =	sdelay $0x1  }
0x2f: {  	_ =	swait.ge [sflag:s10], $0x800  }
0x30: {  	[sflag:s10] =	ssyncset.done $0x0  }
0x31: {  	[sflag:s10] =	ssyncadd.s32 $0xFFFFF800  }
0x32: {  	s25 =	simm.s32 $0x0;
	[bflag:$0x0] =	sbarrier.arrive $0xFFFF  }
0x33: {  	[tilespmem:s14], [sflag:$0x1] =	stream.indirect.gather [hbm4b:s4+s13], $0x80, s25, s13, $0xb8;
	[tilespmem:$0x1FD40] =	vst v63  }
0x34: {  	_ = 	snop  }
0x35: {  	[tilespmem:s16], [sflag:$0x2] =	stream.indirect.gather [hbm4b:s4+s13], $0x80, s15, s13, $0xb8;
	[tilespmem:$0x1FD40] =	vst v63  }
0x36: {  	_ =	swait.ge [sflag:s17], $0x3200  }
0x37: {  	[sflag:s17] =	ssyncset.done $0x0  }
0x38: {  	s29 =	simm.s32 $0x28A0;
	[sflag:s17] =	ssyncadd.s32 $0xFFFFCE00  }
0x39: {  	[spmem:s2] =	stream.indirect.scatter.add.f32 [tilespmem:s14], [sflag:$0x3], $0x80, s29, s13, $0xb8;
	[tilespmem:$0x1FD40] =	vst v63  }
0x3a: {  	_ =	swait.ge [sflag:s10], $0x3200  }
0x3b: {  	[sflag:s10] =	ssyncset.done $0x0  }
0x3c: {  	s30 =	simm.s32 $0xD0;
	[sflag:s10] =	ssyncadd.s32 $0xFFFFCE00  }
0x3d: {  	[tilespmem:s14], [sflag:$0x1] =	stream.indirect.gather [hbm4b:s4+s13], $0x80, s30, s13, $0xb8;
	[tilespmem:$0x1FD40] =	vst v63  }
0x3e: {  	_ =	swait.ge [sflag:s18], $0x3200  }
0x3f: {  	[sflag:s18] =	ssyncset.done $0x0  }
0x40: {  	s31 =	simm.s32 $0x2908;
	[sflag:s18] =	ssyncadd.s32 $0xFFFFCE00  }
0x41: {  	[spmem:s2] =	stream.indirect.scatter.add.f32 [tilespmem:s16], [sflag:$0x3], $0x80, s31, s13, $0xb8;
	[tilespmem:$0x1FD40] =	vst v63  }
0x42: {  	_ =	swait.ge [sflag:s10], $0x3200  }
0x43: {  	[sflag:s10] =	ssyncset.done $0x0  }
0x44: {  	s26 =	simm.s32 $0x138;
	s25 =	simm.s32 $0x340;
	[sflag:s10] =	ssyncadd.s32 $0xFFFFCE00  }
.LBB2_6:
0x45: {  	[tilespmem:s16], [sflag:$0x2] =	stream.indirect.gather [hbm4b:s4+s13], $0x80, s26, s13, $0xb8;
	[tilespmem:$0x1FD40] =	vst v63  }
0x46: {  	s26 =	smov.u32 s25;
	s25 =	sadd.s32 $0x340, s25;
	_ =	swait.ge [sflag:s17], $0x3200  }
0x47: {  	s26 =	sshra.s32 s26, $0x2;
	p0 =	sne.s32 s25, $0x9C00;
	[sflag:s17] =	ssyncset.done $0x0  }
0x48: {  	s28 =	sadd.s32 $0x28A0, s26;
	[sflag:s17] =	ssyncadd.s32 $0xFFFFCE00  }
0x49: {  	[spmem:s2] =	stream.indirect.scatter.add.f32 [tilespmem:s14], [sflag:$0x3], $0x80, s28, s13, $0xb8;
	[tilespmem:$0x1FD40] =	vst v63  }
0x4a: {  	_ =	swait.ge [sflag:s10], $0x3200  }
0x4b: {  	[sflag:s10] =	ssyncset.done $0x0  }
0x4c: {  	s28 =	sadd.s32 $0xD0, s26;
	[sflag:s10] =	ssyncadd.s32 $0xFFFFCE00  }
0x4d: {  	[tilespmem:s14], [sflag:$0x1] =	stream.indirect.gather [hbm4b:s4+s13], $0x80, s28, s13, $0xb8;
	[tilespmem:$0x1FD40] =	vst v63  }
0x4e: {  	_ =	swait.ge [sflag:s18], $0x3200  }
0x4f: {  	[sflag:s18] =	ssyncset.done $0x0  }
.Ltmp2:
0x50: {  	s28 =	sadd.s32 $0x2908, s26;
	[sflag:s18] =	ssyncadd.s32 $0xFFFFCE00;
	(pc) =	sbr.rel @p0 .LBB2_6-.Ltmp2, $4  }
0x51: {  	[spmem:s2] =	stream.indirect.scatter.add.f32 [tilespmem:s16], [sflag:$0x3], $0x80, s28, s13, $0xb8;
	[tilespmem:$0x1FD40] =	vst v63  }
0x52: {  	_ =	swait.ge [sflag:s10], $0x3200  }
0x53: {  	[sflag:s10] =	ssyncset.done $0x0  }
0x54: {  	s26 =	sadd.s32 $0x138, s26;
	[sflag:s10] =	ssyncadd.s32 $0xFFFFCE00  }
0x55: {  	[tilespmem:s16], [sflag:$0x2] =	stream.indirect.gather [hbm4b:s4+s13], $0x80, s26, s13, $0xb8;
	[tilespmem:$0x1FD40] =	vst v63  }
0x56: {  	_ =	swait.ge [sflag:s17], $0x3200  }
0x57: {  	s25 =	sshra.s32 s25, $0x2;
	[sflag:s17] =	ssyncset.done $0x0  }
0x58: {  	s30 =	sadd.s32 $0x28A0, s25;
	[sflag:s17] =	ssyncadd.s32 $0xFFFFCE00  }
0x59: {  	[spmem:s2] =	stream.indirect.scatter.add.f32 [tilespmem:s14], [sflag:$0x3], $0x80, s30, s13, $0xb8;
	[tilespmem:$0x1FD40] =	vst v63  }
0x5a: {  	_ =	swait.ge [sflag:s10], $0x3200  }
0x5b: {  	[sflag:s10] =	ssyncset.done $0x0  }
0x5c: {  	[sflag:s10] =	ssyncadd.s32 $0xFFFFCE00  }
0x5d: {  	[tilespmem:s14], [sflag:$0x1] =	stream.indirect.gather [hbm4b:s4+s13], $0x80, s19, s13, $0xb8;
	[tilespmem:$0x1FD40] =	vst v63  }
0x5e: {  	_ =	swait.ge [sflag:s18], $0x3200  }
0x5f: {  	[sflag:s18] =	ssyncset.done $0x0  }
0x60: {  	s25 =	sadd.s32 $0x2908, s25;
	[sflag:s18] =	ssyncadd.s32 $0xFFFFCE00  }
0x61: {  	[spmem:s2] =	stream.indirect.scatter.add.f32 [tilespmem:s16], [sflag:$0x3], $0x80, s25, s13, $0xb8;
	[tilespmem:$0x1FD40] =	vst v63  }
0x62: {  	_ =	swait.ge [sflag:s10], $0x3200  }
0x63: {  	[sflag:s10] =	ssyncset.done $0x0  }
0x64: {  	[sflag:s10] =	ssyncadd.s32 $0xFFFFCE00  }
0x65: {  	[tilespmem:s16], [sflag:$0x2] =	stream.indirect.gather [hbm4b:s4+s13], $0x80, s20, s13, $0xb8;
	[tilespmem:$0x1FD40] =	vst v63  }
0x66: {  	_ =	swait.ge [sflag:s17], $0x3200  }
0x67: {  	[sflag:s17] =	ssyncset.done $0x0  }
0x68: {  	[sflag:s17] =	ssyncadd.s32 $0xFFFFCE00  }
0x69: {  	[spmem:s2] =	stream.indirect.scatter.add.f32 [tilespmem:s14], [sflag:$0x3], $0x80, s21, s13, $0xb8;
	[tilespmem:$0x1FD40] =	vst v63  }
0x6a: {  	_ =	swait.ge [sflag:s10], $0x3200  }
0x6b: {  	[sflag:s10] =	ssyncset.done $0x0  }
0x6c: {  	[sflag:s10] =	ssyncadd.s32 $0xFFFFCE00  }
0x6d: {  	[tilespmem:s14], [sflag:$0x1] =	stream.indirect.gather [hbm4b:s4+s13], $0x80, s20, s13, $0xb8;
	[tilespmem:$0x1FD40] =	vst v63  }
0x6e: {  	_ =	swait.ge [sflag:s18], $0x3200  }
0x6f: {  	[sflag:s18] =	ssyncset.done $0x0  }
0x70: {  	[sflag:s18] =	ssyncadd.s32 $0xFFFFCE00  }
0x71: {  	[spmem:s2] =	stream.indirect.scatter.add.f32 [tilespmem:s16], [sflag:$0x3], $0x80, s22, s13, $0xb8;
	[tilespmem:$0x1FD40] =	vst v63  }
0x72: {  	_ =	swait.ge [sflag:s10], $0x3200  }
0x73: {  	[sflag:s10] =	ssyncset.done $0x0  }
0x74: {  	[sflag:s10] =	ssyncadd.s32 $0xFFFFCE00  }
0x75: {  	[tilespmem:s16], [sflag:$0x2] =	stream.indirect.gather [hbm4b:s4+s13], $0x80, s20, s13, $0xb8;
	[tilespmem:$0x1FD40] =	vst v63  }
0x76: {  	_ =	swait.ge [sflag:s17], $0x3200  }
0x77: {  	[sflag:s17] =	ssyncset.done $0x0  }
0x78: {  	[sflag:s17] =	ssyncadd.s32 $0xFFFFCE00  }
0x79: {  	_ =	swait.ge [sflag:s18], $0x3200  }
0x7a: {  	s24 =	sadd.s32 $0x1, s24;
	[sflag:s18] =	ssyncset.done $0x0  }
0x7b: {  	s31 =	sshll.u32 s0, $0x6;
	p0 =	sne.s32 s24, s9;
	[sflag:s18] =	ssyncadd.s32 $0xFFFFCE00  }
.Ltmp3:
0x7c: {  	s25 =	sor.u32 $0x1C03, s31;
	[bflag:$0x0] =	sbarrier.arrive $0xFFFF;
	(pc) =	sbr.rel @p0 .LBB2_1-.Ltmp3, $4  }
0x7d: {  	[hbm:s8], [sflag:s25] =	dma.local [spmem:s23], $0x2800  }
0x7e: {  	_ =	swait.ge [sflag:s10], $0x2800  }
0x7f: {  	[sflag:s10] =	ssyncset.done $0x0  }
0x80: {  	[sflag:s10] =	ssyncadd.s32 $0xFFFFD800  }
0x81: {  	_ =	sfence.sel $0x180000  }
0x82: {  	[bflag:$0x0] =	sbarrier.arrive $0xFFFF  }
0x83: {  	p0 =	sne.s32 s0, $0x0;
	_ =	strace $0x9000004D  }
0x84: {  	s0 =	sadd.s32 @!p0 $0x100000, s1;
	[bflag:$0x2] =	sbarrier.arrive $0xFFFF  }
0x85: {  	[sflag:s0] =	ssyncadd.tile.s32 @!p0 $0x1;
	_ =	shalt  }
.Lfunc_end2:
_tile_overlayer_lowered:
.L_overlay_start_2:
0x86: {  	(tag) =	ssettag $0x2  }
0x87: {  	s0 =	rddreg [dreg:$0x0];
	s2 =	stileid.u32  }
0x88: {  	s1 =	rddreg [dreg:$0x1];
	p0 =	sne.s32 s2, $0x0  }
0x89: {  	s3 =	rddreg [dreg:$0x2];
	[bflag:$0x3] =	sbarrier.arrive $0xFFFF;
	s2 =	simm.s32 @!p0 $0x1C03  }
0x8a: {  	[timem:s3], [sflag:s2] =	dma.local @!p0 [hbm:s0], s1  }
0x8b: {  	s0 =	simm.s32 @!p0 $0x3  }
0x8c: {  	_ =	swait.ge @!p0 [sflag:s0], s1  }
0x8d: {  	s1 =	ssub.s32 @!p0 $0x0, s1;
	[sflag:s0] =	ssyncset.done @!p0 $0x0  }
0x8e: {  	[sflag:s0] =	ssyncadd.s32 @!p0 s1  }
0x8f: {  	[bflag:$0x3] =	sbarrier.arrive $0xFFFF  }
0x90: {  	_ =	shalt  }

// kernel: kernel.20.cloned.1.call-start
scs
__scs_entry_jumppad:
0x0: {  	(pc) =	sbr.rel $0x88, $3  }
0x1: {  	(tag) =	ssettag $0x0;
	lr =	simm.s32 $0x1  }
0x2: {  	[smem:$0x3F99] =	sst lr;
	_ =	strace $0xD0000000  }
0x3: {  	_ = 	snop  }
0x4: {  	_ = 	snop  }
0x5: {  	_ = 	snop  }
0x6: {  	_ = 	snop  }
0x7: {  	_ = 	snop  }
__scs_overlays_trampoline_lowered:
0x8: {  	[smem:$0x3FA8] =	sst s0  }
0x9: {  	[smem:$0x3FA9] =	sst s1  }
0xa: {  	[smem:$0x3FAA] =	sst s2  }
0xb: {  	[smem:$0x3FAB] =	sst s3  }
0xc: {  	[smem:$0x3FAC] =	sst s4  }
0xd: {  	[smem:$0x3FAD] =	sst s5  }
0xe: {  	[smem:$0x3FAE] =	sst s6  }
0xf: {  	[smem:$0x3FAF] =	sst s7  }
0x10: {  	[smem:$0x3FB0] =	sst s8  }
0x11: {  	[smem:$0x3FB1] =	sst s9;
	s0 =	simm.s32 @!p0 $0x0  }
0x12: {  	s1 =	sld [smem:$0x3F97];
	s0 =	simm.s32 @p0 $0x1  }
0x13: {  	[smem:$0x3FB2] =	sst s0;
	s0 =	simm.s32 @!p1 $0x0  }
0x14: {  	s2 =	sld [smem:$0x3F96];
	s0 =	simm.s32 @p1 $0x1  }
0x15: {  	[smem:$0x3FB3] =	sst s0;
	s0 =	simm.s32 @!p2 $0x0  }
0x16: {  	s3 =	sld [smem:$0x3FDB];
	s0 =	simm.s32 @p2 $0x1  }
0x17: {  	s4 =	simm.s32 $0x1BF5;
	[smem:$0x3FB5] =	sst s0  }
0x18: {  	s0 =	sld [smem:$0x3F98];
	_ =	swait.ge [sflag:s4], $0x0  }
0x19: {  	s7 =	sld [smem:$0x3F99]  }
0x1a: {  	s8 =	sadd.s32 $0xFFFFE003, lr  }
0x1b: {  	s9 =	sadd.s32 $0xFFFFFEF7, lr;
	s5 =	simm.s32 $0xFFFFFFFF;
	p2 =	slt.u32 s8, $0xFFFFF086  }
0x1c: {  	p1 =	slt.u32 s9, $0xF7A;
	s5 =	simm.s32 @!p2 $0x0  }
0x1d: {  	s5 =	simm.s32 @p1 $0x1;
	p0 =	seq.s32 s7, s2  }
0x1e: {  	s7 =	smul.u32 @!p0 $0xF7A, s2;
	p2 =	seq.s32 @!p0 s5, $0x0  }
0x1f: {  	s9 =	smul.u32 $0xF7A, s1;
	s8 =	simm.s32 @!p0 $0x1BF5;
	p2 =	por !p2, p0  }
0x20: {  	[sflag:s8] =	ssyncset.s32 @!p0 $0xFFFFF086;
	s6 =	sadd.s32 @!p0 s3, s7;
	s7 =	simm.s32 @!p0 $0x108  }
0x21: {  	s3 =	sadd.s32 s3, s9;
	s6 =	sadd.s32 @!p0 $0x88, s6;
	s7 =	simm.s32 @p2 $0x1082  }
0x22: {  	[simem:s7], [sflag:s8] =	dma.local @!p0 [hbm:s6], $0xF7A  }
0x23: {  	s9 =	sor.u32 $0xD0000000, s2;
	s6 =	simm.s32 $0x108;
	_ =	swait.ge @!p0 [sflag:s8], $0x0  }
0x24: {  	s3 =	sadd.s32 $0x88, s3;
	s6 =	simm.s32 @!p1 $0x1082;
	[sflag:s4] =	ssyncset.s32 $0xFFFFF086  }
0x25: {  	[simem:s6], [sflag:s4] =	dma.local [hbm:s3], $0xF7A  }
0x26: {  	[smem:$0x3F99] =	sst s1;
	(tag) =	ssettag s2;
	_ =	strace s9  }
0x27: {  	s1 =	sld [smem:$0x3FA9]  }
0x28: {  	s2 =	sld [smem:$0x3FAA]  }
0x29: {  	s4 =	sld [smem:$0x3FAC]  }
0x2a: {  	p0 =	seq.s32 s5, $0x0;
	s5 =	sld [smem:$0x3FAD]  }
0x2b: {  	s6 =	sld [smem:$0x3FAE]  }
0x2c: {  	s7 =	sld [smem:$0x3FAF]  }
0x2d: {  	s3 =	simm.s32 $0x108;
	s8 =	sld [smem:$0x3FB0]  }
0x2e: {  	s3 =	simm.s32 @!p0 $0x1082;
	s9 =	sld [smem:$0x3FB1]  }
0x2f: {  	lr =	sadd.s32 s0, s3;
	s0 =	sld [smem:$0x3FA8]  }
0x30: {  	s3 =	sld [smem:$0x3FAB]  }
0x31: {  	[smem:$0x3FB4] =	sst s10  }
0x32: {  	s10 =	sld [smem:$0x3FB2];
	_ =	sdelay $0x3  }
0x33: {  	p0 =	seq.s32 s10, $0x1;
	s10 =	sld [smem:$0x3FB4];
	_ =	sdelay $0x3  }
0x34: {  	[smem:$0x3FB4] =	sst s10  }
0x35: {  	s10 =	sld [smem:$0x3FB3];
	_ =	sdelay $0x3  }
0x36: {  	p1 =	seq.s32 s10, $0x1;
	s10 =	sld [smem:$0x3FB4];
	_ =	sdelay $0x3  }
0x37: {  	[smem:$0x3FB4] =	sst s10  }
0x38: {  	s10 =	sld [smem:$0x3FB5]  }
0x39: {  	_ = 	snop;
	(pc) =	sbr.ind lr, $3  }
0x3a: {  	_ = 	snop  }
0x3b: {  	_ = 	snop  }
0x3c: {  	p2 =	seq.s32 s10, $0x1;
	s10 =	sld [smem:$0x3FB4]  }
0x3d: {  	_ =	shalt  }
0x3e: {  	_ =	shalt  }
0x3f: {  	_ =	shalt  }
0x40: {  	_ =	shalt  }
0x41: {  	_ =	shalt  }
0x42: {  	_ =	shalt  }
0x43: {  	_ =	shalt  }
0x44: {  	_ =	shalt  }
0x45: {  	_ =	shalt  }
0x46: {  	_ =	shalt  }
0x47: {  	_ =	shalt  }
0x48: {  	_ =	shalt  }
0x49: {  	_ =	shalt  }
0x4a: {  	_ =	shalt  }
0x4b: {  	_ =	shalt  }
0x4c: {  	_ =	shalt  }
0x4d: {  	_ =	shalt  }
0x4e: {  	_ =	shalt  }
0x4f: {  	_ =	shalt  }
0x50: {  	_ =	shalt  }
0x51: {  	_ =	shalt  }
0x52: {  	_ =	shalt  }
0x53: {  	_ =	shalt  }
0x54: {  	_ =	shalt  }
0x55: {  	_ =	shalt  }
0x56: {  	_ =	shalt  }
0x57: {  	_ =	shalt  }
0x58: {  	_ =	shalt  }
0x59: {  	_ =	shalt  }
0x5a: {  	_ =	shalt  }
0x5b: {  	_ =	shalt  }
0x5c: {  	_ =	shalt  }
0x5d: {  	_ =	shalt  }
0x5e: {  	_ =	shalt  }
0x5f: {  	_ =	shalt  }
0x60: {  	_ =	shalt  }
0x61: {  	_ =	shalt  }
0x62: {  	_ =	shalt  }
0x63: {  	_ =	shalt  }
0x64: {  	_ =	shalt  }
0x65: {  	_ =	shalt  }
0x66: {  	_ =	shalt  }
0x67: {  	_ =	shalt  }
0x68: {  	_ =	shalt  }
0x69: {  	_ =	shalt  }
0x6a: {  	_ =	shalt  }
0x6b: {  	_ =	shalt  }
0x6c: {  	_ =	shalt  }
0x6d: {  	_ =	shalt  }
0x6e: {  	_ =	shalt  }
0x6f: {  	_ =	shalt  }
0x70: {  	_ =	shalt  }
0x71: {  	_ =	shalt  }
0x72: {  	_ =	shalt  }
0x73: {  	_ =	shalt  }
0x74: {  	_ =	shalt  }
0x75: {  	_ =	shalt  }
0x76: {  	_ =	shalt  }
0x77: {  	_ =	shalt  }
0x78: {  	_ =	shalt  }
0x79: {  	_ =	shalt  }
0x7a: {  	_ =	shalt  }
0x7b: {  	_ =	shalt  }
0x7c: {  	_ =	shalt  }
0x7d: {  	_ =	shalt  }
0x7e: {  	_ =	shalt  }
0x7f: {  	_ =	shalt  }
0x80: {  	_ =	shalt  }
0x81: {  	_ =	shalt  }
0x82: {  	_ =	shalt  }
0x83: {  	_ =	shalt  }
0x84: {  	_ =	shalt  }
0x85: {  	_ =	shalt  }
0x86: {  	_ =	shalt  }
0x87: {  	_ =	shalt  }
.Lfunc_end0:
.L_simem_size_0:
called_computation.3_lowered:
.L_overlay_start_0:
0x88: {  	s2 =	sld [smem:$0x3FD9]  }
0x89: {  	s3 =	sld [smem:$0x3FFE];
	_ =	sdelay $0x1  }
0x8a: {  	s1 =	srdreg.scid  }
0x8b: {  	s0 =	sand.u32 $0x1, s1  }
0x8c: {  	s16 =	sshll.u32 s0, $0xA;
	s2 =	sadd.s32 s3, s2  }
0x8d: {  	s2 =	sadd.s32 s2, s16  }
0x8e: {  	[smem:$0x3FC0] =	sst s2  }
0x8f: {  	_ = 	snop  }
0x90: {  	(tm) =	ssettm $0x1  }
0x91: {  	s17 =	sld [smem:$0x3FFB];
	_ =	sdelay $0x3  }
0x92: {  	_ =	strace s17  }
0x93: {  	s2 =	sld [smem:$0x3FFC];
	_ =	sdelay $0x3  }
0x94: {  	_ =	strace s2  }
0x95: {  	s2 =	sld [smem:$0x3FFD];
	_ =	sdelay $0x3  }
0x96: {  	_ =	strace s2  }
0x97: {  	_ =	strace $0x8FFFFFFF  }
0x98: {  	s18 =	sld [smem:$0x3FDB];
	_ =	sdelay $0x1  }
0x99: {  	s19 =	simm.s32 $_scs_section_size  }
0x9a: {  	s4 =	simm.s32 $_size__tile_overlayer_lowered;
	s5 =	simm.s32 $_tile_overlayer_lowered  }
0x9b: {  	s22 =	simm.s32 $0x1BFF;
	s21 =	sshll.u32 s5, $0x1;
	s2 =	sadd.s32 s19, s18  }
0x9c: {  	s6 =	simm.s32 $0x0;
	s20 =	sshll.u32 s4, $0x1;
	s4 =	sadd.s32 s21, s2  }
0x9d: {  	[timem:s6], [sflag:s22] =	dma.local [hbm:s4], s20  }
0x9e: {  	_ =	swait.ge [sflag:s22], s20  }
0x9f: {  	s3 =	ssub.s32 $0x0, s20;
	[sflag:s22] =	ssyncset.done $0x0  }
0xa0: {  	[sflag:s22] =	ssyncadd.s32 s3;
	_ =	sdelay $0x1  }
0xa1: {  	s23 =	simm.s32 $0x1B8B  }
0xa2: {  	_ =	swait.ge [sflag:s23], $0x1  }
0xa3: {  	[sflag:s23] =	ssyncset.done $0x0  }
0xa4: {  	s25 =	simm.s32 $0x1B8E;
	s24 =	sld [smem:$0x3FFE];
	[sflag:s23] =	ssyncadd.s32 $0xFFFFFFFF  }
0xa5: {  	s26 =	simm.s32 $execute0_lowered;
	[smem:$0x3FD2] =	sst s25  }
0xa6: {  	s4 =	sshll.u32 s26, $0x1;
	_ =	strace $0x8000004F;
	[dreg:$0x1] =	wrdreg $0xFFFFFFFF  }
0xa7: {  	s28 =	simm.s32 $_size_execute0_lowered;
	s2 =	sadd.s32 s2, s4;
	[dreg:$0x0] =	wrdreg $0x0  }
0xa8: {  	s4 =	sshll.u32 s28, $0x1;
	[dreg:$0x2] =	wrdreg s2  }
0xa9: {  	[dreg:$0x3] =	wrdreg s4  }
0xaa: {  	[dreg:$0x4] =	wrdreg $0xC0  }
0xab: {  	_ =	task [dreg:s6], $0x5FFFF  }
0xac: {  	[dreg:$0x1] =	wrdreg $0xFFFFFFFF  }
0xad: {  	[dreg:$0x0] =	wrdreg $0x60  }
0xae: {  	[dreg:$0x2] =	wrdreg s24  }
0xaf: {  	[dreg:$0x3] =	wrdreg $0x94C00  }
0xb0: {  	[dreg:$0x4] =	wrdreg $0x9  }
0xb1: {  	_ =	task.clear_ibuf [dreg:s6], $0x5FFFF;
	_ =	strace $0x9000004F  }
0xb2: {  	s29 =	simm.s32 $0x9;
	_ =	strace $0x80000051  }
0xb3: {  	_ =	swait.ge [sflag:s29], $0x1  }
0xb4: {  	[sflag:s29] =	ssyncadd.s32 $0xFFFFFFFF  }
0xb5: {  	_ =	strace $0x90000051  }
0xb6: {  	_ =	sfence  }
0xb7: {  	s30 =	sld [smem:$0x0];
	_ =	sdelay $0x2  }
0xb8: {  	s31 =	sshll.u32 s1, $0xD;
	s1 =	sshrl.u32 s1, $0x2  }
0xb9: {  	s3 =	sand.u32 $0x4000, s31;
	s1 =	sadd.s32 s1, s30  }
0xba: {  	s0 =	sor.u32 s3, s0;
	s1 =	sshll.u32 s1, $0x11  }
0xbb: {  	s0 =	sor.u32 s1, s0  }
0xbc: {  	s0 =	sadd.s32 $0x8F2B, s0  }
0xbd: {  	[sflag:s0] =	ssyncadd.remote.s32 $0x1  }
0xbe: {  	_ =	sfence.sel $0xFFFF  }
0xbf: {  	[dreg:$0x0] =	wrdreg $0xFFFFFFFF;
	(pc) =	sbr.abs _section_cstart, $3  }
0xc0: {  	[dreg:$0x1] =	wrdreg $0xFFFFFFFF  }
0xc1: {  	_ =	task.clear_ibuf [dreg:s6], $0x2FFFF;
	_ =	strace $0x9FFFFFFF  }
0xc2: {  	(tm) =	ssettm $0x7FFFFFFF  }
0xc3: {  	_ =	shalt  }
tec
execute0_lowered:
.L_overlay_start_1:
0x0: {  	(tag) =	ssettag $0x1  }
0x1: {  	s1 =	srdreg.scid  }
0x2: {  	s0 =	stileid.u32;
	s6 =	rddreg [dreg:$0x0]  }
0x3: {  	s2 =	rddreg [dreg:$0x1];
	s3 =	simm.s32 $0x0;
	s12 =	simm.s32 $0x8FC0  }
0x4: {  	s13 =	simm.s32 $0x64;
	s14 =	simm.s32 $0x5140;
	s15 =	simm.s32 $0x68  }
0x5: {  	s16 =	simm.s32 $0x7080;
	s17 =	simm.s32 $0x1;
	s18 =	simm.s32 $0x2  }
0x6: {  	s19 =	simm.s32 $0x27D0;
	s20 =	simm.s32 $0x2838;
	s21 =	simm.s32 $0x5070  }
0x7: {  	s22 =	simm.s32 $0x50D8;
	s25 =	simm.s32 $0x0;
	s5 =	sand.u32 $0x1, s1  }
0x8: {  	s30 =	sshll.u32 s0, $0x1;
	[smem:$0x7FF] =	sst s3;
	s9 =	smul.u32 $0xC800, s0  }
0x9: {  	s4 =	sadd.s32 $0x90000, s6;
	s11 =	smul.u32 $0x32000, s0;
	s23 =	sshll.u32 s0, $0x6  }
0xa: {  	s1 =	sor.u32 s5, s30;
	s8 =	smul.u32 $0xC8000, s5;
	s5 =	ssub.s32 $0x2, s5  }
0xb: {  	s23 =	sor.u32 $0x1C03, s23;
	s7 =	smul.u32 $0x28A0, s1;
	s1 =	rddreg [dreg:$0x2]  }
0xc: {  	_ =	strace $0x80000050;
	s10 =	sshrl.u32 s5, $0x1;
	s24 =	sadd.s32 s9, s2  }
0xd: {  	s31 =	sshrl.u32 s11, $0x2;
	s11 =	simm.s32 $0x28A0;
	s8 =	sadd.s32 s9, s8  }
0xe: {  	s10 =	ssub.s32 s5, s10;
	s9 =	sadd.s32 s31, s2;
	s7 =	sshrl.u32 s7, $0x3  }
0xf: {  	s24 =	sshrl.u32 s24, $0x3;
	s8 =	sshrl.u32 s8, $0x3;
	s7 =	sadd.s32 s7, s6  }
0x10: {  	s8 =	sadd.s32 s8, s6;
	s5 =	sadd.s32 $0x3A00, s7;
	s6 =	sadd.s32 $0xDC80, s7  }
0x11: {  	v0 =	vimm.f32 $0.0e+00;
	s7 =	sadd.s32 $0xA9000, s8;
	s8 =	smax.u32 s10, $0x1;
	s10 =	simm.s32 $0x3  }
.LBB2_1:
0x12: {  	[tilespmem:s3], [sflag:$0x3] =	stream.linear.gather [hbm4b:s5+s3], $0x28A0, $0x38;
	[tilespmem:$0x15CC0] =	vst v63  }
0x13: {  	_ =	swait.ge [sflag:s10], $0x28A0  }
0x14: {  	[sflag:s10] =	ssyncset.done $0x0  }
0x15: {  	[sflag:s10] =	ssyncadd.s32 $0xFFFFD760  }
0x16: {  	[tilespmem:s11], [sflag:$0x3] =	stream.linear.gather [hbm4b:s6+s3], $0x28A0, $0x38;
	[tilespmem:$0x15CC0] =	vst v63  }
0x17: {  	_ =	swait.ge [sflag:s10], $0x28A0  }
0x18: {  	[sflag:s10] =	ssyncset.done $0x0  }
0x19: {  	[sflag:s10] =	ssyncadd.s32 $0xFFFFD760  }
0x1a: {  	[tilespmem:$0x8FC0] =	vst v0  }
0x1b: {  	[tilespmem:$0x8FD0] =	vst v0  }
0x1c: {  	[tilespmem:$0x8FE0] =	vst v0  }
0x1d: {  	[tilespmem:$0x8FF0] =	vst v0  }
0x1e: {  	[tilespmem:$0x9000] =	vst v0  }
0x1f: {  	[tilespmem:$0x9010] =	vst v0  }
0x20: {  	[tilespmem:$0x9020] =	vst v0  }
0x21: {  	[tilespmem:$0x9030] =	vst v0  }
0x22: {  	[tilespmem:$0x9040] =	vst v0  }
0x23: {  	[tilespmem:$0x9050] =	vst v0  }
0x24: {  	[tilespmem:$0x9060] =	vst v0  }
0x25: {  	[tilespmem:$0x9070] =	vst v0  }
0x26: {  	[tilespmem:$0x9080] =	vst v0  }
0x27: {  	[tilespmem:$0x9090] =	vst v0  }
0x28: {  	[tilespmem:$0x90A0] =	vst v0  }
0x29: {  	[tilespmem:$0x90B0] =	vst v0  }
0x2a: {  	[tilespmem:$0x90C0] =	vst v0  }
0x2b: {  	[tilespmem:$0x90D0] =	vst v0  }
0x2c: {  	[tilespmem:$0x90E0] =	vst v0  }
0x2d: {  	[tilespmem:$0x90F0] =	vst v0  }
0x2e: {  	[tilespmem:$0x9100] =	vst v0  }
0x2f: {  	[tilespmem:$0x9110] =	vst v0  }
0x30: {  	[tilespmem:$0x9120] =	vst v0  }
0x31: {  	[tilespmem:$0x9130] =	vst v0  }
0x32: {  	[tilespmem:$0x9140] =	vst v0  }
0x33: {  	[tilespmem:$0x9150] =	vst v0  }
0x34: {  	[tilespmem:$0x9160] =	vst v0  }
0x35: {  	[tilespmem:$0x9170] =	vst v0  }
0x36: {  	[tilespmem:$0x9180] =	vst v0  }
0x37: {  	[tilespmem:$0x9190] =	vst v0  }
0x38: {  	[tilespmem:$0x91A0] =	vst v0  }
0x39: {  	[tilespmem:$0x91B0] =	vst v0  }
0x3a: {  	[tilespmem:$0x91C0] =	vst v0  }
0x3b: {  	[tilespmem:$0x91D0] =	vst v0  }
0x3c: {  	[tilespmem:$0x91E0] =	vst v0  }
0x3d: {  	[tilespmem:$0x91F0] =	vst v0  }
0x3e: {  	[tilespmem:$0x9200] =	vst v0  }
0x3f: {  	[tilespmem:$0x9210] =	vst v0  }
0x40: {  	[tilespmem:$0x9220] =	vst v0  }
0x41: {  	[tilespmem:$0x9230] =	vst v0  }
0x42: {  	[tilespmem:$0x9240] =	vst v0  }
0x43: {  	[tilespmem:$0x9250] =	vst v0  }
0x44: {  	[tilespmem:$0x9260] =	vst v0  }
0x45: {  	[tilespmem:$0x9270] =	vst v0  }
0x46: {  	[tilespmem:$0x9280] =	vst v0  }
0x47: {  	[tilespmem:$0x9290] =	vst v0  }
0x48: {  	[tilespmem:$0x92A0] =	vst v0  }
0x49: {  	[tilespmem:$0x92B0] =	vst v0  }
0x4a: {  	[tilespmem:$0x92C0] =	vst v0  }
0x4b: {  	[tilespmem:$0x92D0] =	vst v0  }
0x4c: {  	[tilespmem:$0x92E0] =	vst v0  }
0x4d: {  	[tilespmem:$0x92F0] =	vst v0  }
0x4e: {  	[tilespmem:$0x9300] =	vst v0  }
0x4f: {  	[tilespmem:$0x9310] =	vst v0  }
0x50: {  	[tilespmem:$0x9320] =	vst v0  }
0x51: {  	[tilespmem:$0x9330] =	vst v0  }
0x52: {  	[tilespmem:$0x9340] =	vst v0  }
0x53: {  	[tilespmem:$0x9350] =	vst v0  }
0x54: {  	[tilespmem:$0x9360] =	vst v0  }
0x55: {  	[tilespmem:$0x9370] =	vst v0  }
0x56: {  	[tilespmem:$0x9380] =	vst v0  }
0x57: {  	[tilespmem:$0x9390] =	vst v0  }
0x58: {  	[tilespmem:$0x93A0] =	vst v0  }
0x59: {  	[tilespmem:$0x93B0] =	vst v0  }
0x5a: {  	[tilespmem:$0x93C0] =	vst v0  }
0x5b: {  	[tilespmem:$0x93D0] =	vst v0  }
0x5c: {  	[tilespmem:$0x93E0] =	vst v0  }
0x5d: {  	[tilespmem:$0x93F0] =	vst v0  }
0x5e: {  	[tilespmem:$0x9400] =	vst v0  }
0x5f: {  	[tilespmem:$0x9410] =	vst v0  }
0x60: {  	[tilespmem:$0x9420] =	vst v0  }
0x61: {  	[tilespmem:$0x9430] =	vst v0  }
0x62: {  	[tilespmem:$0x9440] =	vst v0  }
0x63: {  	[tilespmem:$0x9450] =	vst v0  }
0x64: {  	[tilespmem:$0x9460] =	vst v0  }
0x65: {  	[tilespmem:$0x9470] =	vst v0  }
0x66: {  	[tilespmem:$0x9480] =	vst v0  }
0x67: {  	[tilespmem:$0x9490] =	vst v0  }
0x68: {  	[tilespmem:$0x94A0] =	vst v0  }
0x69: {  	s26 =	sadd.s32 $0x0, s9;
	[tilespmem:$0x94B0] =	vst v0  }
0x6a: {  	[spmem:s26] =	stream.linear.scatter [tilespmem:s12], [sflag:$0x3], $0x500, $0x38;
	[tilespmem:$0x15CC0] =	vst v63  }
0x6b: {  	s26 =	simm.s32 $0x1400;
	_ =	swait.ge [sflag:s10], $0x500  }
.LBB2_2:
0x6c: {  	s28 =	sshra.s32 s26, $0x2;
	[sflag:s10] =	ssyncset.done $0x0;
	p0 =	sne.s32 s26, $0x30C00  }
.Ltmp0:
0x6d: {  	s28 =	sadd.s32 s28, s9;
	[sflag:s10] =	ssyncadd.s32 $0xFFFFFB00;
	(pc) =	sbr.rel @p0 .LBB2_2-.Ltmp0, $3  }
0x6e: {  	[spmem:s28] =	stream.linear.scatter [tilespmem:s12], [sflag:$0x3], $0x500, $0x38;
	[tilespmem:$0x15CC0] =	vst v63  }
0x6f: {  	s26 =	sadd.s32 $0x1400, s26;
	_ =	sdelay $0x1  }
0x70: {  	_ =	swait.ge [sflag:s10], $0x500  }
0x71: {  	[sflag:s10] =	ssyncset.done $0x0  }
0x72: {  	[sflag:s10] =	ssyncadd.s32 $0xFFFFFB00  }
0x73: {  	s26 =	simm.s32 $0x0;
	[bflag:$0x0] =	sbarrier.arrive $0xFFFF  }
0x74: {  	[tilespmem:s14], [sflag:$0x1] =	stream.indirect.gather [hbm4b:s4+s13], $0x50, s26, s13, $0xb8;
	[tilespmem:$0x15CC0] =	vst v63  }
0x75: {  	_ = 	snop  }
0x76: {  	[tilespmem:s16], [sflag:$0x2] =	stream.indirect.gather [hbm4b:s4+s13], $0x50, s15, s13, $0xb8;
	[tilespmem:$0x15CC0] =	vst v63  }
0x77: {  	_ =	swait.ge [sflag:s17], $0x1F40  }
0x78: {  	[sflag:s17] =	ssyncset.done $0x0  }
0x79: {  	s29 =	simm.s32 $0x28A0;
	[sflag:s17] =	ssyncadd.s32 $0xFFFFE0C0  }
0x7a: {  	[spmem:s2] =	stream.indirect.scatter.add.f32 [tilespmem:s14], [sflag:$0x3], $0x50, s29, s13, $0xb8;
	[tilespmem:$0x15CC0] =	vst v63  }
0x7b: {  	_ =	swait.ge [sflag:s10], $0x1F40  }
0x7c: {  	[sflag:s10] =	ssyncset.done $0x0  }
0x7d: {  	s30 =	simm.s32 $0xD0;
	[sflag:s10] =	ssyncadd.s32 $0xFFFFE0C0  }
0x7e: {  	[tilespmem:s14], [sflag:$0x1] =	stream.indirect.gather [hbm4b:s4+s13], $0x50, s30, s13, $0xb8;
	[tilespmem:$0x15CC0] =	vst v63  }
0x7f: {  	_ =	swait.ge [sflag:s18], $0x1F40  }
0x80: {  	[sflag:s18] =	ssyncset.done $0x0  }
0x81: {  	s31 =	simm.s32 $0x2908;
	[sflag:s18] =	ssyncadd.s32 $0xFFFFE0C0  }
0x82: {  	[spmem:s2] =	stream.indirect.scatter.add.f32 [tilespmem:s16], [sflag:$0x3], $0x50, s31, s13, $0xb8;
	[tilespmem:$0x15CC0] =	vst v63  }
0x83: {  	_ =	swait.ge [sflag:s10], $0x1F40  }
0x84: {  	[sflag:s10] =	ssyncset.done $0x0  }
0x85: {  	s28 =	simm.s32 $0x138;
	s26 =	simm.s32 $0x340;
	[sflag:s10] =	ssyncadd.s32 $0xFFFFE0C0  }
.LBB2_4:
0x86: {  	[tilespmem:s16], [sflag:$0x2] =	stream.indirect.gather [hbm4b:s4+s13], $0x50, s28, s13, $0xb8;
	[tilespmem:$0x15CC0] =	vst v63  }
0x87: {  	s28 =	smov.u32 s26;
	s26 =	sadd.s32 $0x340, s26;
	_ =	swait.ge [sflag:s17], $0x1F40  }
0x88: {  	s28 =	sshra.s32 s28, $0x2;
	p0 =	sne.s32 s26, $0x9C00;
	[sflag:s17] =	ssyncset.done $0x0  }
0x89: {  	s29 =	sadd.s32 $0x28A0, s28;
	[sflag:s17] =	ssyncadd.s32 $0xFFFFE0C0  }
0x8a: {  	[spmem:s2] =	stream.indirect.scatter.add.f32 [tilespmem:s14], [sflag:$0x3], $0x50, s29, s13, $0xb8;
	[tilespmem:$0x15CC0] =	vst v63  }
0x8b: {  	_ =	swait.ge [sflag:s10], $0x1F40  }
0x8c: {  	[sflag:s10] =	ssyncset.done $0x0  }
0x8d: {  	s29 =	sadd.s32 $0xD0, s28;
	[sflag:s10] =	ssyncadd.s32 $0xFFFFE0C0  }
0x8e: {  	[tilespmem:s14], [sflag:$0x1] =	stream.indirect.gather [hbm4b:s4+s13], $0x50, s29, s13, $0xb8;
	[tilespmem:$0x15CC0] =	vst v63  }
0x8f: {  	_ =	swait.ge [sflag:s18], $0x1F40  }
0x90: {  	[sflag:s18] =	ssyncset.done $0x0  }
.Ltmp1:
0x91: {  	s29 =	sadd.s32 $0x2908, s28;
	[sflag:s18] =	ssyncadd.s32 $0xFFFFE0C0;
	(pc) =	sbr.rel @p0 .LBB2_4-.Ltmp1, $4  }
0x92: {  	[spmem:s2] =	stream.indirect.scatter.add.f32 [tilespmem:s16], [sflag:$0x3], $0x50, s29, s13, $0xb8;
	[tilespmem:$0x15CC0] =	vst v63  }
0x93: {  	_ =	swait.ge [sflag:s10], $0x1F40  }
0x94: {  	[sflag:s10] =	ssyncset.done $0x0  }
0x95: {  	s28 =	sadd.s32 $0x138, s28;
	[sflag:s10] =	ssyncadd.s32 $0xFFFFE0C0  }
0x96: {  	[tilespmem:s16], [sflag:$0x2] =	stream.indirect.gather [hbm4b:s4+s13], $0x50, s28, s13, $0xb8;
	[tilespmem:$0x15CC0] =	vst v63  }
0x97: {  	_ =	swait.ge [sflag:s17], $0x1F40  }
0x98: {  	s26 =	sshra.s32 s26, $0x2;
	[sflag:s17] =	ssyncset.done $0x0  }
0x99: {  	s31 =	sadd.s32 $0x28A0, s26;
	[sflag:s17] =	ssyncadd.s32 $0xFFFFE0C0  }
0x9a: {  	[spmem:s2] =	stream.indirect.scatter.add.f32 [tilespmem:s14], [sflag:$0x3], $0x50, s31, s13, $0xb8;
	[tilespmem:$0x15CC0] =	vst v63  }
0x9b: {  	_ =	swait.ge [sflag:s10], $0x1F40  }
0x9c: {  	[sflag:s10] =	ssyncset.done $0x0  }
0x9d: {  	[sflag:s10] =	ssyncadd.s32 $0xFFFFE0C0  }
0x9e: {  	[tilespmem:s14], [sflag:$0x1] =	stream.indirect.gather [hbm4b:s4+s13], $0x50, s19, s13, $0xb8;
	[tilespmem:$0x15CC0] =	vst v63  }
0x9f: {  	_ =	swait.ge [sflag:s18], $0x1F40  }
0xa0: {  	[sflag:s18] =	ssyncset.done $0x0  }
0xa1: {  	s26 =	sadd.s32 $0x2908, s26;
	[sflag:s18] =	ssyncadd.s32 $0xFFFFE0C0  }
0xa2: {  	[spmem:s2] =	stream.indirect.scatter.add.f32 [tilespmem:s16], [sflag:$0x3], $0x50, s26, s13, $0xb8;
	[tilespmem:$0x15CC0] =	vst v63  }
0xa3: {  	_ =	swait.ge [sflag:s10], $0x1F40  }
0xa4: {  	[sflag:s10] =	ssyncset.done $0x0  }
0xa5: {  	[sflag:s10] =	ssyncadd.s32 $0xFFFFE0C0  }
0xa6: {  	[tilespmem:s16], [sflag:$0x2] =	stream.indirect.gather [hbm4b:s4+s13], $0x50, s20, s13, $0xb8;
	[tilespmem:$0x15CC0] =	vst v63  }
0xa7: {  	_ =	swait.ge [sflag:s17], $0x1F40  }
0xa8: {  	[sflag:s17] =	ssyncset.done $0x0  }
0xa9: {  	[sflag:s17] =	ssyncadd.s32 $0xFFFFE0C0  }
0xaa: {  	[spmem:s2] =	stream.indirect.scatter.add.f32 [tilespmem:s14], [sflag:$0x3], $0x50, s21, s13, $0xb8;
	[tilespmem:$0x15CC0] =	vst v63  }
0xab: {  	_ =	swait.ge [sflag:s10], $0x1F40  }
0xac: {  	[sflag:s10] =	ssyncset.done $0x0  }
0xad: {  	[sflag:s10] =	ssyncadd.s32 $0xFFFFE0C0  }
0xae: {  	[tilespmem:s14], [sflag:$0x1] =	stream.indirect.gather [hbm4b:s4+s13], $0x50, s20, s13, $0xb8;
	[tilespmem:$0x15CC0] =	vst v63  }
0xaf: {  	_ =	swait.ge [sflag:s18], $0x1F40  }
0xb0: {  	[sflag:s18] =	ssyncset.done $0x0  }
0xb1: {  	[sflag:s18] =	ssyncadd.s32 $0xFFFFE0C0  }
0xb2: {  	[spmem:s2] =	stream.indirect.scatter.add.f32 [tilespmem:s16], [sflag:$0x3], $0x50, s22, s13, $0xb8;
	[tilespmem:$0x15CC0] =	vst v63  }
0xb3: {  	_ =	swait.ge [sflag:s10], $0x1F40  }
0xb4: {  	[sflag:s10] =	ssyncset.done $0x0  }
0xb5: {  	[sflag:s10] =	ssyncadd.s32 $0xFFFFE0C0  }
0xb6: {  	[tilespmem:s16], [sflag:$0x2] =	stream.indirect.gather [hbm4b:s4+s13], $0x50, s20, s13, $0xb8;
	[tilespmem:$0x15CC0] =	vst v63  }
0xb7: {  	_ =	swait.ge [sflag:s17], $0x1F40  }
0xb8: {  	[sflag:s17] =	ssyncset.done $0x0  }
0xb9: {  	[sflag:s17] =	ssyncadd.s32 $0xFFFFE0C0  }
0xba: {  	_ =	swait.ge [sflag:s18], $0x1F40  }
0xbb: {  	s25 =	sadd.s32 $0x1, s25;
	[sflag:s18] =	ssyncset.done $0x0  }
0xbc: {  	p0 =	sne.s32 s25, s8;
	[sflag:s18] =	ssyncadd.s32 $0xFFFFE0C0  }
.Ltmp2:
0xbd: {  	[bflag:$0x0] =	sbarrier.arrive $0xFFFF;
	(pc) =	sbr.rel @p0 .LBB2_1-.Ltmp2, $4  }
0xbe: {  	[hbm:s7], [sflag:s23] =	dma.local [spmem:s24], $0x1900  }
0xbf: {  	_ =	swait.ge [sflag:s10], $0x1900  }
0xc0: {  	[sflag:s10] =	ssyncset.done $0x0  }
0xc1: {  	[sflag:s10] =	ssyncadd.s32 $0xFFFFE700  }
0xc2: {  	_ =	sfence.sel $0x180000  }
0xc3: {  	[bflag:$0x0] =	sbarrier.arrive $0xFFFF  }
0xc4: {  	p0 =	sne.s32 s0, $0x0;
	_ =	strace $0x90000050  }
0xc5: {  	s0 =	sadd.s32 @!p0 $0x100000, s1;
	[bflag:$0x2] =	sbarrier.arrive $0xFFFF  }
0xc6: {  	[sflag:s0] =	ssyncadd.tile.s32 @!p0 $0x1;
	_ =	shalt  }
.Lfunc_end2:
_tile_overlayer_lowered:
.L_overlay_start_2:
0xc7: {  	(tag) =	ssettag $0x2  }
0xc8: {  	s0 =	rddreg [dreg:$0x0];
	s2 =	stileid.u32  }
0xc9: {  	s1 =	rddreg [dreg:$0x1];
	p0 =	sne.s32 s2, $0x0  }
0xca: {  	s3 =	rddreg [dreg:$0x2];
	[bflag:$0x3] =	sbarrier.arrive $0xFFFF;
	s2 =	simm.s32 @!p0 $0x1C03  }
0xcb: {  	[timem:s3], [sflag:s2] =	dma.local @!p0 [hbm:s0], s1  }
0xcc: {  	s0 =	simm.s32 @!p0 $0x3  }
0xcd: {  	_ =	swait.ge @!p0 [sflag:s0], s1  }
0xce: {  	s1 =	ssub.s32 @!p0 $0x0, s1;
	[sflag:s0] =	ssyncset.done @!p0 $0x0  }
0xcf: {  	[sflag:s0] =	ssyncadd.s32 @!p0 s1  }
0xd0: {  	[bflag:$0x3] =	sbarrier.arrive $0xFFFF  }
0xd1: {  	_ =	shalt  }

// kernel: kernel.23.cloned.1.call-start
scs
__scs_entry_jumppad:
0x0: {  	(pc) =	sbr.rel $0x88, $3  }
0x1: {  	(tag) =	ssettag $0x0;
	lr =	simm.s32 $0x1  }
0x2: {  	[smem:$0x3F99] =	sst lr;
	_ =	strace $0xD0000000  }
0x3: {  	_ = 	snop  }
0x4: {  	_ = 	snop  }
0x5: {  	_ = 	snop  }
0x6: {  	_ = 	snop  }
0x7: {  	_ = 	snop  }
__scs_overlays_trampoline_lowered:
0x8: {  	[smem:$0x3FA8] =	sst s0  }
0x9: {  	[smem:$0x3FA9] =	sst s1  }
0xa: {  	[smem:$0x3FAA] =	sst s2  }
0xb: {  	[smem:$0x3FAB] =	sst s3  }
0xc: {  	[smem:$0x3FAC] =	sst s4  }
0xd: {  	[smem:$0x3FAD] =	sst s5  }
0xe: {  	[smem:$0x3FAE] =	sst s6  }
0xf: {  	[smem:$0x3FAF] =	sst s7  }
0x10: {  	[smem:$0x3FB0] =	sst s8  }
0x11: {  	[smem:$0x3FB1] =	sst s9;
	s0 =	simm.s32 @!p0 $0x0  }
0x12: {  	s1 =	sld [smem:$0x3F97];
	s0 =	simm.s32 @p0 $0x1  }
0x13: {  	[smem:$0x3FB2] =	sst s0;
	s0 =	simm.s32 @!p1 $0x0  }
0x14: {  	s2 =	sld [smem:$0x3F96];
	s0 =	simm.s32 @p1 $0x1  }
0x15: {  	[smem:$0x3FB3] =	sst s0;
	s0 =	simm.s32 @!p2 $0x0  }
0x16: {  	s3 =	sld [smem:$0x3FDB];
	s0 =	simm.s32 @p2 $0x1  }
0x17: {  	s4 =	simm.s32 $0x1BF5;
	[smem:$0x3FB5] =	sst s0  }
0x18: {  	s0 =	sld [smem:$0x3F98];
	_ =	swait.ge [sflag:s4], $0x0  }
0x19: {  	s7 =	sld [smem:$0x3F99]  }
0x1a: {  	s8 =	sadd.s32 $0xFFFFE003, lr  }
0x1b: {  	s9 =	sadd.s32 $0xFFFFFEF7, lr;
	s5 =	simm.s32 $0xFFFFFFFF;
	p2 =	slt.u32 s8, $0xFFFFF086  }
0x1c: {  	p1 =	slt.u32 s9, $0xF7A;
	s5 =	simm.s32 @!p2 $0x0  }
0x1d: {  	s5 =	simm.s32 @p1 $0x1;
	p0 =	seq.s32 s7, s2  }
0x1e: {  	s7 =	smul.u32 @!p0 $0xF7A, s2;
	p2 =	seq.s32 @!p0 s5, $0x0  }
0x1f: {  	s9 =	smul.u32 $0xF7A, s1;
	s8 =	simm.s32 @!p0 $0x1BF5;
	p2 =	por !p2, p0  }
0x20: {  	[sflag:s8] =	ssyncset.s32 @!p0 $0xFFFFF086;
	s6 =	sadd.s32 @!p0 s3, s7;
	s7 =	simm.s32 @!p0 $0x108  }
0x21: {  	s3 =	sadd.s32 s3, s9;
	s6 =	sadd.s32 @!p0 $0x88, s6;
	s7 =	simm.s32 @p2 $0x1082  }
0x22: {  	[simem:s7], [sflag:s8] =	dma.local @!p0 [hbm:s6], $0xF7A  }
0x23: {  	s9 =	sor.u32 $0xD0000000, s2;
	s6 =	simm.s32 $0x108;
	_ =	swait.ge @!p0 [sflag:s8], $0x0  }
0x24: {  	s3 =	sadd.s32 $0x88, s3;
	s6 =	simm.s32 @!p1 $0x1082;
	[sflag:s4] =	ssyncset.s32 $0xFFFFF086  }
0x25: {  	[simem:s6], [sflag:s4] =	dma.local [hbm:s3], $0xF7A  }
0x26: {  	[smem:$0x3F99] =	sst s1;
	(tag) =	ssettag s2;
	_ =	strace s9  }
0x27: {  	s1 =	sld [smem:$0x3FA9]  }
0x28: {  	s2 =	sld [smem:$0x3FAA]  }
0x29: {  	s4 =	sld [smem:$0x3FAC]  }
0x2a: {  	p0 =	seq.s32 s5, $0x0;
	s5 =	sld [smem:$0x3FAD]  }
0x2b: {  	s6 =	sld [smem:$0x3FAE]  }
0x2c: {  	s7 =	sld [smem:$0x3FAF]  }
0x2d: {  	s3 =	simm.s32 $0x108;
	s8 =	sld [smem:$0x3FB0]  }
0x2e: {  	s3 =	simm.s32 @!p0 $0x1082;
	s9 =	sld [smem:$0x3FB1]  }
0x2f: {  	lr =	sadd.s32 s0, s3;
	s0 =	sld [smem:$0x3FA8]  }
0x30: {  	s3 =	sld [smem:$0x3FAB]  }
0x31: {  	[smem:$0x3FB4] =	sst s10  }
0x32: {  	s10 =	sld [smem:$0x3FB2];
	_ =	sdelay $0x3  }
0x33: {  	p0 =	seq.s32 s10, $0x1;
	s10 =	sld [smem:$0x3FB4];
	_ =	sdelay $0x3  }
0x34: {  	[smem:$0x3FB4] =	sst s10  }
0x35: {  	s10 =	sld [smem:$0x3FB3];
	_ =	sdelay $0x3  }
0x36: {  	p1 =	seq.s32 s10, $0x1;
	s10 =	sld [smem:$0x3FB4];
	_ =	sdelay $0x3  }
0x37: {  	[smem:$0x3FB4] =	sst s10  }
0x38: {  	s10 =	sld [smem:$0x3FB5]  }
0x39: {  	_ = 	snop;
	(pc) =	sbr.ind lr, $3  }
0x3a: {  	_ = 	snop  }
0x3b: {  	_ = 	snop  }
0x3c: {  	p2 =	seq.s32 s10, $0x1;
	s10 =	sld [smem:$0x3FB4]  }
0x3d: {  	_ =	shalt  }
0x3e: {  	_ =	shalt  }
0x3f: {  	_ =	shalt  }
0x40: {  	_ =	shalt  }
0x41: {  	_ =	shalt  }
0x42: {  	_ =	shalt  }
0x43: {  	_ =	shalt  }
0x44: {  	_ =	shalt  }
0x45: {  	_ =	shalt  }
0x46: {  	_ =	shalt  }
0x47: {  	_ =	shalt  }
0x48: {  	_ =	shalt  }
0x49: {  	_ =	shalt  }
0x4a: {  	_ =	shalt  }
0x4b: {  	_ =	shalt  }
0x4c: {  	_ =	shalt  }
0x4d: {  	_ =	shalt  }
0x4e: {  	_ =	shalt  }
0x4f: {  	_ =	shalt  }
0x50: {  	_ =	shalt  }
0x51: {  	_ =	shalt  }
0x52: {  	_ =	shalt  }
0x53: {  	_ =	shalt  }
0x54: {  	_ =	shalt  }
0x55: {  	_ =	shalt  }
0x56: {  	_ =	shalt  }
0x57: {  	_ =	shalt  }
0x58: {  	_ =	shalt  }
0x59: {  	_ =	shalt  }
0x5a: {  	_ =	shalt  }
0x5b: {  	_ =	shalt  }
0x5c: {  	_ =	shalt  }
0x5d: {  	_ =	shalt  }
0x5e: {  	_ =	shalt  }
0x5f: {  	_ =	shalt  }
0x60: {  	_ =	shalt  }
0x61: {  	_ =	shalt  }
0x62: {  	_ =	shalt  }
0x63: {  	_ =	shalt  }
0x64: {  	_ =	shalt  }
0x65: {  	_ =	shalt  }
0x66: {  	_ =	shalt  }
0x67: {  	_ =	shalt  }
0x68: {  	_ =	shalt  }
0x69: {  	_ =	shalt  }
0x6a: {  	_ =	shalt  }
0x6b: {  	_ =	shalt  }
0x6c: {  	_ =	shalt  }
0x6d: {  	_ =	shalt  }
0x6e: {  	_ =	shalt  }
0x6f: {  	_ =	shalt  }
0x70: {  	_ =	shalt  }
0x71: {  	_ =	shalt  }
0x72: {  	_ =	shalt  }
0x73: {  	_ =	shalt  }
0x74: {  	_ =	shalt  }
0x75: {  	_ =	shalt  }
0x76: {  	_ =	shalt  }
0x77: {  	_ =	shalt  }
0x78: {  	_ =	shalt  }
0x79: {  	_ =	shalt  }
0x7a: {  	_ =	shalt  }
0x7b: {  	_ =	shalt  }
0x7c: {  	_ =	shalt  }
0x7d: {  	_ =	shalt  }
0x7e: {  	_ =	shalt  }
0x7f: {  	_ =	shalt  }
0x80: {  	_ =	shalt  }
0x81: {  	_ =	shalt  }
0x82: {  	_ =	shalt  }
0x83: {  	_ =	shalt  }
0x84: {  	_ =	shalt  }
0x85: {  	_ =	shalt  }
0x86: {  	_ =	shalt  }
0x87: {  	_ =	shalt  }
.Lfunc_end0:
.L_simem_size_0:
called_computation.4_lowered:
.L_overlay_start_0:
0x88: {  	s2 =	sld [smem:$0x3FD9]  }
0x89: {  	s3 =	sld [smem:$0x3FFE];
	_ =	sdelay $0x1  }
0x8a: {  	s1 =	srdreg.scid  }
0x8b: {  	s0 =	sand.u32 $0x1, s1  }
0x8c: {  	s16 =	sshll.u32 s0, $0xA;
	s2 =	sadd.s32 s3, s2  }
0x8d: {  	s2 =	sadd.s32 s2, s16  }
0x8e: {  	[smem:$0x3FC0] =	sst s2  }
0x8f: {  	_ = 	snop  }
0x90: {  	(tm) =	ssettm $0x1  }
0x91: {  	s17 =	sld [smem:$0x3FFB];
	_ =	sdelay $0x3  }
0x92: {  	_ =	strace s17  }
0x93: {  	s2 =	sld [smem:$0x3FFC];
	_ =	sdelay $0x3  }
0x94: {  	_ =	strace s2  }
0x95: {  	s2 =	sld [smem:$0x3FFD];
	_ =	sdelay $0x3  }
0x96: {  	_ =	strace s2  }
0x97: {  	_ =	strace $0x8FFFFFFF  }
0x98: {  	s18 =	sld [smem:$0x3FDB];
	_ =	sdelay $0x1  }
0x99: {  	s19 =	simm.s32 $_scs_section_size  }
0x9a: {  	s4 =	simm.s32 $_size__tile_overlayer_lowered;
	s5 =	simm.s32 $_tile_overlayer_lowered  }
0x9b: {  	s22 =	simm.s32 $0x1BFF;
	s21 =	sshll.u32 s5, $0x1;
	s2 =	sadd.s32 s19, s18  }
0x9c: {  	s6 =	simm.s32 $0x0;
	s20 =	sshll.u32 s4, $0x1;
	s4 =	sadd.s32 s21, s2  }
0x9d: {  	[timem:s6], [sflag:s22] =	dma.local [hbm:s4], s20  }
0x9e: {  	_ =	swait.ge [sflag:s22], s20  }
0x9f: {  	s3 =	ssub.s32 $0x0, s20;
	[sflag:s22] =	ssyncset.done $0x0  }
0xa0: {  	[sflag:s22] =	ssyncadd.s32 s3;
	_ =	sdelay $0x1  }
0xa1: {  	s23 =	simm.s32 $0x1B8B  }
0xa2: {  	_ =	swait.ge [sflag:s23], $0x1  }
0xa3: {  	[sflag:s23] =	ssyncset.done $0x0  }
0xa4: {  	s25 =	simm.s32 $0x1B8E;
	s24 =	sld [smem:$0x3FFE];
	[sflag:s23] =	ssyncadd.s32 $0xFFFFFFFF  }
0xa5: {  	s26 =	simm.s32 $execute0_lowered;
	[smem:$0x3FD2] =	sst s25  }
0xa6: {  	s4 =	sshll.u32 s26, $0x1;
	_ =	strace $0x80000052;
	[dreg:$0x1] =	wrdreg $0xFFFFFFFF  }
0xa7: {  	s28 =	simm.s32 $_size_execute0_lowered;
	s2 =	sadd.s32 s2, s4;
	[dreg:$0x0] =	wrdreg $0x0  }
0xa8: {  	s4 =	sshll.u32 s28, $0x1;
	[dreg:$0x2] =	wrdreg s2  }
0xa9: {  	[dreg:$0x3] =	wrdreg s4  }
0xaa: {  	[dreg:$0x4] =	wrdreg $0xC0  }
0xab: {  	_ =	task [dreg:s6], $0x5FFFF  }
0xac: {  	[dreg:$0x1] =	wrdreg $0xFFFFFFFF  }
0xad: {  	[dreg:$0x0] =	wrdreg $0x60  }
0xae: {  	[dreg:$0x2] =	wrdreg s24  }
0xaf: {  	[dreg:$0x3] =	wrdreg $0x6B400  }
0xb0: {  	[dreg:$0x4] =	wrdreg $0x9  }
0xb1: {  	_ =	task.clear_ibuf [dreg:s6], $0x5FFFF;
	_ =	strace $0x90000052  }
0xb2: {  	s29 =	simm.s32 $0x9;
	_ =	strace $0x80000054  }
0xb3: {  	_ =	swait.ge [sflag:s29], $0x1  }
0xb4: {  	[sflag:s29] =	ssyncadd.s32 $0xFFFFFFFF  }
0xb5: {  	_ =	strace $0x90000054  }
0xb6: {  	_ =	sfence  }
0xb7: {  	s30 =	sld [smem:$0x0];
	_ =	sdelay $0x2  }
0xb8: {  	s31 =	sshll.u32 s1, $0xD;
	s1 =	sshrl.u32 s1, $0x2  }
0xb9: {  	s3 =	sand.u32 $0x4000, s31;
	s1 =	sadd.s32 s1, s30  }
0xba: {  	s0 =	sor.u32 s3, s0;
	s1 =	sshll.u32 s1, $0x11  }
0xbb: {  	s0 =	sor.u32 s1, s0  }
0xbc: {  	s0 =	sadd.s32 $0x8F2B, s0  }
0xbd: {  	[sflag:s0] =	ssyncadd.remote.s32 $0x1  }
0xbe: {  	_ =	sfence.sel $0xFFFF  }
0xbf: {  	[dreg:$0x0] =	wrdreg $0xFFFFFFFF;
	(pc) =	sbr.abs _section_cstart, $3  }
0xc0: {  	[dreg:$0x1] =	wrdreg $0xFFFFFFFF  }
0xc1: {  	_ =	task.clear_ibuf [dreg:s6], $0x2FFFF;
	_ =	strace $0x9FFFFFFF  }
0xc2: {  	(tm) =	ssettm $0x7FFFFFFF  }
0xc3: {  	_ =	shalt  }
tec
execute0_lowered:
.L_overlay_start_1:
0x0: {  	(tag) =	ssettag $0x1  }
0x1: {  	s0 =	srdreg.scid;
	s5 =	rddreg [dreg:$0x0]  }
0x2: {  	s7 =	stileid.u32;
	s2 =	rddreg [dreg:$0x1];
	s3 =	simm.s32 $0x0  }
0x3: {  	s10 =	simm.s32 $0x5;
	s12 =	simm.s32 $0x6A40;
	s13 =	simm.s32 $0x64  }
0x4: {  	s14 =	simm.s32 $0x5140;
	s16 =	simm.s32 $0x5780;
	s18 =	simm.s32 $0x5DC0  }
0x5: {  	s20 =	simm.s32 $0x6400;
	s21 =	simm.s32 $0x1;
	s22 =	simm.s32 $0x2  }
0x6: {  	s23 =	simm.s32 $0x3;
	s24 =	simm.s32 $0x4;
	s28 =	simm.s32 $0x2768  }
0x7: {  	s29 =	simm.s32 $0x27D0;
	s30 =	simm.s32 $0x2838;
	s31 =	simm.s32 $0x4FA0  }
0x8: {  	s11 =	simm.s32 $0x5070;
	s15 =	simm.s32 $0x0;
	s0 =	sand.u32 $0x1, s0  }
0x9: {  	s1 =	sshll.u32 s7, $0x1;
	[smem:$0x7FF] =	sst s3;
	s9 =	smul.u32 $0x2800, s7  }
0xa: {  	s4 =	sadd.s32 $0x18000, s5;
	s7 =	smul.u32 $0xA000, s7;
	s1 =	sor.u32 s0, s1  }
0xb: {  	s6 =	smul.u32 $0x28000, s0;
	_ =	strace $0x80000053;
	s0 =	ssub.s32 $0x2, s0  }
0xc: {  	s1 =	smul.u32 $0x28A0, s1;
	s25 =	sshrl.u32 s0, $0x1;
	s7 =	sshrl.u32 s7, $0x2  }
0xd: {  	s26 =	sadd.s32 s9, s2;
	s6 =	sadd.s32 s9, s6;
	s0 =	ssub.s32 s0, s25  }
0xe: {  	s7 =	sadd.s32 s7, s2;
	s25 =	sshrl.u32 s26, $0x3;
	s1 =	sshrl.u32 s1, $0x3  }
0xf: {  	s6 =	sshrl.u32 s6, $0x3;
	s9 =	smax.u32 s0, $0x1;
	s1 =	sadd.s32 s1, s5  }
0x10: {  	s0 =	simm.s32 $0x50D8;
	s8 =	sadd.s32 s6, s5;
	s5 =	sadd.s32 $0x3A00, s1  }
0x11: {  	v0 =	vimm.f32 $0.0e+00;
	s6 =	sadd.s32 $0xDC80, s1;
	s8 =	sadd.s32 $0x1D000, s8;
	s1 =	simm.s32 $0x5008  }
.LBB2_1:
0x12: {  	[tilespmem:s3], [sflag:$0x5] =	stream.linear.gather [hbm4b:s5+s3], $0x28A0, $0x38;
	[tilespmem:$0x9340] =	vst v63  }
0x13: {  	_ =	swait.ge [sflag:s10], $0x28A0  }
0x14: {  	[sflag:s10] =	ssyncset.done $0x0  }
0x15: {  	s17 =	simm.s32 $0x28A0;
	[sflag:s10] =	ssyncadd.s32 $0xFFFFD760  }
0x16: {  	[tilespmem:s17], [sflag:$0x5] =	stream.linear.gather [hbm4b:s6+s3], $0x28A0, $0x38;
	[tilespmem:$0x9340] =	vst v63  }
0x17: {  	_ =	swait.ge [sflag:s10], $0x28A0  }
0x18: {  	[sflag:s10] =	ssyncset.done $0x0  }
0x19: {  	[sflag:s10] =	ssyncadd.s32 $0xFFFFD760  }
0x1a: {  	[tilespmem:$0x6A40] =	vst v0  }
0x1b: {  	[tilespmem:$0x6A50] =	vst v0  }
0x1c: {  	[tilespmem:$0x6A60] =	vst v0  }
0x1d: {  	[tilespmem:$0x6A70] =	vst v0  }
0x1e: {  	[tilespmem:$0x6A80] =	vst v0  }
0x1f: {  	[tilespmem:$0x6A90] =	vst v0  }
0x20: {  	[tilespmem:$0x6AA0] =	vst v0  }
0x21: {  	[tilespmem:$0x6AB0] =	vst v0  }
0x22: {  	[tilespmem:$0x6AC0] =	vst v0  }
0x23: {  	[tilespmem:$0x6AD0] =	vst v0  }
0x24: {  	[tilespmem:$0x6AE0] =	vst v0  }
0x25: {  	[tilespmem:$0x6AF0] =	vst v0  }
0x26: {  	[tilespmem:$0x6B00] =	vst v0  }
0x27: {  	[tilespmem:$0x6B10] =	vst v0  }
0x28: {  	[tilespmem:$0x6B20] =	vst v0  }
0x29: {  	s26 =	sadd.s32 $0x0, s7;
	[tilespmem:$0x6B30] =	vst v0  }
0x2a: {  	[spmem:s26] =	stream.linear.scatter [tilespmem:s12], [sflag:$0x5], $0x100, $0x38;
	[tilespmem:$0x9340] =	vst v63  }
0x2b: {  	s17 =	simm.s32 $0x400;
	_ =	swait.ge [sflag:s10], $0x100  }
.LBB2_2:
0x2c: {  	s19 =	sshra.s32 s17, $0x2;
	[sflag:s10] =	ssyncset.done $0x0;
	p0 =	sne.s32 s17, $0x9C00  }
.Ltmp0:
0x2d: {  	s19 =	sadd.s32 s19, s7;
	[sflag:s10] =	ssyncadd.s32 $0xFFFFFF00;
	(pc) =	sbr.rel @p0 .LBB2_2-.Ltmp0, $3  }
0x2e: {  	[spmem:s19] =	stream.linear.scatter [tilespmem:s12], [sflag:$0x5], $0x100, $0x38;
	[tilespmem:$0x9340] =	vst v63  }
0x2f: {  	s17 =	sadd.s32 $0x400, s17;
	_ =	sdelay $0x1  }
0x30: {  	_ =	swait.ge [sflag:s10], $0x100  }
0x31: {  	[sflag:s10] =	ssyncset.done $0x0  }
0x32: {  	[sflag:s10] =	ssyncadd.s32 $0xFFFFFF00  }
0x33: {  	s17 =	simm.s32 $0x0;
	[bflag:$0x0] =	sbarrier.arrive $0xFFFF  }
0x34: {  	[tilespmem:s14], [sflag:$0x1] =	stream.indirect.gather [hbm4b:s4+s13], $0x10, s17, s13, $0xb8;
	[tilespmem:$0x9340] =	vst v63  }
0x35: {  	s19 =	simm.s32 $0x68  }
0x36: {  	[tilespmem:s16], [sflag:$0x2] =	stream.indirect.gather [hbm4b:s4+s13], $0x10, s19, s13, $0xb8;
	[tilespmem:$0x9340] =	vst v63  }
0x37: {  	s26 =	simm.s32 $0xD0  }
0x38: {  	[tilespmem:s18], [sflag:$0x3] =	stream.indirect.gather [hbm4b:s4+s13], $0x10, s26, s13, $0xb8;
	[tilespmem:$0x9340] =	vst v63  }
0x39: {  	s19 =	simm.s32 $0x138  }
0x3a: {  	[tilespmem:s20], [sflag:$0x4] =	stream.indirect.gather [hbm4b:s4+s13], $0x10, s19, s13, $0xb8;
	[tilespmem:$0x9340] =	vst v63  }
0x3b: {  	_ =	swait.ge [sflag:s21], $0x640  }
0x3c: {  	[sflag:s21] =	ssyncset.done $0x0  }
0x3d: {  	s26 =	simm.s32 $0x28A0;
	[sflag:s21] =	ssyncadd.s32 $0xFFFFF9C0  }
0x3e: {  	[spmem:s2] =	stream.indirect.scatter.add.f32 [tilespmem:s14], [sflag:$0x5], $0x10, s26, s13, $0xb8;
	[tilespmem:$0x9340] =	vst v63  }
0x3f: {  	_ =	swait.ge [sflag:s10], $0x640  }
0x40: {  	[sflag:s10] =	ssyncset.done $0x0  }
0x41: {  	s19 =	simm.s32 $0x1A0;
	[sflag:s10] =	ssyncadd.s32 $0xFFFFF9C0  }
0x42: {  	[tilespmem:s14], [sflag:$0x1] =	stream.indirect.gather [hbm4b:s4+s13], $0x10, s19, s13, $0xb8;
	[tilespmem:$0x9340] =	vst v63  }
0x43: {  	_ =	swait.ge [sflag:s22], $0x640  }
0x44: {  	[sflag:s22] =	ssyncset.done $0x0  }
0x45: {  	s26 =	simm.s32 $0x2908;
	[sflag:s22] =	ssyncadd.s32 $0xFFFFF9C0  }
0x46: {  	[spmem:s2] =	stream.indirect.scatter.add.f32 [tilespmem:s16], [sflag:$0x5], $0x10, s26, s13, $0xb8;
	[tilespmem:$0x9340] =	vst v63  }
0x47: {  	_ =	swait.ge [sflag:s10], $0x640  }
0x48: {  	[sflag:s10] =	ssyncset.done $0x0  }
0x49: {  	s19 =	simm.s32 $0x208;
	[sflag:s10] =	ssyncadd.s32 $0xFFFFF9C0  }
0x4a: {  	[tilespmem:s16], [sflag:$0x2] =	stream.indirect.gather [hbm4b:s4+s13], $0x10, s19, s13, $0xb8;
	[tilespmem:$0x9340] =	vst v63  }
0x4b: {  	_ =	swait.ge [sflag:s23], $0x640  }
0x4c: {  	[sflag:s23] =	ssyncset.done $0x0  }
0x4d: {  	s26 =	simm.s32 $0x2970;
	[sflag:s23] =	ssyncadd.s32 $0xFFFFF9C0  }
0x4e: {  	[spmem:s2] =	stream.indirect.scatter.add.f32 [tilespmem:s18], [sflag:$0x5], $0x10, s26, s13, $0xb8;
	[tilespmem:$0x9340] =	vst v63  }
0x4f: {  	_ =	swait.ge [sflag:s10], $0x640  }
0x50: {  	[sflag:s10] =	ssyncset.done $0x0  }
0x51: {  	s19 =	simm.s32 $0x270;
	[sflag:s10] =	ssyncadd.s32 $0xFFFFF9C0  }
0x52: {  	[tilespmem:s18], [sflag:$0x3] =	stream.indirect.gather [hbm4b:s4+s13], $0x10, s19, s13, $0xb8;
	[tilespmem:$0x9340] =	vst v63  }
0x53: {  	_ =	swait.ge [sflag:s24], $0x640  }
0x54: {  	[sflag:s24] =	ssyncset.done $0x0  }
0x55: {  	s26 =	simm.s32 $0x29D8;
	[sflag:s24] =	ssyncadd.s32 $0xFFFFF9C0  }
0x56: {  	[spmem:s2] =	stream.indirect.scatter.add.f32 [tilespmem:s20], [sflag:$0x5], $0x10, s26, s13, $0xb8;
	[tilespmem:$0x9340] =	vst v63  }
0x57: {  	_ =	swait.ge [sflag:s10], $0x640  }
0x58: {  	[sflag:s10] =	ssyncset.done $0x0  }
0x59: {  	s17 =	simm.s32 $0x680;
	s19 =	simm.s32 $0x2D8;
	[sflag:s10] =	ssyncadd.s32 $0xFFFFF9C0  }
.LBB2_4:
0x5a: {  	[tilespmem:s20], [sflag:$0x4] =	stream.indirect.gather [hbm4b:s4+s13], $0x10, s19, s13, $0xb8;
	[tilespmem:$0x9340] =	vst v63  }
0x5b: {  	s19 =	smov.u32 s17;
	s17 =	sadd.s32 $0x680, s17;
	_ =	swait.ge [sflag:s21], $0x640  }
0x5c: {  	s19 =	sshra.s32 s19, $0x2;
	p0 =	sne.s32 s17, $0x9580;
	[sflag:s21] =	ssyncset.done $0x0  }
0x5d: {  	s26 =	sadd.s32 $0x28A0, s19;
	[sflag:s21] =	ssyncadd.s32 $0xFFFFF9C0  }
0x5e: {  	[spmem:s2] =	stream.indirect.scatter.add.f32 [tilespmem:s14], [sflag:$0x5], $0x10, s26, s13, $0xb8;
	[tilespmem:$0x9340] =	vst v63  }
0x5f: {  	_ =	swait.ge [sflag:s10], $0x640  }
0x60: {  	[sflag:s10] =	ssyncset.done $0x0  }
0x61: {  	s26 =	sadd.s32 $0x1A0, s19;
	[sflag:s10] =	ssyncadd.s32 $0xFFFFF9C0  }
0x62: {  	[tilespmem:s14], [sflag:$0x1] =	stream.indirect.gather [hbm4b:s4+s13], $0x10, s26, s13, $0xb8;
	[tilespmem:$0x9340] =	vst v63  }
0x63: {  	_ =	swait.ge [sflag:s22], $0x640  }
0x64: {  	[sflag:s22] =	ssyncset.done $0x0  }
0x65: {  	s26 =	sadd.s32 $0x2908, s19;
	[sflag:s22] =	ssyncadd.s32 $0xFFFFF9C0  }
0x66: {  	[spmem:s2] =	stream.indirect.scatter.add.f32 [tilespmem:s16], [sflag:$0x5], $0x10, s26, s13, $0xb8;
	[tilespmem:$0x9340] =	vst v63  }
0x67: {  	_ =	swait.ge [sflag:s10], $0x640  }
0x68: {  	[sflag:s10] =	ssyncset.done $0x0  }
0x69: {  	s26 =	sadd.s32 $0x208, s19;
	[sflag:s10] =	ssyncadd.s32 $0xFFFFF9C0  }
0x6a: {  	[tilespmem:s16], [sflag:$0x2] =	stream.indirect.gather [hbm4b:s4+s13], $0x10, s26, s13, $0xb8;
	[tilespmem:$0x9340] =	vst v63  }
0x6b: {  	_ =	swait.ge [sflag:s23], $0x640  }
0x6c: {  	[sflag:s23] =	ssyncset.done $0x0  }
0x6d: {  	s26 =	sadd.s32 $0x2970, s19;
	[sflag:s23] =	ssyncadd.s32 $0xFFFFF9C0  }
0x6e: {  	[spmem:s2] =	stream.indirect.scatter.add.f32 [tilespmem:s18], [sflag:$0x5], $0x10, s26, s13, $0xb8;
	[tilespmem:$0x9340] =	vst v63  }
0x6f: {  	_ =	swait.ge [sflag:s10], $0x640  }
0x70: {  	[sflag:s10] =	ssyncset.done $0x0  }
0x71: {  	s26 =	sadd.s32 $0x270, s19;
	[sflag:s10] =	ssyncadd.s32 $0xFFFFF9C0  }
0x72: {  	[tilespmem:s18], [sflag:$0x3] =	stream.indirect.gather [hbm4b:s4+s13], $0x10, s26, s13, $0xb8;
	[tilespmem:$0x9340] =	vst v63  }
0x73: {  	_ =	swait.ge [sflag:s24], $0x640  }
0x74: {  	[sflag:s24] =	ssyncset.done $0x0  }
.Ltmp1:
0x75: {  	s26 =	sadd.s32 $0x29D8, s19;
	[sflag:s24] =	ssyncadd.s32 $0xFFFFF9C0;
	(pc) =	sbr.rel @p0 .LBB2_4-.Ltmp1, $4  }
0x76: {  	[spmem:s2] =	stream.indirect.scatter.add.f32 [tilespmem:s20], [sflag:$0x5], $0x10, s26, s13, $0xb8;
	[tilespmem:$0x9340] =	vst v63  }
0x77: {  	_ =	swait.ge [sflag:s10], $0x640  }
0x78: {  	[sflag:s10] =	ssyncset.done $0x0  }
0x79: {  	s19 =	sadd.s32 $0x2D8, s19;
	[sflag:s10] =	ssyncadd.s32 $0xFFFFF9C0  }
0x7a: {  	[tilespmem:s20], [sflag:$0x4] =	stream.indirect.gather [hbm4b:s4+s13], $0x10, s19, s13, $0xb8;
	[tilespmem:$0x9340] =	vst v63  }
0x7b: {  	_ =	swait.ge [sflag:s21], $0x640  }
0x7c: {  	s17 =	sshra.s32 s17, $0x2;
	[sflag:s21] =	ssyncset.done $0x0  }
0x7d: {  	s26 =	sadd.s32 $0x28A0, s17;
	[sflag:s21] =	ssyncadd.s32 $0xFFFFF9C0  }
0x7e: {  	[spmem:s2] =	stream.indirect.scatter.add.f32 [tilespmem:s14], [sflag:$0x5], $0x10, s26, s13, $0xb8;
	[tilespmem:$0x9340] =	vst v63  }
0x7f: {  	_ =	swait.ge [sflag:s10], $0x640  }
0x80: {  	[sflag:s10] =	ssyncset.done $0x0  }
0x81: {  	s26 =	simm.s32 $0x2700;
	[sflag:s10] =	ssyncadd.s32 $0xFFFFF9C0  }
0x82: {  	[tilespmem:s14], [sflag:$0x1] =	stream.indirect.gather [hbm4b:s4+s13], $0x10, s26, s13, $0xb8;
	[tilespmem:$0x9340] =	vst v63  }
0x83: {  	_ =	swait.ge [sflag:s22], $0x640  }
0x84: {  	[sflag:s22] =	ssyncset.done $0x0  }
0x85: {  	s26 =	sadd.s32 $0x2908, s17;
	[sflag:s22] =	ssyncadd.s32 $0xFFFFF9C0  }
0x86: {  	[spmem:s2] =	stream.indirect.scatter.add.f32 [tilespmem:s16], [sflag:$0x5], $0x10, s26, s13, $0xb8;
	[tilespmem:$0x9340] =	vst v63  }
0x87: {  	_ =	swait.ge [sflag:s10], $0x640  }
0x88: {  	[sflag:s10] =	ssyncset.done $0x0  }
0x89: {  	[sflag:s10] =	ssyncadd.s32 $0xFFFFF9C0  }
0x8a: {  	[tilespmem:s16], [sflag:$0x2] =	stream.indirect.gather [hbm4b:s4+s13], $0x10, s28, s13, $0xb8;
	[tilespmem:$0x9340] =	vst v63  }
0x8b: {  	_ =	swait.ge [sflag:s23], $0x640  }
0x8c: {  	[sflag:s23] =	ssyncset.done $0x0  }
0x8d: {  	s26 =	sadd.s32 $0x2970, s17;
	[sflag:s23] =	ssyncadd.s32 $0xFFFFF9C0  }
0x8e: {  	[spmem:s2] =	stream.indirect.scatter.add.f32 [tilespmem:s18], [sflag:$0x5], $0x10, s26, s13, $0xb8;
	[tilespmem:$0x9340] =	vst v63  }
0x8f: {  	_ =	swait.ge [sflag:s10], $0x640  }
0x90: {  	[sflag:s10] =	ssyncset.done $0x0  }
0x91: {  	[sflag:s10] =	ssyncadd.s32 $0xFFFFF9C0  }
0x92: {  	[tilespmem:s18], [sflag:$0x3] =	stream.indirect.gather [hbm4b:s4+s13], $0x10, s29, s13, $0xb8;
	[tilespmem:$0x9340] =	vst v63  }
0x93: {  	_ =	swait.ge [sflag:s24], $0x640  }
0x94: {  	[sflag:s24] =	ssyncset.done $0x0  }
0x95: {  	s17 =	sadd.s32 $0x29D8, s17;
	[sflag:s24] =	ssyncadd.s32 $0xFFFFF9C0  }
0x96: {  	[spmem:s2] =	stream.indirect.scatter.add.f32 [tilespmem:s20], [sflag:$0x5], $0x10, s17, s13, $0xb8;
	[tilespmem:$0x9340] =	vst v63  }
0x97: {  	_ =	swait.ge [sflag:s10], $0x640  }
0x98: {  	[sflag:s10] =	ssyncset.done $0x0  }
0x99: {  	[sflag:s10] =	ssyncadd.s32 $0xFFFFF9C0  }
0x9a: {  	[tilespmem:s20], [sflag:$0x4] =	stream.indirect.gather [hbm4b:s4+s13], $0x10, s30, s13, $0xb8;
	[tilespmem:$0x9340] =	vst v63  }
0x9b: {  	_ =	swait.ge [sflag:s21], $0x640  }
0x9c: {  	[sflag:s21] =	ssyncset.done $0x0  }
0x9d: {  	[sflag:s21] =	ssyncadd.s32 $0xFFFFF9C0  }
0x9e: {  	[spmem:s2] =	stream.indirect.scatter.add.f32 [tilespmem:s14], [sflag:$0x5], $0x10, s31, s13, $0xb8;
	[tilespmem:$0x9340] =	vst v63  }
0x9f: {  	_ =	swait.ge [sflag:s10], $0x640  }
0xa0: {  	[sflag:s10] =	ssyncset.done $0x0  }
0xa1: {  	[sflag:s10] =	ssyncadd.s32 $0xFFFFF9C0  }
0xa2: {  	[tilespmem:s14], [sflag:$0x1] =	stream.indirect.gather [hbm4b:s4+s13], $0x10, s30, s13, $0xb8;
	[tilespmem:$0x9340] =	vst v63  }
0xa3: {  	_ =	swait.ge [sflag:s22], $0x640  }
0xa4: {  	[sflag:s22] =	ssyncset.done $0x0  }
0xa5: {  	[sflag:s22] =	ssyncadd.s32 $0xFFFFF9C0  }
0xa6: {  	[spmem:s2] =	stream.indirect.scatter.add.f32 [tilespmem:s16], [sflag:$0x5], $0x10, s1, s13, $0xb8;
	[tilespmem:$0x9340] =	vst v63  }
0xa7: {  	_ =	swait.ge [sflag:s10], $0x640  }
0xa8: {  	[sflag:s10] =	ssyncset.done $0x0  }
0xa9: {  	[sflag:s10] =	ssyncadd.s32 $0xFFFFF9C0  }
0xaa: {  	[tilespmem:s16], [sflag:$0x2] =	stream.indirect.gather [hbm4b:s4+s13], $0x10, s30, s13, $0xb8;
	[tilespmem:$0x9340] =	vst v63  }
0xab: {  	_ =	swait.ge [sflag:s23], $0x640  }
0xac: {  	[sflag:s23] =	ssyncset.done $0x0  }
0xad: {  	[sflag:s23] =	ssyncadd.s32 $0xFFFFF9C0  }
0xae: {  	[spmem:s2] =	stream.indirect.scatter.add.f32 [tilespmem:s18], [sflag:$0x5], $0x10, s11, s13, $0xb8;
	[tilespmem:$0x9340] =	vst v63  }
0xaf: {  	_ =	swait.ge [sflag:s10], $0x640  }
0xb0: {  	[sflag:s10] =	ssyncset.done $0x0  }
0xb1: {  	[sflag:s10] =	ssyncadd.s32 $0xFFFFF9C0  }
0xb2: {  	[tilespmem:s18], [sflag:$0x3] =	stream.indirect.gather [hbm4b:s4+s13], $0x10, s30, s13, $0xb8;
	[tilespmem:$0x9340] =	vst v63  }
0xb3: {  	_ =	swait.ge [sflag:s24], $0x640  }
0xb4: {  	[sflag:s24] =	ssyncset.done $0x0  }
0xb5: {  	[sflag:s24] =	ssyncadd.s32 $0xFFFFF9C0  }
0xb6: {  	[spmem:s2] =	stream.indirect.scatter.add.f32 [tilespmem:s20], [sflag:$0x5], $0x10, s0, s13, $0xb8;
	[tilespmem:$0x9340] =	vst v63  }
0xb7: {  	_ =	swait.ge [sflag:s10], $0x640  }
0xb8: {  	[sflag:s10] =	ssyncset.done $0x0  }
0xb9: {  	[sflag:s10] =	ssyncadd.s32 $0xFFFFF9C0  }
0xba: {  	[tilespmem:s20], [sflag:$0x4] =	stream.indirect.gather [hbm4b:s4+s13], $0x10, s30, s13, $0xb8;
	[tilespmem:$0x9340] =	vst v63  }
0xbb: {  	_ =	swait.ge [sflag:s21], $0x640  }
0xbc: {  	[sflag:s21] =	ssyncset.done $0x0  }
0xbd: {  	[sflag:s21] =	ssyncadd.s32 $0xFFFFF9C0  }
0xbe: {  	_ =	swait.ge [sflag:s22], $0x640  }
0xbf: {  	[sflag:s22] =	ssyncset.done $0x0  }
0xc0: {  	[sflag:s22] =	ssyncadd.s32 $0xFFFFF9C0  }
0xc1: {  	_ =	swait.ge [sflag:s23], $0x640  }
0xc2: {  	[sflag:s23] =	ssyncset.done $0x0  }
0xc3: {  	[sflag:s23] =	ssyncadd.s32 $0xFFFFF9C0  }
0xc4: {  	_ =	swait.ge [sflag:s24], $0x640  }
0xc5: {  	s15 =	sadd.s32 $0x1, s15;
	s26 =	stileid.u32;
	[sflag:s24] =	ssyncset.done $0x0  }
0xc6: {  	p0 =	sne.s32 s15, s9;
	s17 =	sshll.u32 s26, $0x6;
	[sflag:s24] =	ssyncadd.s32 $0xFFFFF9C0  }
.Ltmp2:
0xc7: {  	s17 =	sor.u32 $0x1C05, s17;
	[bflag:$0x0] =	sbarrier.arrive $0xFFFF;
	(pc) =	sbr.rel @p0 .LBB2_1-.Ltmp2, $4  }
0xc8: {  	[hbm:s8], [sflag:s17] =	dma.local [spmem:s25], $0x500  }
0xc9: {  	_ =	swait.ge [sflag:s10], $0x500  }
0xca: {  	[sflag:s10] =	ssyncset.done $0x0  }
0xcb: {  	[sflag:s10] =	ssyncadd.s32 $0xFFFFFB00  }
0xcc: {  	_ =	sfence.sel $0x180000  }
0xcd: {  	[bflag:$0x0] =	sbarrier.arrive $0xFFFF  }
0xce: {  	_ =	strace $0x90000053  }
0xcf: {  	s0 =	stileid.u32;
	[bflag:$0x2] =	sbarrier.arrive $0xFFFF  }
0xd0: {  	p0 =	sne.s32 s0, $0x0;
	s0 =	rddreg [dreg:$0x2]  }
0xd1: {  	s0 =	sadd.s32 @!p0 $0x100000, s0  }
0xd2: {  	[sflag:s0] =	ssyncadd.tile.s32 @!p0 $0x1;
	_ =	shalt  }
.Lfunc_end2:
_tile_overlayer_lowered:
.L_overlay_start_2:
0xd3: {  	(tag) =	ssettag $0x2  }
0xd4: {  	s0 =	rddreg [dreg:$0x0];
	s2 =	stileid.u32  }
0xd5: {  	s1 =	rddreg [dreg:$0x1];
	p0 =	sne.s32 s2, $0x0  }
0xd6: {  	s3 =	rddreg [dreg:$0x2];
	[bflag:$0x3] =	sbarrier.arrive $0xFFFF;
	s2 =	simm.s32 @!p0 $0x1C05  }
0xd7: {  	[timem:s3], [sflag:s2] =	dma.local @!p0 [hbm:s0], s1  }
0xd8: {  	s0 =	simm.s32 @!p0 $0x5  }
0xd9: {  	_ =	swait.ge @!p0 [sflag:s0], s1  }
0xda: {  	s1 =	ssub.s32 @!p0 $0x0, s1;
	[sflag:s0] =	ssyncset.done @!p0 $0x0  }
0xdb: {  	[sflag:s0] =	ssyncadd.s32 @!p0 s1  }
0xdc: {  	[bflag:$0x3] =	sbarrier.arrive $0xFFFF  }
0xdd: {  	_ =	shalt  }

</sc_bundles>
